<compile_context>
chip_gen: v7x
topology: tpu7x:2x2x1
jax: 0.10.2.dev20260603
libtpu: 0.0.44.dev20260713+nightly
codegen_flags: <defaults>
</compile_context>

<pallas_src>
import jax
import jax.numpy as jnp
from jax import lax
from jax.experimental import pallas as pl
from jax.experimental.pallas import tpu as pltpu
from jax.experimental.pallas import tpu_sc as plsc

N = 10000
D = 128
EPS = 1e-5

NC = 2
NS = 16
L = 16
NW = NC * NS
K = 128
CW = 8

NPAD = 10240
ROWS_PER_TILE = NPAD // NS
TRASH = N + 64


def _fill(ref, value):
  @pl.loop(0, K)
  def _(i):
    for j in range(D // L):
      ref[i, pl.ds(j * L, L)] = jnp.full((L,), value, jnp.float32)


def _make_sc_agg(n_chunks):
  mesh = plsc.VectorSubcoreMesh(core_axis_name="c", subcore_axis_name="s")

  def body(h_hbm, src_hbm, dst_hbm, agg_out,
           sidx_v, dst_v, rows_v, agg_sh, sem_g, sem_i):
    cid = lax.axis_index("c")
    sid = lax.axis_index("s")
    w = cid * NS + sid
    base = sid * ROWS_PER_TILE

    _fill(rows_v.at[0], 0.0)
    for b in range(ROWS_PER_TILE // K):
      pltpu.async_copy(rows_v.at[0], agg_sh.at[pl.ds(base + b * K, K)], sem_g)
    pltpu.sync_copy(dst_hbm.at[w], dst_v)
    for b in range(ROWS_PER_TILE // K):
      pltpu.make_async_copy(rows_v.at[0], agg_sh.at[pl.ds(base + b * K, K)],
                            sem_g).wait()
    plsc.subcore_barrier()
    pltpu.sync_copy(src_hbm.at[w, 0], sidx_v.at[0])
    pltpu.async_copy(h_hbm.at[sidx_v.at[0]], rows_v.at[0], sem_g)
    pltpu.async_copy(src_hbm.at[w, 1], sidx_v.at[1], sem_i)

    @pl.loop(0, n_chunks)
    def _(j):
      cur = lax.rem(j, 2)
      nxt = lax.rem(j + 1, 2)
      pltpu.make_async_copy(h_hbm.at[sidx_v.at[cur]], rows_v.at[cur],
                            sem_g).wait()

      @pl.when(j + 1 < n_chunks)
      def _():
        pltpu.make_async_copy(src_hbm.at[w, 0], sidx_v.at[nxt],
                              sem_i).wait()
        pltpu.async_copy(h_hbm.at[sidx_v.at[nxt]], rows_v.at[nxt], sem_g)

        @pl.when(j + 2 < n_chunks)
        def _():
          pltpu.async_copy(src_hbm.at[w, j + 2], sidx_v.at[cur], sem_i)

      pltpu.sync_copy(rows_v.at[cur], agg_sh.at[dst_v.at[j]], add=True)

    plsc.subcore_barrier()
    pltpu.sync_copy(agg_sh.at[pl.ds(base, ROWS_PER_TILE)],
                    agg_out.at[cid, pl.ds(base, ROWS_PER_TILE)])

  return pl.kernel(
      body,
      out_type=jax.ShapeDtypeStruct((NC, NPAD, D), jnp.float32),
      mesh=mesh,
      scratch_types=[
          pltpu.VMEM((2, K), jnp.int32),
          pltpu.VMEM((n_chunks, K), jnp.int32),
          pltpu.VMEM((2, K, D), jnp.float32),
          pltpu.VMEM_SHARED((NPAD, D), jnp.float32),
          pltpu.SemaphoreType.DMA,
          pltpu.SemaphoreType.DMA,
      ],
  )


def _make_sc_count(n_chunks):
  mesh = plsc.VectorSubcoreMesh(core_axis_name="c", subcore_axis_name="s")

  def body(dst_hbm, cnt_out, dst_v, buf_v, cnt_sh):
    cid = lax.axis_index("c")
    sid = lax.axis_index("s")
    w = cid * NS + sid
    base = sid * ROWS_PER_TILE

    _fill(buf_v, 0.0)
    for b in range(ROWS_PER_TILE // K):
      pltpu.sync_copy(buf_v, cnt_sh.at[pl.ds(base + b * K, K)])
    plsc.subcore_barrier()

    _fill(buf_v, 1.0)
    pltpu.sync_copy(dst_hbm.at[w], dst_v)

    @pl.loop(0, n_chunks)
    def _(j):
      pltpu.sync_copy(buf_v, cnt_sh.at[dst_v.at[j]], add=True)

    plsc.subcore_barrier()
    pltpu.sync_copy(cnt_sh.at[pl.ds(base, ROWS_PER_TILE)],
                    cnt_out.at[cid, pl.ds(base, ROWS_PER_TILE)])

  return pl.kernel(
      body,
      out_type=jax.ShapeDtypeStruct((NC, NPAD, D), jnp.float32),
      mesh=mesh,
      scratch_types=[
          pltpu.VMEM((n_chunks, K), jnp.int32),
          pltpu.VMEM((K, D), jnp.float32),
          pltpu.VMEM_SHARED((NPAD, D), jnp.float32),
      ],
  )


_B = 1024


def _tc_layer_body(a0, a1, c0, c1, h, wl, bl, wr, g, be, out):
  cnt = c0[...][:, 0:1] + c1[...][:, 0:1]
  inv = 1.0 / jnp.maximum(cnt, 1.0)
  mean = (a0[...] + a1[...]) * inv
  z = (jnp.dot(mean, wl[...], preferred_element_type=jnp.float32) + bl[...]
       + jnp.dot(h[...], wr[...], preferred_element_type=jnp.float32))
  scale = g[...] * lax.rsqrt(jnp.float32(1.0 + EPS))
  z = z * scale + be[...]
  out[...] = jnp.maximum(z, 0.0) + h[...]


def _tc_final_body(a0, a1, c0, c1, h, wl, bl, wr, out):
  cnt = c0[...][:, 0:1] + c1[...][:, 0:1]
  inv = 1.0 / jnp.maximum(cnt, 1.0)
  mean = (a0[...] + a1[...]) * inv
  out[...] = (jnp.dot(mean, wl[...], preferred_element_type=jnp.float32)
              + bl[...]
              + jnp.dot(h[...], wr[...], preferred_element_type=jnp.float32))


def _row_spec():
  return pl.BlockSpec((_B, D), lambda i: (i, 0))


def _cnt_spec():
  return pl.BlockSpec((_B, CW), lambda i: (i, 0))


def _full_spec():
  return pl.BlockSpec((D, D), lambda i: (0, 0))


def _vec_spec():
  return pl.BlockSpec((1, D), lambda i: (0, 0))


def _make_tc_layer():
  return pl.pallas_call(
      _tc_layer_body,
      grid=(NPAD // _B,),
      in_specs=[_row_spec(), _row_spec(), _cnt_spec(), _cnt_spec(), _row_spec(),
                _full_spec(), _vec_spec(), _full_spec(), _vec_spec(), _vec_spec()],
      out_specs=_row_spec(),
      out_shape=jax.ShapeDtypeStruct((NPAD, D), jnp.float32),
  )


def _make_tc_final():
  return pl.pallas_call(
      _tc_final_body,
      grid=(NPAD // _B,),
      in_specs=[_row_spec(), _row_spec(), _cnt_spec(), _cnt_spec(), _row_spec(),
                _full_spec(), _vec_spec(), _full_spec()],
      out_specs=_row_spec(),
      out_shape=jax.ShapeDtypeStruct((NPAD, D), jnp.float32),
  )


def kernel(x, edge_index, Wl0, bl0, Wr0, Wl1, bl1, Wr1, Wl2, bl2, Wr2,
           g0, be0, g1, be1):
  e = edge_index.shape[1]
  n_chunks = -(-e // (NW * K))
  e_pad = NW * n_chunks * K
  src = jnp.concatenate(
      [edge_index[0], jnp.zeros((e_pad - e,), jnp.int32)]).reshape(NW, n_chunks, K)
  trash = TRASH + jnp.arange(e_pad - e, dtype=jnp.int32) % (NPAD - TRASH)
  dst = jnp.concatenate([edge_index[1], trash]).reshape(NW, n_chunks, K)
  xp = jnp.concatenate([x, jnp.zeros((NPAD - N, D), x.dtype)], axis=0)

  sc_agg = _make_sc_agg(n_chunks)
  sc_count = _make_sc_count(n_chunks)
  tc_layer = _make_tc_layer()
  tc_final = _make_tc_final()

  bl0r, g0r, be0r = bl0.reshape(1, D), g0.reshape(1, D), be0.reshape(1, D)
  bl1r, g1r, be1r = bl1.reshape(1, D), g1.reshape(1, D), be1.reshape(1, D)
  wl2p = jnp.pad(Wl2, ((0, 0), (0, D - Wl2.shape[1])))
  wr2p = jnp.pad(Wr2, ((0, 0), (0, D - Wr2.shape[1])))
  bl2p = jnp.pad(bl2, (0, D - bl2.shape[0])).reshape(1, D)

  cntw = sc_count(dst)
  cnt = cntw[:, :, :CW]
  agg = sc_agg(xp, src, dst)
  h1 = tc_layer(agg[0], agg[1], cnt[0], cnt[1], xp, Wl0, bl0r, Wr0, g0r, be0r)
  agg1 = sc_agg(h1, src, dst)
  h2 = tc_layer(agg1[0], agg1[1], cnt[0], cnt[1], h1, Wl1, bl1r, Wr1, g1r, be1r)
  agg2 = sc_agg(h2, src, dst)
  outp = tc_final(agg2[0], agg2[1], cnt[0], cnt[1], h2, wl2p, bl2p, wr2p)
  return outp[:N, :2]

# --- scband reference (transcript-rebuilt; emitter-appended) ---
"""Pipeline reference for scband-sageres-bnnet-71313636983150 (READ-ONLY COPY).

The authoritative reference and input builder live on the scoring server;
editing this copy changes nothing except your own understanding.
"""

import jax, jax.numpy as jnp
import numpy as np

N = 10000
E = 320000
D = 128
H = 128
C = 2
EPS = 1e-5


def _lin_init(key, fan_in, fan_out):
    bound = 1.0 / np.sqrt(fan_in)
    return jax.random.uniform(key, (fan_in, fan_out), minval=-bound, maxval=bound, dtype=jnp.float32)


def _bias_init(key, fan_in, fan_out):
    bound = 1.0 / np.sqrt(fan_in)
    return jax.random.uniform(key, (fan_out,), minval=-bound, maxval=bound, dtype=jnp.float32)


def setup_inputs(seed: int = 0) -> dict:
    key = jax.random.key(seed)
    ks = jax.random.split(key, 20)
    x = jax.random.normal(ks[0], (N, D), dtype=jnp.float32)
    edge_index = jax.random.randint(ks[1], (2, E), 0, N, dtype=jnp.int32)
    inp = {"x": x, "edge_index": edge_index}
    # SAGEConv 0: in D -> H (lin_l has bias, lin_r no bias)
    inp["Wl0"] = _lin_init(ks[2], D, H)
    inp["bl0"] = _bias_init(ks[3], D, H)
    inp["Wr0"] = _lin_init(ks[4], D, H)
    # SAGEConv 1: H -> H
    inp["Wl1"] = _lin_init(ks[5], H, H)
    inp["bl1"] = _bias_init(ks[6], H, H)
    inp["Wr1"] = _lin_init(ks[7], H, H)
    # SAGEConv 2: H -> C
    inp["Wl2"] = _lin_init(ks[8], H, C)
    inp["bl2"] = _bias_init(ks[9], H, C)
    inp["Wr2"] = _lin_init(ks[10], H, C)
    # BatchNorm params (eval mode: running_mean=0, running_var=1)
    inp["g0"] = jnp.ones((H,), dtype=jnp.float32)
    inp["be0"] = jnp.zeros((H,), dtype=jnp.float32)
    inp["g1"] = jnp.ones((H,), dtype=jnp.float32)
    inp["be1"] = jnp.zeros((H,), dtype=jnp.float32)
    return inp


def _sage_conv(x, src, dst, Wl, bl, Wr):
    # PyG SAGEConv (aggr='mean', root_weight=True): lin_l(mean_{j in N(i)} x_j) + lin_r(x_i)
    msg = jnp.take(x, src, axis=0)
    agg = jax.ops.segment_sum(msg, dst, num_segments=N)
    cnt = jax.ops.segment_sum(jnp.ones((src.shape[0],), dtype=x.dtype), dst, num_segments=N)
    mean = agg / jnp.maximum(cnt, 1.0)[:, None]
    return mean @ Wl + bl + x @ Wr


def _bn_eval(h, gamma, beta):
    # running_mean = 0, running_var = 1
    return h * (gamma / jnp.sqrt(1.0 + EPS)) + beta


def reference(x, edge_index, Wl0, bl0, Wr0, Wl1, bl1, Wr1, Wl2, bl2, Wr2, g0, be0, g1, be1):
    src = edge_index[0]
    dst = edge_index[1]
    h = x
    # layer 0
    h_in = h
    h = _sage_conv(h, src, dst, Wl0, bl0, Wr0)
    h = _bn_eval(h, g0, be0)
    h = jax.nn.relu(h)
    # dropout is identity in eval mode
    h = h + h_in  # res_proj is Identity (in_dim == hidden_dim)
    # layer 1
    h_in = h
    h = _sage_conv(h, src, dst, Wl1, bl1, Wr1)
    h = _bn_eval(h, g1, be1)
    h = jax.nn.relu(h)
    h = h + h_in
    # output layer
    out = _sage_conv(h, src, dst, Wl2, bl2, Wr2)
    return out

if __name__ == "__main__":
    import jax
    _d = setup_inputs()
    print(jax.jit(kernel)(*tuple(_d.values())))

</pallas_src>

<mosaic_0001>
#map = affine_map<(d0, d1) -> (0, 0)>
#map1 = affine_map<(d0, d1) -> (0, 0, 0)>
module attributes {stable_mosaic.version = 14 : i64} {
  func.func @body(%arg0: i32, %arg1: i32, %arg2: memref<10240x128xf32, #tpu.memory_space<hbm>>, %arg3: memref<32x79x128xi32, #tpu.memory_space<hbm>>, %arg4: memref<32x79x128xi32, #tpu.memory_space<hbm>>, %arg5: memref<2x10240x128xf32, #tpu.memory_space<hbm>>, %arg6: memref<2x128xi32, #tpu.memory_space<vmem>>, %arg7: memref<79x128xi32, #tpu.memory_space<vmem>>, %arg8: memref<2x128x128xf32, #tpu.memory_space<vmem>>, %arg9: memref<10240x128xf32, #tpu.memory_space<vmem_shared>>, %arg10: memref<!tpu.dma_semaphore, #tpu.memory_space<semaphore_mem>>, %arg11: memref<!tpu.dma_semaphore, #tpu.memory_space<semaphore_mem>>) attributes {dimension_semantics = [#tpu.dimension_semantics<core_parallel>, #tpu.dimension_semantics<subcore_parallel>], iteration_bounds = array<i64: 2, 16>, scalar_prefetch = 0 : i64, scratch_operands = 6 : i64, tpu.core_type = #tpu.core_type<sc_vector_subcore>, window_params = [{transform_indices = #map}, {transform_indices = #map1}, {transform_indices = #map1}, {transform_indices = #map1}]} {
    %mul3A = arith.constant 16 : i32
    %mul3A_0 = arith.muli %arg0, %mul3A : i32
    %add3A = arith.addi %mul3A_0, %arg1 : i32
    %mul3A_1 = arith.constant 640 : i32
    %mul3A_2 = arith.muli %arg1, %mul3A_1 : i32
    %scan3A = arith.constant 0 : i32
    %scan3A_3 = arith.constant 0 : i32
    %scan3A_4 = arith.constant 128 : i32
    %scan3A_5 = arith.addi %scan3A_3, %scan3A_4 : i32
    %scan3A_6 = arith.constant 1 : i32
    scf.for %scan3A_189 = %scan3A_3 to %scan3A_5 step %scan3A_6  : i32 {
      %mul3A_190 = arith.constant 1 : i32
      %mul3A_191 = arith.muli %scan3A_189, %mul3A_190 : i32
      %add3A_192 = arith.constant 0 : i32
      %add3A_193 = arith.addi %add3A_192, %mul3A_191 : i32
      %broadcast_in_dim3A = arith.constant 0.000000e+00 : f32
      %broadcast_in_dim3A_194 = vector.broadcast %broadcast_in_dim3A : f32 to vector<16xf32>
      %swap3A = arith.constant 0 : i32
      %swap3A_195 = arith.constant 0 : i32
      %swap3A_196 = tpu.memref_slice %arg8[%scan3A, %swap3A, %swap3A_195] : memref<2x128x128xf32, #tpu.memory_space<vmem>> -> memref<1x128x128xf32, #tpu.memory_space<vmem>>
      %swap3A_197 = tpu.memref_squeeze %swap3A_196 : memref<1x128x128xf32, #tpu.memory_space<vmem>> -> memref<128x128xf32, #tpu.memory_space<vmem>>
      %swap3A_198 = arith.index_cast %add3A_193 : i32 to index
      %swap3A_199 = arith.constant 0 : index
      %swap3A_200 = tpu.vector_load %swap3A_197[%swap3A_198, %swap3A_199] {strides = array<i32>} : memref<128x128xf32, #tpu.memory_space<vmem>>, vector<1x16xf32>,
      %swap3A_201 = vector.shape_cast %swap3A_200 : vector<1x16xf32> to vector<16xf32>
      %swap3A_202 = vector.shape_cast %broadcast_in_dim3A_194 : vector<16xf32> to vector<1x16xf32>
      tpu.vector_store %swap3A_197[%swap3A_198, %swap3A_199], %swap3A_202 {strides = array<i32>} : memref<128x128xf32, #tpu.memory_space<vmem>>, vector<1x16xf32>,
      %broadcast_in_dim3A_203 = arith.constant 0.000000e+00 : f32
      %broadcast_in_dim3A_204 = vector.broadcast %broadcast_in_dim3A_203 : f32 to vector<16xf32>
      %swap3A_205 = arith.constant 0 : i32
      %swap3A_206 = arith.constant 0 : i32
      %swap3A_207 = tpu.memref_slice %arg8[%scan3A, %swap3A_205, %swap3A_206] : memref<2x128x128xf32, #tpu.memory_space<vmem>> -> memref<1x128x128xf32, #tpu.memory_space<vmem>>
      %swap3A_208 = tpu.memref_squeeze %swap3A_207 : memref<1x128x128xf32, #tpu.memory_space<vmem>> -> memref<128x128xf32, #tpu.memory_space<vmem>>
      %swap3A_209 = arith.index_cast %add3A_193 : i32 to index
      %swap3A_210 = arith.constant 16 : index
      %swap3A_211 = tpu.vector_load %swap3A_208[%swap3A_209, %swap3A_210] {strides = array<i32>} : memref<128x128xf32, #tpu.memory_space<vmem>>, vector<1x16xf32>,
      %swap3A_212 = vector.shape_cast %swap3A_211 : vector<1x16xf32> to vector<16xf32>
      %swap3A_213 = vector.shape_cast %broadcast_in_dim3A_204 : vector<16xf32> to vector<1x16xf32>
      tpu.vector_store %swap3A_208[%swap3A_209, %swap3A_210], %swap3A_213 {strides = array<i32>} : memref<128x128xf32, #tpu.memory_space<vmem>>, vector<1x16xf32>,
      %broadcast_in_dim3A_214 = arith.constant 0.000000e+00 : f32
      %broadcast_in_dim3A_215 = vector.broadcast %broadcast_in_dim3A_214 : f32 to vector<16xf32>
      %swap3A_216 = arith.constant 0 : i32
      %swap3A_217 = arith.constant 0 : i32
      %swap3A_218 = tpu.memref_slice %arg8[%scan3A, %swap3A_216, %swap3A_217] : memref<2x128x128xf32, #tpu.memory_space<vmem>> -> memref<1x128x128xf32, #tpu.memory_space<vmem>>
      %swap3A_219 = tpu.memref_squeeze %swap3A_218 : memref<1x128x128xf32, #tpu.memory_space<vmem>> -> memref<128x128xf32, #tpu.memory_space<vmem>>
      %swap3A_220 = arith.index_cast %add3A_193 : i32 to index
      %swap3A_221 = arith.constant 32 : index
      %swap3A_222 = tpu.vector_load %swap3A_219[%swap3A_220, %swap3A_221] {strides = array<i32>} : memref<128x128xf32, #tpu.memory_space<vmem>>, vector<1x16xf32>,
      %swap3A_223 = vector.shape_cast %swap3A_222 : vector<1x16xf32> to vector<16xf32>
      %swap3A_224 = vector.shape_cast %broadcast_in_dim3A_215 : vector<16xf32> to vector<1x16xf32>
      tpu.vector_store %swap3A_219[%swap3A_220, %swap3A_221], %swap3A_224 {strides = array<i32>} : memref<128x128xf32, #tpu.memory_space<vmem>>, vector<1x16xf32>,
      %broadcast_in_dim3A_225 = arith.constant 0.000000e+00 : f32
      %broadcast_in_dim3A_226 = vector.broadcast %broadcast_in_dim3A_225 : f32 to vector<16xf32>
      %swap3A_227 = arith.constant 0 : i32
      %swap3A_228 = arith.constant 0 : i32
      %swap3A_229 = tpu.memref_slice %arg8[%scan3A, %swap3A_227, %swap3A_228] : memref<2x128x128xf32, #tpu.memory_space<vmem>> -> memref<1x128x128xf32, #tpu.memory_space<vmem>>
      %swap3A_230 = tpu.memref_squeeze %swap3A_229 : memref<1x128x128xf32, #tpu.memory_space<vmem>> -> memref<128x128xf32, #tpu.memory_space<vmem>>
      %swap3A_231 = arith.index_cast %add3A_193 : i32 to index
      %swap3A_232 = arith.constant 48 : index
      %swap3A_233 = tpu.vector_load %swap3A_230[%swap3A_231, %swap3A_232] {strides = array<i32>} : memref<128x128xf32, #tpu.memory_space<vmem>>, vector<1x16xf32>,
      %swap3A_234 = vector.shape_cast %swap3A_233 : vector<1x16xf32> to vector<16xf32>
      %swap3A_235 = vector.shape_cast %broadcast_in_dim3A_226 : vector<16xf32> to vector<1x16xf32>
      tpu.vector_store %swap3A_230[%swap3A_231, %swap3A_232], %swap3A_235 {strides = array<i32>} : memref<128x128xf32, #tpu.memory_space<vmem>>, vector<1x16xf32>,
      %broadcast_in_dim3A_236 = arith.constant 0.000000e+00 : f32
      %broadcast_in_dim3A_237 = vector.broadcast %broadcast_in_dim3A_236 : f32 to vector<16xf32>
      %swap3A_238 = arith.constant 0 : i32
      %swap3A_239 = arith.constant 0 : i32
      %swap3A_240 = tpu.memref_slice %arg8[%scan3A, %swap3A_238, %swap3A_239] : memref<2x128x128xf32, #tpu.memory_space<vmem>> -> memref<1x128x128xf32, #tpu.memory_space<vmem>>
      %swap3A_241 = tpu.memref_squeeze %swap3A_240 : memref<1x128x128xf32, #tpu.memory_space<vmem>> -> memref<128x128xf32, #tpu.memory_space<vmem>>
      %swap3A_242 = arith.index_cast %add3A_193 : i32 to index
      %swap3A_243 = arith.constant 64 : index
      %swap3A_244 = tpu.vector_load %swap3A_241[%swap3A_242, %swap3A_243] {strides = array<i32>} : memref<128x128xf32, #tpu.memory_space<vmem>>, vector<1x16xf32>,
      %swap3A_245 = vector.shape_cast %swap3A_244 : vector<1x16xf32> to vector<16xf32>
      %swap3A_246 = vector.shape_cast %broadcast_in_dim3A_237 : vector<16xf32> to vector<1x16xf32>
      tpu.vector_store %swap3A_241[%swap3A_242, %swap3A_243], %swap3A_246 {strides = array<i32>} : memref<128x128xf32, #tpu.memory_space<vmem>>, vector<1x16xf32>,
      %broadcast_in_dim3A_247 = arith.constant 0.000000e+00 : f32
      %broadcast_in_dim3A_248 = vector.broadcast %broadcast_in_dim3A_247 : f32 to vector<16xf32>
      %swap3A_249 = arith.constant 0 : i32
      %swap3A_250 = arith.constant 0 : i32
      %swap3A_251 = tpu.memref_slice %arg8[%scan3A, %swap3A_249, %swap3A_250] : memref<2x128x128xf32, #tpu.memory_space<vmem>> -> memref<1x128x128xf32, #tpu.memory_space<vmem>>
      %swap3A_252 = tpu.memref_squeeze %swap3A_251 : memref<1x128x128xf32, #tpu.memory_space<vmem>> -> memref<128x128xf32, #tpu.memory_space<vmem>>
      %swap3A_253 = arith.index_cast %add3A_193 : i32 to index
      %swap3A_254 = arith.constant 80 : index
      %swap3A_255 = tpu.vector_load %swap3A_252[%swap3A_253, %swap3A_254] {strides = array<i32>} : memref<128x128xf32, #tpu.memory_space<vmem>>, vector<1x16xf32>,
      %swap3A_256 = vector.shape_cast %swap3A_255 : vector<1x16xf32> to vector<16xf32>
      %swap3A_257 = vector.shape_cast %broadcast_in_dim3A_248 : vector<16xf32> to vector<1x16xf32>
      tpu.vector_store %swap3A_252[%swap3A_253, %swap3A_254], %swap3A_257 {strides = array<i32>} : memref<128x128xf32, #tpu.memory_space<vmem>>, vector<1x16xf32>,
      %broadcast_in_dim3A_258 = arith.constant 0.000000e+00 : f32
      %broadcast_in_dim3A_259 = vector.broadcast %broadcast_in_dim3A_258 : f32 to vector<16xf32>
      %swap3A_260 = arith.constant 0 : i32
      %swap3A_261 = arith.constant 0 : i32
      %swap3A_262 = tpu.memref_slice %arg8[%scan3A, %swap3A_260, %swap3A_261] : memref<2x128x128xf32, #tpu.memory_space<vmem>> -> memref<1x128x128xf32, #tpu.memory_space<vmem>>
      %swap3A_263 = tpu.memref_squeeze %swap3A_262 : memref<1x128x128xf32, #tpu.memory_space<vmem>> -> memref<128x128xf32, #tpu.memory_space<vmem>>
      %swap3A_264 = arith.index_cast %add3A_193 : i32 to index
      %swap3A_265 = arith.constant 96 : index
      %swap3A_266 = tpu.vector_load %swap3A_263[%swap3A_264, %swap3A_265] {strides = array<i32>} : memref<128x128xf32, #tpu.memory_space<vmem>>, vector<1x16xf32>,
      %swap3A_267 = vector.shape_cast %swap3A_266 : vector<1x16xf32> to vector<16xf32>
      %swap3A_268 = vector.shape_cast %broadcast_in_dim3A_259 : vector<16xf32> to vector<1x16xf32>
      tpu.vector_store %swap3A_263[%swap3A_264, %swap3A_265], %swap3A_268 {strides = array<i32>} : memref<128x128xf32, #tpu.memory_space<vmem>>, vector<1x16xf32>,
      %broadcast_in_dim3A_269 = arith.constant 0.000000e+00 : f32
      %broadcast_in_dim3A_270 = vector.broadcast %broadcast_in_dim3A_269 : f32 to vector<16xf32>
      %swap3A_271 = arith.constant 0 : i32
      %swap3A_272 = arith.constant 0 : i32
      %swap3A_273 = tpu.memref_slice %arg8[%scan3A, %swap3A_271, %swap3A_272] : memref<2x128x128xf32, #tpu.memory_space<vmem>> -> memref<1x128x128xf32, #tpu.memory_space<vmem>>
      %swap3A_274 = tpu.memref_squeeze %swap3A_273 : memref<1x128x128xf32, #tpu.memory_space<vmem>> -> memref<128x128xf32, #tpu.memory_space<vmem>>
      %swap3A_275 = arith.index_cast %add3A_193 : i32 to index
      %swap3A_276 = arith.constant 112 : index
      %swap3A_277 = tpu.vector_load %swap3A_274[%swap3A_275, %swap3A_276] {strides = array<i32>} : memref<128x128xf32, #tpu.memory_space<vmem>>, vector<1x16xf32>,
      %swap3A_278 = vector.shape_cast %swap3A_277 : vector<1x16xf32> to vector<16xf32>
      %swap3A_279 = vector.shape_cast %broadcast_in_dim3A_270 : vector<16xf32> to vector<1x16xf32>
      tpu.vector_store %swap3A_274[%swap3A_275, %swap3A_276], %swap3A_279 {strides = array<i32>} : memref<128x128xf32, #tpu.memory_space<vmem>>, vector<1x16xf32>,
    }
    %scan3A_7 = arith.constant 128 : i32
    %add3A_8 = arith.constant 0 : i32
    %add3A_9 = arith.addi %mul3A_2, %add3A_8 : i32
    %dma_start3A = arith.constant 0 : i32
    %dma_start3A_10 = arith.constant 0 : i32
    %dma_start3A_11 = arith.constant 0 : i32
    %dma_start3A_12 = tpu.memref_slice %arg8[%dma_start3A, %dma_start3A_10, %dma_start3A_11] : memref<2x128x128xf32, #tpu.memory_space<vmem>> -> memref<1x128x128xf32, #tpu.memory_space<vmem>>
    %dma_start3A_13 = tpu.memref_squeeze %dma_start3A_12 : memref<1x128x128xf32, #tpu.memory_space<vmem>> -> memref<128x128xf32, #tpu.memory_space<vmem>>
    %dma_start3A_14 = arith.constant 0 : i32
    %dma_start3A_15 = tpu.memref_slice %arg9[%add3A_9, %dma_start3A_14] : memref<10240x128xf32, #tpu.memory_space<vmem_shared>> -> memref<128x128xf32, #tpu.memory_space<vmem_shared>>
    %dma_start3A_16 = arith.constant 0 : i32
    %dma_start3A_17 = tpu.memref_slice %arg9[%add3A_9, %dma_start3A_16] : memref<10240x128xf32, #tpu.memory_space<vmem_shared>> -> memref<128x128xf32, #tpu.memory_space<vmem_shared>>
    %dma_start3A_18 = arith.constant 0 : i32
    %dma_start3A_19 = arith.constant 0 : i32
    %dma_start3A_20 = tpu.memref_slice %arg8[%dma_start3A, %dma_start3A_18, %dma_start3A_19] : memref<2x128x128xf32, #tpu.memory_space<vmem>> -> memref<1x128x128xf32, #tpu.memory_space<vmem>>
    %dma_start3A_21 = tpu.memref_squeeze %dma_start3A_20 : memref<1x128x128xf32, #tpu.memory_space<vmem>> -> memref<128x128xf32, #tpu.memory_space<vmem>>
    tpu.enqueue_dma source(%dma_start3A_21 : memref<128x128xf32, #tpu.memory_space<vmem>>) target(%dma_start3A_17 : memref<128x128xf32, #tpu.memory_space<vmem_shared>>) target_semaphore(%arg10 : memref<!tpu.dma_semaphore, #tpu.memory_space<semaphore_mem>>)
    %add3A_22 = arith.constant 128 : i32
    %add3A_23 = arith.addi %mul3A_2, %add3A_22 : i32
    %dma_start3A_24 = arith.constant 0 : i32
    %dma_start3A_25 = arith.constant 0 : i32
    %dma_start3A_26 = arith.constant 0 : i32
    %dma_start3A_27 = tpu.memref_slice %arg8[%dma_start3A_24, %dma_start3A_25, %dma_start3A_26] : memref<2x128x128xf32, #tpu.memory_space<vmem>> -> memref<1x128x128xf32, #tpu.memory_space<vmem>>
    %dma_start3A_28 = tpu.memref_squeeze %dma_start3A_27 : memref<1x128x128xf32, #tpu.memory_space<vmem>> -> memref<128x128xf32, #tpu.memory_space<vmem>>
    %dma_start3A_29 = arith.constant 0 : i32
    %dma_start3A_30 = tpu.memref_slice %arg9[%add3A_23, %dma_start3A_29] : memref<10240x128xf32, #tpu.memory_space<vmem_shared>> -> memref<128x128xf32, #tpu.memory_space<vmem_shared>>
    %dma_start3A_31 = arith.constant 0 : i32
    %dma_start3A_32 = tpu.memref_slice %arg9[%add3A_23, %dma_start3A_31] : memref<10240x128xf32, #tpu.memory_space<vmem_shared>> -> memref<128x128xf32, #tpu.memory_space<vmem_shared>>
    %dma_start3A_33 = arith.constant 0 : i32
    %dma_start3A_34 = arith.constant 0 : i32
    %dma_start3A_35 = tpu.memref_slice %arg8[%dma_start3A_24, %dma_start3A_33, %dma_start3A_34] : memref<2x128x128xf32, #tpu.memory_space<vmem>> -> memref<1x128x128xf32, #tpu.memory_space<vmem>>
    %dma_start3A_36 = tpu.memref_squeeze %dma_start3A_35 : memref<1x128x128xf32, #tpu.memory_space<vmem>> -> memref<128x128xf32, #tpu.memory_space<vmem>>
    tpu.enqueue_dma source(%dma_start3A_36 : memref<128x128xf32, #tpu.memory_space<vmem>>) target(%dma_start3A_32 : memref<128x128xf32, #tpu.memory_space<vmem_shared>>) target_semaphore(%arg10 : memref<!tpu.dma_semaphore, #tpu.memory_space<semaphore_mem>>)
    %add3A_37 = arith.constant 256 : i32
    %add3A_38 = arith.addi %mul3A_2, %add3A_37 : i32
    %dma_start3A_39 = arith.constant 0 : i32
    %dma_start3A_40 = arith.constant 0 : i32
    %dma_start3A_41 = arith.constant 0 : i32
    %dma_start3A_42 = tpu.memref_slice %arg8[%dma_start3A_39, %dma_start3A_40, %dma_start3A_41] : memref<2x128x128xf32, #tpu.memory_space<vmem>> -> memref<1x128x128xf32, #tpu.memory_space<vmem>>
    %dma_start3A_43 = tpu.memref_squeeze %dma_start3A_42 : memref<1x128x128xf32, #tpu.memory_space<vmem>> -> memref<128x128xf32, #tpu.memory_space<vmem>>
    %dma_start3A_44 = arith.constant 0 : i32
    %dma_start3A_45 = tpu.memref_slice %arg9[%add3A_38, %dma_start3A_44] : memref<10240x128xf32, #tpu.memory_space<vmem_shared>> -> memref<128x128xf32, #tpu.memory_space<vmem_shared>>
    %dma_start3A_46 = arith.constant 0 : i32
    %dma_start3A_47 = tpu.memref_slice %arg9[%add3A_38, %dma_start3A_46] : memref<10240x128xf32, #tpu.memory_space<vmem_shared>> -> memref<128x128xf32, #tpu.memory_space<vmem_shared>>
    %dma_start3A_48 = arith.constant 0 : i32
    %dma_start3A_49 = arith.constant 0 : i32
    %dma_start3A_50 = tpu.memref_slice %arg8[%dma_start3A_39, %dma_start3A_48, %dma_start3A_49] : memref<2x128x128xf32, #tpu.memory_space<vmem>> -> memref<1x128x128xf32, #tpu.memory_space<vmem>>
    %dma_start3A_51 = tpu.memref_squeeze %dma_start3A_50 : memref<1x128x128xf32, #tpu.memory_space<vmem>> -> memref<128x128xf32, #tpu.memory_space<vmem>>
    tpu.enqueue_dma source(%dma_start3A_51 : memref<128x128xf32, #tpu.memory_space<vmem>>) target(%dma_start3A_47 : memref<128x128xf32, #tpu.memory_space<vmem_shared>>) target_semaphore(%arg10 : memref<!tpu.dma_semaphore, #tpu.memory_space<semaphore_mem>>)
    %add3A_52 = arith.constant 384 : i32
    %add3A_53 = arith.addi %mul3A_2, %add3A_52 : i32
    %dma_start3A_54 = arith.constant 0 : i32
    %dma_start3A_55 = arith.constant 0 : i32
    %dma_start3A_56 = arith.constant 0 : i32
    %dma_start3A_57 = tpu.memref_slice %arg8[%dma_start3A_54, %dma_start3A_55, %dma_start3A_56] : memref<2x128x128xf32, #tpu.memory_space<vmem>> -> memref<1x128x128xf32, #tpu.memory_space<vmem>>
    %dma_start3A_58 = tpu.memref_squeeze %dma_start3A_57 : memref<1x128x128xf32, #tpu.memory_space<vmem>> -> memref<128x128xf32, #tpu.memory_space<vmem>>
    %dma_start3A_59 = arith.constant 0 : i32
    %dma_start3A_60 = tpu.memref_slice %arg9[%add3A_53, %dma_start3A_59] : memref<10240x128xf32, #tpu.memory_space<vmem_shared>> -> memref<128x128xf32, #tpu.memory_space<vmem_shared>>
    %dma_start3A_61 = arith.constant 0 : i32
    %dma_start3A_62 = tpu.memref_slice %arg9[%add3A_53, %dma_start3A_61] : memref<10240x128xf32, #tpu.memory_space<vmem_shared>> -> memref<128x128xf32, #tpu.memory_space<vmem_shared>>
    %dma_start3A_63 = arith.constant 0 : i32
    %dma_start3A_64 = arith.constant 0 : i32
    %dma_start3A_65 = tpu.memref_slice %arg8[%dma_start3A_54, %dma_start3A_63, %dma_start3A_64] : memref<2x128x128xf32, #tpu.memory_space<vmem>> -> memref<1x128x128xf32, #tpu.memory_space<vmem>>
    %dma_start3A_66 = tpu.memref_squeeze %dma_start3A_65 : memref<1x128x128xf32, #tpu.memory_space<vmem>> -> memref<128x128xf32, #tpu.memory_space<vmem>>
    tpu.enqueue_dma source(%dma_start3A_66 : memref<128x128xf32, #tpu.memory_space<vmem>>) target(%dma_start3A_62 : memref<128x128xf32, #tpu.memory_space<vmem_shared>>) target_semaphore(%arg10 : memref<!tpu.dma_semaphore, #tpu.memory_space<semaphore_mem>>)
    %add3A_67 = arith.constant 512 : i32
    %add3A_68 = arith.addi %mul3A_2, %add3A_67 : i32
    %dma_start3A_69 = arith.constant 0 : i32
    %dma_start3A_70 = arith.constant 0 : i32
    %dma_start3A_71 = arith.constant 0 : i32
    %dma_start3A_72 = tpu.memref_slice %arg8[%dma_start3A_69, %dma_start3A_70, %dma_start3A_71] : memref<2x128x128xf32, #tpu.memory_space<vmem>> -> memref<1x128x128xf32, #tpu.memory_space<vmem>>
    %dma_start3A_73 = tpu.memref_squeeze %dma_start3A_72 : memref<1x128x128xf32, #tpu.memory_space<vmem>> -> memref<128x128xf32, #tpu.memory_space<vmem>>
    %dma_start3A_74 = arith.constant 0 : i32
    %dma_start3A_75 = tpu.memref_slice %arg9[%add3A_68, %dma_start3A_74] : memref<10240x128xf32, #tpu.memory_space<vmem_shared>> -> memref<128x128xf32, #tpu.memory_space<vmem_shared>>
    %dma_start3A_76 = arith.constant 0 : i32
    %dma_start3A_77 = tpu.memref_slice %arg9[%add3A_68, %dma_start3A_76] : memref<10240x128xf32, #tpu.memory_space<vmem_shared>> -> memref<128x128xf32, #tpu.memory_space<vmem_shared>>
    %dma_start3A_78 = arith.constant 0 : i32
    %dma_start3A_79 = arith.constant 0 : i32
    %dma_start3A_80 = tpu.memref_slice %arg8[%dma_start3A_69, %dma_start3A_78, %dma_start3A_79] : memref<2x128x128xf32, #tpu.memory_space<vmem>> -> memref<1x128x128xf32, #tpu.memory_space<vmem>>
    %dma_start3A_81 = tpu.memref_squeeze %dma_start3A_80 : memref<1x128x128xf32, #tpu.memory_space<vmem>> -> memref<128x128xf32, #tpu.memory_space<vmem>>
    tpu.enqueue_dma source(%dma_start3A_81 : memref<128x128xf32, #tpu.memory_space<vmem>>) target(%dma_start3A_77 : memref<128x128xf32, #tpu.memory_space<vmem_shared>>) target_semaphore(%arg10 : memref<!tpu.dma_semaphore, #tpu.memory_space<semaphore_mem>>)
    "tpu.region"() ({
      %run_scoped3A_189 = tpu.sem_alloc : memref<!tpu.dma_semaphore, #tpu.memory_space<semaphore_mem>>
      %dma_start3A_190 = arith.constant 0 : i32
      %dma_start3A_191 = arith.constant 0 : i32
      %dma_start3A_192 = tpu.memref_slice %arg4[%add3A, %dma_start3A_190, %dma_start3A_191] : memref<32x79x128xi32, #tpu.memory_space<hbm>> -> memref<1x79x128xi32, #tpu.memory_space<hbm>>
      %dma_start3A_193 = tpu.memref_squeeze %dma_start3A_192 : memref<1x79x128xi32, #tpu.memory_space<hbm>> -> memref<79x128xi32, #tpu.memory_space<hbm>>
      %dma_start3A_194 = arith.constant 0 : i32
      %dma_start3A_195 = arith.constant 0 : i32
      %dma_start3A_196 = tpu.memref_slice %arg4[%add3A, %dma_start3A_194, %dma_start3A_195] : memref<32x79x128xi32, #tpu.memory_space<hbm>> -> memref<1x79x128xi32, #tpu.memory_space<hbm>>
      %dma_start3A_197 = tpu.memref_squeeze %dma_start3A_196 : memref<1x79x128xi32, #tpu.memory_space<hbm>> -> memref<79x128xi32, #tpu.memory_space<hbm>>
      tpu.enqueue_dma source(%dma_start3A_197 : memref<79x128xi32, #tpu.memory_space<hbm>>) target(%arg7 : memref<79x128xi32, #tpu.memory_space<vmem>>) target_semaphore(%run_scoped3A_189 : memref<!tpu.dma_semaphore, #tpu.memory_space<semaphore_mem>>)
      %dma_wait3A_198 = arith.constant 0 : i32
      %dma_wait3A_199 = arith.constant 0 : i32
      %dma_wait3A_200 = tpu.memref_slice %arg4[%add3A, %dma_wait3A_198, %dma_wait3A_199] : memref<32x79x128xi32, #tpu.memory_space<hbm>> -> memref<1x79x128xi32, #tpu.memory_space<hbm>>
      %dma_wait3A_201 = tpu.memref_squeeze %dma_wait3A_200 : memref<1x79x128xi32, #tpu.memory_space<hbm>> -> memref<79x128xi32, #tpu.memory_space<hbm>>
      %dma_wait3A_202 = arith.constant 0 : i32
      %dma_wait3A_203 = arith.constant 0 : i32
      %dma_wait3A_204 = tpu.memref_slice %arg4[%add3A, %dma_wait3A_202, %dma_wait3A_203] : memref<32x79x128xi32, #tpu.memory_space<hbm>> -> memref<1x79x128xi32, #tpu.memory_space<hbm>>
      %dma_wait3A_205 = tpu.memref_squeeze %dma_wait3A_204 : memref<1x79x128xi32, #tpu.memory_space<hbm>> -> memref<79x128xi32, #tpu.memory_space<hbm>>
      tpu.wait_dma2 semaphore(%run_scoped3A_189 : memref<!tpu.dma_semaphore, #tpu.memory_space<semaphore_mem>>) src(%dma_wait3A_205 : memref<79x128xi32, #tpu.memory_space<hbm>>) dst(%arg7 : memref<79x128xi32, #tpu.memory_space<vmem>>)
      tpu.yield
    }) : () -> ()
    %add3A_82 = arith.constant 0 : i32
    %add3A_83 = arith.addi %mul3A_2, %add3A_82 : i32
    %dma_wait3A = arith.constant 0 : i32
    %dma_wait3A_84 = arith.constant 0 : i32
    %dma_wait3A_85 = arith.constant 0 : i32
    %dma_wait3A_86 = tpu.memref_slice %arg8[%dma_wait3A, %dma_wait3A_84, %dma_wait3A_85] : memref<2x128x128xf32, #tpu.memory_space<vmem>> -> memref<1x128x128xf32, #tpu.memory_space<vmem>>
    %dma_wait3A_87 = tpu.memref_squeeze %dma_wait3A_86 : memref<1x128x128xf32, #tpu.memory_space<vmem>> -> memref<128x128xf32, #tpu.memory_space<vmem>>
    %dma_wait3A_88 = arith.constant 0 : i32
    %dma_wait3A_89 = tpu.memref_slice %arg9[%add3A_83, %dma_wait3A_88] : memref<10240x128xf32, #tpu.memory_space<vmem_shared>> -> memref<128x128xf32, #tpu.memory_space<vmem_shared>>
    %dma_wait3A_90 = arith.constant 0 : i32
    %dma_wait3A_91 = tpu.memref_slice %arg9[%add3A_83, %dma_wait3A_90] : memref<10240x128xf32, #tpu.memory_space<vmem_shared>> -> memref<128x128xf32, #tpu.memory_space<vmem_shared>>
    %dma_wait3A_92 = arith.constant 0 : i32
    %dma_wait3A_93 = arith.constant 0 : i32
    %dma_wait3A_94 = tpu.memref_slice %arg8[%dma_wait3A, %dma_wait3A_92, %dma_wait3A_93] : memref<2x128x128xf32, #tpu.memory_space<vmem>> -> memref<1x128x128xf32, #tpu.memory_space<vmem>>
    %dma_wait3A_95 = tpu.memref_squeeze %dma_wait3A_94 : memref<1x128x128xf32, #tpu.memory_space<vmem>> -> memref<128x128xf32, #tpu.memory_space<vmem>>
    tpu.wait_dma2 semaphore(%arg10 : memref<!tpu.dma_semaphore, #tpu.memory_space<semaphore_mem>>) src(%dma_wait3A_95 : memref<128x128xf32, #tpu.memory_space<vmem>>) dst(%dma_wait3A_91 : memref<128x128xf32, #tpu.memory_space<vmem_shared>>)
    %add3A_96 = arith.constant 128 : i32
    %add3A_97 = arith.addi %mul3A_2, %add3A_96 : i32
    %dma_wait3A_98 = arith.constant 0 : i32
    %dma_wait3A_99 = arith.constant 0 : i32
    %dma_wait3A_100 = arith.constant 0 : i32
    %dma_wait3A_101 = tpu.memref_slice %arg8[%dma_wait3A_98, %dma_wait3A_99, %dma_wait3A_100] : memref<2x128x128xf32, #tpu.memory_space<vmem>> -> memref<1x128x128xf32, #tpu.memory_space<vmem>>
    %dma_wait3A_102 = tpu.memref_squeeze %dma_wait3A_101 : memref<1x128x128xf32, #tpu.memory_space<vmem>> -> memref<128x128xf32, #tpu.memory_space<vmem>>
    %dma_wait3A_103 = arith.constant 0 : i32
    %dma_wait3A_104 = tpu.memref_slice %arg9[%add3A_97, %dma_wait3A_103] : memref<10240x128xf32, #tpu.memory_space<vmem_shared>> -> memref<128x128xf32, #tpu.memory_space<vmem_shared>>
    %dma_wait3A_105 = arith.constant 0 : i32
    %dma_wait3A_106 = tpu.memref_slice %arg9[%add3A_97, %dma_wait3A_105] : memref<10240x128xf32, #tpu.memory_space<vmem_shared>> -> memref<128x128xf32, #tpu.memory_space<vmem_shared>>
    %dma_wait3A_107 = arith.constant 0 : i32
    %dma_wait3A_108 = arith.constant 0 : i32
    %dma_wait3A_109 = tpu.memref_slice %arg8[%dma_wait3A_98, %dma_wait3A_107, %dma_wait3A_108] : memref<2x128x128xf32, #tpu.memory_space<vmem>> -> memref<1x128x128xf32, #tpu.memory_space<vmem>>
    %dma_wait3A_110 = tpu.memref_squeeze %dma_wait3A_109 : memref<1x128x128xf32, #tpu.memory_space<vmem>> -> memref<128x128xf32, #tpu.memory_space<vmem>>
    tpu.wait_dma2 semaphore(%arg10 : memref<!tpu.dma_semaphore, #tpu.memory_space<semaphore_mem>>) src(%dma_wait3A_110 : memref<128x128xf32, #tpu.memory_space<vmem>>) dst(%dma_wait3A_106 : memref<128x128xf32, #tpu.memory_space<vmem_shared>>)
    %add3A_111 = arith.constant 256 : i32
    %add3A_112 = arith.addi %mul3A_2, %add3A_111 : i32
    %dma_wait3A_113 = arith.constant 0 : i32
    %dma_wait3A_114 = arith.constant 0 : i32
    %dma_wait3A_115 = arith.constant 0 : i32
    %dma_wait3A_116 = tpu.memref_slice %arg8[%dma_wait3A_113, %dma_wait3A_114, %dma_wait3A_115] : memref<2x128x128xf32, #tpu.memory_space<vmem>> -> memref<1x128x128xf32, #tpu.memory_space<vmem>>
    %dma_wait3A_117 = tpu.memref_squeeze %dma_wait3A_116 : memref<1x128x128xf32, #tpu.memory_space<vmem>> -> memref<128x128xf32, #tpu.memory_space<vmem>>
    %dma_wait3A_118 = arith.constant 0 : i32
    %dma_wait3A_119 = tpu.memref_slice %arg9[%add3A_112, %dma_wait3A_118] : memref<10240x128xf32, #tpu.memory_space<vmem_shared>> -> memref<128x128xf32, #tpu.memory_space<vmem_shared>>
    %dma_wait3A_120 = arith.constant 0 : i32
    %dma_wait3A_121 = tpu.memref_slice %arg9[%add3A_112, %dma_wait3A_120] : memref<10240x128xf32, #tpu.memory_space<vmem_shared>> -> memref<128x128xf32, #tpu.memory_space<vmem_shared>>
    %dma_wait3A_122 = arith.constant 0 : i32
    %dma_wait3A_123 = arith.constant 0 : i32
    %dma_wait3A_124 = tpu.memref_slice %arg8[%dma_wait3A_113, %dma_wait3A_122, %dma_wait3A_123] : memref<2x128x128xf32, #tpu.memory_space<vmem>> -> memref<1x128x128xf32, #tpu.memory_space<vmem>>
    %dma_wait3A_125 = tpu.memref_squeeze %dma_wait3A_124 : memref<1x128x128xf32, #tpu.memory_space<vmem>> -> memref<128x128xf32, #tpu.memory_space<vmem>>
    tpu.wait_dma2 semaphore(%arg10 : memref<!tpu.dma_semaphore, #tpu.memory_space<semaphore_mem>>) src(%dma_wait3A_125 : memref<128x128xf32, #tpu.memory_space<vmem>>) dst(%dma_wait3A_121 : memref<128x128xf32, #tpu.memory_space<vmem_shared>>)
    %add3A_126 = arith.constant 384 : i32
    %add3A_127 = arith.addi %mul3A_2, %add3A_126 : i32
    %dma_wait3A_128 = arith.constant 0 : i32
    %dma_wait3A_129 = arith.constant 0 : i32
    %dma_wait3A_130 = arith.constant 0 : i32
    %dma_wait3A_131 = tpu.memref_slice %arg8[%dma_wait3A_128, %dma_wait3A_129, %dma_wait3A_130] : memref<2x128x128xf32, #tpu.memory_space<vmem>> -> memref<1x128x128xf32, #tpu.memory_space<vmem>>
    %dma_wait3A_132 = tpu.memref_squeeze %dma_wait3A_131 : memref<1x128x128xf32, #tpu.memory_space<vmem>> -> memref<128x128xf32, #tpu.memory_space<vmem>>
    %dma_wait3A_133 = arith.constant 0 : i32
    %dma_wait3A_134 = tpu.memref_slice %arg9[%add3A_127, %dma_wait3A_133] : memref<10240x128xf32, #tpu.memory_space<vmem_shared>> -> memref<128x128xf32, #tpu.memory_space<vmem_shared>>
    %dma_wait3A_135 = arith.constant 0 : i32
    %dma_wait3A_136 = tpu.memref_slice %arg9[%add3A_127, %dma_wait3A_135] : memref<10240x128xf32, #tpu.memory_space<vmem_shared>> -> memref<128x128xf32, #tpu.memory_space<vmem_shared>>
    %dma_wait3A_137 = arith.constant 0 : i32
    %dma_wait3A_138 = arith.constant 0 : i32
    %dma_wait3A_139 = tpu.memref_slice %arg8[%dma_wait3A_128, %dma_wait3A_137, %dma_wait3A_138] : memref<2x128x128xf32, #tpu.memory_space<vmem>> -> memref<1x128x128xf32, #tpu.memory_space<vmem>>
    %dma_wait3A_140 = tpu.memref_squeeze %dma_wait3A_139 : memref<1x128x128xf32, #tpu.memory_space<vmem>> -> memref<128x128xf32, #tpu.memory_space<vmem>>
    tpu.wait_dma2 semaphore(%arg10 : memref<!tpu.dma_semaphore, #tpu.memory_space<semaphore_mem>>) src(%dma_wait3A_140 : memref<128x128xf32, #tpu.memory_space<vmem>>) dst(%dma_wait3A_136 : memref<128x128xf32, #tpu.memory_space<vmem_shared>>)
    %add3A_141 = arith.constant 512 : i32
    %add3A_142 = arith.addi %mul3A_2, %add3A_141 : i32
    %dma_wait3A_143 = arith.constant 0 : i32
    %dma_wait3A_144 = arith.constant 0 : i32
    %dma_wait3A_145 = arith.constant 0 : i32
    %dma_wait3A_146 = tpu.memref_slice %arg8[%dma_wait3A_143, %dma_wait3A_144, %dma_wait3A_145] : memref<2x128x128xf32, #tpu.memory_space<vmem>> -> memref<1x128x128xf32, #tpu.memory_space<vmem>>
    %dma_wait3A_147 = tpu.memref_squeeze %dma_wait3A_146 : memref<1x128x128xf32, #tpu.memory_space<vmem>> -> memref<128x128xf32, #tpu.memory_space<vmem>>
    %dma_wait3A_148 = arith.constant 0 : i32
    %dma_wait3A_149 = tpu.memref_slice %arg9[%add3A_142, %dma_wait3A_148] : memref<10240x128xf32, #tpu.memory_space<vmem_shared>> -> memref<128x128xf32, #tpu.memory_space<vmem_shared>>
    %dma_wait3A_150 = arith.constant 0 : i32
    %dma_wait3A_151 = tpu.memref_slice %arg9[%add3A_142, %dma_wait3A_150] : memref<10240x128xf32, #tpu.memory_space<vmem_shared>> -> memref<128x128xf32, #tpu.memory_space<vmem_shared>>
    %dma_wait3A_152 = arith.constant 0 : i32
    %dma_wait3A_153 = arith.constant 0 : i32
    %dma_wait3A_154 = tpu.memref_slice %arg8[%dma_wait3A_143, %dma_wait3A_152, %dma_wait3A_153] : memref<2x128x128xf32, #tpu.memory_space<vmem>> -> memref<1x128x128xf32, #tpu.memory_space<vmem>>
    %dma_wait3A_155 = tpu.memref_squeeze %dma_wait3A_154 : memref<1x128x128xf32, #tpu.memory_space<vmem>> -> memref<128x128xf32, #tpu.memory_space<vmem>>
    tpu.wait_dma2 semaphore(%arg10 : memref<!tpu.dma_semaphore, #tpu.memory_space<semaphore_mem>>) src(%dma_wait3A_155 : memref<128x128xf32, #tpu.memory_space<vmem>>) dst(%dma_wait3A_151 : memref<128x128xf32, #tpu.memory_space<vmem_shared>>)
    %barrier3A = arith.constant 0 : index
    tpu.barrier barrier_id(%barrier3A)
    %run_scoped3A = arith.constant 0 : i32
    %run_scoped3A_156 = arith.constant 0 : i32
    "tpu.region"() ({
      %run_scoped3A_189 = tpu.sem_alloc : memref<!tpu.dma_semaphore, #tpu.memory_space<semaphore_mem>>
      %dma_start3A_190 = arith.constant 0 : i32
      %dma_start3A_191 = tpu.memref_slice %arg6[%run_scoped3A_156, %dma_start3A_190] : memref<2x128xi32, #tpu.memory_space<vmem>> -> memref<1x128xi32, #tpu.memory_space<vmem>>
      %dma_start3A_192 = tpu.memref_squeeze %dma_start3A_191 : memref<1x128xi32, #tpu.memory_space<vmem>> -> memref<128xi32, #tpu.memory_space<vmem>>
      %dma_start3A_193 = arith.constant 0 : i32
      %dma_start3A_194 = tpu.memref_slice %arg3[%add3A, %run_scoped3A, %dma_start3A_193] : memref<32x79x128xi32, #tpu.memory_space<hbm>> -> memref<1x1x128xi32, #tpu.memory_space<hbm>>
      %dma_start3A_195 = tpu.memref_squeeze %dma_start3A_194 : memref<1x1x128xi32, #tpu.memory_space<hbm>> -> memref<128xi32, #tpu.memory_space<hbm>>
      %dma_start3A_196 = arith.constant 0 : i32
      %dma_start3A_197 = tpu.memref_slice %arg6[%run_scoped3A_156, %dma_start3A_196] : memref<2x128xi32, #tpu.memory_space<vmem>> -> memref<1x128xi32, #tpu.memory_space<vmem>>
      %dma_start3A_198 = tpu.memref_squeeze %dma_start3A_197 : memref<1x128xi32, #tpu.memory_space<vmem>> -> memref<128xi32, #tpu.memory_space<vmem>>
      %dma_start3A_199 = arith.constant 0 : i32
      %dma_start3A_200 = tpu.memref_slice %arg3[%add3A, %run_scoped3A, %dma_start3A_199] : memref<32x79x128xi32, #tpu.memory_space<hbm>> -> memref<1x1x128xi32, #tpu.memory_space<hbm>>
      %dma_start3A_201 = tpu.memref_squeeze %dma_start3A_200 : memref<1x1x128xi32, #tpu.memory_space<hbm>> -> memref<128xi32, #tpu.memory_space<hbm>>
      tpu.enqueue_dma source(%dma_start3A_201 : memref<128xi32, #tpu.memory_space<hbm>>) target(%dma_start3A_198 : memref<128xi32, #tpu.memory_space<vmem>>) target_semaphore(%run_scoped3A_189 : memref<!tpu.dma_semaphore, #tpu.memory_space<semaphore_mem>>)
      %dma_wait3A_202 = arith.constant 0 : i32
      %dma_wait3A_203 = tpu.memref_slice %arg6[%run_scoped3A_156, %dma_wait3A_202] : memref<2x128xi32, #tpu.memory_space<vmem>> -> memref<1x128xi32, #tpu.memory_space<vmem>>
      %dma_wait3A_204 = tpu.memref_squeeze %dma_wait3A_203 : memref<1x128xi32, #tpu.memory_space<vmem>> -> memref<128xi32, #tpu.memory_space<vmem>>
      %dma_wait3A_205 = arith.constant 0 : i32
      %dma_wait3A_206 = tpu.memref_slice %arg3[%add3A, %run_scoped3A, %dma_wait3A_205] : memref<32x79x128xi32, #tpu.memory_space<hbm>> -> memref<1x1x128xi32, #tpu.memory_space<hbm>>
      %dma_wait3A_207 = tpu.memref_squeeze %dma_wait3A_206 : memref<1x1x128xi32, #tpu.memory_space<hbm>> -> memref<128xi32, #tpu.memory_space<hbm>>
      %dma_wait3A_208 = arith.constant 0 : i32
      %dma_wait3A_209 = tpu.memref_slice %arg6[%run_scoped3A_156, %dma_wait3A_208] : memref<2x128xi32, #tpu.memory_space<vmem>> -> memref<1x128xi32, #tpu.memory_space<vmem>>
      %dma_wait3A_210 = tpu.memref_squeeze %dma_wait3A_209 : memref<1x128xi32, #tpu.memory_space<vmem>> -> memref<128xi32, #tpu.memory_space<vmem>>
      %dma_wait3A_211 = arith.constant 0 : i32
      %dma_wait3A_212 = tpu.memref_slice %arg3[%add3A, %run_scoped3A, %dma_wait3A_211] : memref<32x79x128xi32, #tpu.memory_space<hbm>> -> memref<1x1x128xi32, #tpu.memory_space<hbm>>
      %dma_wait3A_213 = tpu.memref_squeeze %dma_wait3A_212 : memref<1x1x128xi32, #tpu.memory_space<hbm>> -> memref<128xi32, #tpu.memory_space<hbm>>
      tpu.wait_dma2 semaphore(%run_scoped3A_189 : memref<!tpu.dma_semaphore, #tpu.memory_space<semaphore_mem>>) src(%dma_wait3A_213 : memref<128xi32, #tpu.memory_space<hbm>>) dst(%dma_wait3A_210 : memref<128xi32, #tpu.memory_space<vmem>>)
      tpu.yield
    }) : () -> ()
    %dma_start3A_157 = arith.constant 0 : i32
    %dma_start3A_158 = arith.constant 0 : i32
    %dma_start3A_159 = arith.constant 0 : i32
    %dma_start3A_160 = arith.constant 0 : i32
    %dma_start3A_161 = tpu.memref_slice %arg8[%dma_start3A_158, %dma_start3A_159, %dma_start3A_160] : memref<2x128x128xf32, #tpu.memory_space<vmem>> -> memref<1x128x128xf32, #tpu.memory_space<vmem>>
    %dma_start3A_162 = tpu.memref_squeeze %dma_start3A_161 : memref<1x128x128xf32, #tpu.memory_space<vmem>> -> memref<128x128xf32, #tpu.memory_space<vmem>>
    %dma_start3A_163 = arith.constant 0 : i32
    %dma_start3A_164 = tpu.memref_slice %arg6[%dma_start3A_157, %dma_start3A_163] : memref<2x128xi32, #tpu.memory_space<vmem>> -> memref<1x128xi32, #tpu.memory_space<vmem>>
    %dma_start3A_165 = tpu.memref_squeeze %dma_start3A_164 : memref<1x128xi32, #tpu.memory_space<vmem>> -> memref<128xi32, #tpu.memory_space<vmem>>
    %dma_start3A_166 = arith.constant 0 : i32
    %dma_start3A_167 = arith.constant 0 : i32
    %dma_start3A_168 = tpu.memref_slice %arg2[%dma_start3A_166, %dma_start3A_167] : memref<10240x128xf32, #tpu.memory_space<hbm>> -> memref<10240x128xf32, #tpu.memory_space<hbm>>
    tpu.enqueue_indirect_dma source(%dma_start3A_168 : memref<10240x128xf32, #tpu.memory_space<hbm>>) target(%dma_start3A_162 : memref<128x128xf32, #tpu.memory_space<vmem>>) offsets(%dma_start3A_165 : memref<128xi32, #tpu.memory_space<vmem>>) semaphore(%arg10 : memref<!tpu.dma_semaphore, #tpu.memory_space<semaphore_mem>>)
    %dma_start3A_169 = arith.constant 1 : i32
    %dma_start3A_170 = arith.constant 1 : i32
    %dma_start3A_171 = arith.constant 0 : i32
    %dma_start3A_172 = tpu.memref_slice %arg6[%dma_start3A_170, %dma_start3A_171] : memref<2x128xi32, #tpu.memory_space<vmem>> -> memref<1x128xi32, #tpu.memory_space<vmem>>
    %dma_start3A_173 = tpu.memref_squeeze %dma_start3A_172 : memref<1x128xi32, #tpu.memory_space<vmem>> -> memref<128xi32, #tpu.memory_space<vmem>>
    %dma_start3A_174 = arith.constant 0 : i32
    %dma_start3A_175 = tpu.memref_slice %arg3[%add3A, %dma_start3A_169, %dma_start3A_174] : memref<32x79x128xi32, #tpu.memory_space<hbm>> -> memref<1x1x128xi32, #tpu.memory_space<hbm>>
    %dma_start3A_176 = tpu.memref_squeeze %dma_start3A_175 : memref<1x1x128xi32, #tpu.memory_space<hbm>> -> memref<128xi32, #tpu.memory_space<hbm>>
    %dma_start3A_177 = arith.constant 0 : i32
    %dma_start3A_178 = tpu.memref_slice %arg6[%dma_start3A_170, %dma_start3A_177] : memref<2x128xi32, #tpu.memory_space<vmem>> -> memref<1x128xi32, #tpu.memory_space<vmem>>
    %dma_start3A_179 = tpu.memref_squeeze %dma_start3A_178 : memref<1x128xi32, #tpu.memory_space<vmem>> -> memref<128xi32, #tpu.memory_space<vmem>>
    %dma_start3A_180 = arith.constant 0 : i32
    %dma_start3A_181 = tpu.memref_slice %arg3[%add3A, %dma_start3A_169, %dma_start3A_180] : memref<32x79x128xi32, #tpu.memory_space<hbm>> -> memref<1x1x128xi32, #tpu.memory_space<hbm>>
    %dma_start3A_182 = tpu.memref_squeeze %dma_start3A_181 : memref<1x1x128xi32, #tpu.memory_space<hbm>> -> memref<128xi32, #tpu.memory_space<hbm>>
    tpu.enqueue_dma source(%dma_start3A_182 : memref<128xi32, #tpu.memory_space<hbm>>) target(%dma_start3A_179 : memref<128xi32, #tpu.memory_space<vmem>>) target_semaphore(%arg11 : memref<!tpu.dma_semaphore, #tpu.memory_space<semaphore_mem>>)
    %scan3A_183 = arith.constant 0 : i32
    %scan3A_184 = arith.constant 79 : i32
    %scan3A_185 = arith.addi %scan3A_183, %scan3A_184 : i32
    %scan3A_186 = arith.constant 1 : i32
    scf.for %scan3A_189 = %scan3A_183 to %scan3A_185 step %scan3A_186  : i32 {
      %mul3A_190 = arith.constant 1 : i32
      %mul3A_191 = arith.muli %scan3A_189, %mul3A_190 : i32
      %add3A_192 = arith.constant 0 : i32
      %add3A_193 = arith.addi %add3A_192, %mul3A_191 : i32
      %rem3A = arith.constant 2 : i32
      %rem3A_194 = arith.remsi %add3A_193, %rem3A : i32
      %add3A_195 = arith.constant 1 : i32
      %add3A_196 = arith.addi %add3A_193, %add3A_195 : i32
      %rem3A_197 = arith.constant 2 : i32
      %rem3A_198 = arith.remsi %add3A_196, %rem3A_197 : i32
      %dma_wait3A_199 = arith.constant 0 : i32
      %dma_wait3A_200 = arith.constant 0 : i32
      %dma_wait3A_201 = tpu.memref_slice %arg8[%rem3A_194, %dma_wait3A_199, %dma_wait3A_200] : memref<2x128x128xf32, #tpu.memory_space<vmem>> -> memref<1x128x128xf32, #tpu.memory_space<vmem>>
      %dma_wait3A_202 = tpu.memref_squeeze %dma_wait3A_201 : memref<1x128x128xf32, #tpu.memory_space<vmem>> -> memref<128x128xf32, #tpu.memory_space<vmem>>
      %dma_wait3A_203 = arith.constant 0 : i32
      %dma_wait3A_204 = tpu.memref_slice %arg6[%rem3A_194, %dma_wait3A_203] : memref<2x128xi32, #tpu.memory_space<vmem>> -> memref<1x128xi32, #tpu.memory_space<vmem>>
      %dma_wait3A_205 = tpu.memref_squeeze %dma_wait3A_204 : memref<1x128xi32, #tpu.memory_space<vmem>> -> memref<128xi32, #tpu.memory_space<vmem>>
      %dma_wait3A_206 = arith.constant 0 : i32
      %dma_wait3A_207 = arith.constant 0 : i32
      %dma_wait3A_208 = tpu.memref_slice %arg2[%dma_wait3A_206, %dma_wait3A_207] : memref<10240x128xf32, #tpu.memory_space<hbm>> -> memref<10240x128xf32, #tpu.memory_space<hbm>>
      tpu.wait_indirect_dma semaphore(%arg10 : memref<!tpu.dma_semaphore, #tpu.memory_space<semaphore_mem>>) src(%dma_wait3A_208 : memref<10240x128xf32, #tpu.memory_space<hbm>>) dst(%dma_wait3A_202 : memref<128x128xf32, #tpu.memory_space<vmem>>)
      %add3A_209 = arith.constant 1 : i32
      %add3A_210 = arith.addi %add3A_193, %add3A_209 : i32
      %lt3A = arith.constant 79 : i32
      %lt3A_211 = arith.cmpi slt, %add3A_210, %lt3A : i32
      %convert_element_type3A = arith.extui %lt3A_211 : i1 to i32
      %cond3A = arith.constant 0 : i32
      %cond3A_212 = arith.cmpi ne, %convert_element_type3A, %cond3A : i32
      scf.if %cond3A_212 {
        %dma_wait3A_213 = arith.constant 0 : i32
        %dma_wait3A_214 = arith.constant 0 : i32
        %dma_wait3A_215 = tpu.memref_slice %arg6[%rem3A_198, %dma_wait3A_214] : memref<2x128xi32, #tpu.memory_space<vmem>> -> memref<1x128xi32, #tpu.memory_space<vmem>>
        %dma_wait3A_216 = tpu.memref_squeeze %dma_wait3A_215 : memref<1x128xi32, #tpu.memory_space<vmem>> -> memref<128xi32, #tpu.memory_space<vmem>>
        %dma_wait3A_217 = arith.constant 0 : i32
        %dma_wait3A_218 = tpu.memref_slice %arg3[%add3A, %dma_wait3A_213, %dma_wait3A_217] : memref<32x79x128xi32, #tpu.memory_space<hbm>> -> memref<1x1x128xi32, #tpu.memory_space<hbm>>
        %dma_wait3A_219 = tpu.memref_squeeze %dma_wait3A_218 : memref<1x1x128xi32, #tpu.memory_space<hbm>> -> memref<128xi32, #tpu.memory_space<hbm>>
        %dma_wait3A_220 = arith.constant 0 : i32
        %dma_wait3A_221 = tpu.memref_slice %arg6[%rem3A_198, %dma_wait3A_220] : memref<2x128xi32, #tpu.memory_space<vmem>> -> memref<1x128xi32, #tpu.memory_space<vmem>>
        %dma_wait3A_222 = tpu.memref_squeeze %dma_wait3A_221 : memref<1x128xi32, #tpu.memory_space<vmem>> -> memref<128xi32, #tpu.memory_space<vmem>>
        %dma_wait3A_223 = arith.constant 0 : i32
        %dma_wait3A_224 = tpu.memref_slice %arg3[%add3A, %dma_wait3A_213, %dma_wait3A_223] : memref<32x79x128xi32, #tpu.memory_space<hbm>> -> memref<1x1x128xi32, #tpu.memory_space<hbm>>
        %dma_wait3A_225 = tpu.memref_squeeze %dma_wait3A_224 : memref<1x1x128xi32, #tpu.memory_space<hbm>> -> memref<128xi32, #tpu.memory_space<hbm>>
        tpu.wait_dma2 semaphore(%arg11 : memref<!tpu.dma_semaphore, #tpu.memory_space<semaphore_mem>>) src(%dma_wait3A_225 : memref<128xi32, #tpu.memory_space<hbm>>) dst(%dma_wait3A_222 : memref<128xi32, #tpu.memory_space<vmem>>)
        %dma_start3A_226 = arith.constant 0 : i32
        %dma_start3A_227 = arith.constant 0 : i32
        %dma_start3A_228 = tpu.memref_slice %arg8[%rem3A_198, %dma_start3A_226, %dma_start3A_227] : memref<2x128x128xf32, #tpu.memory_space<vmem>> -> memref<1x128x128xf32, #tpu.memory_space<vmem>>
        %dma_start3A_229 = tpu.memref_squeeze %dma_start3A_228 : memref<1x128x128xf32, #tpu.memory_space<vmem>> -> memref<128x128xf32, #tpu.memory_space<vmem>>
        %dma_start3A_230 = arith.constant 0 : i32
        %dma_start3A_231 = tpu.memref_slice %arg6[%rem3A_198, %dma_start3A_230] : memref<2x128xi32, #tpu.memory_space<vmem>> -> memref<1x128xi32, #tpu.memory_space<vmem>>
        %dma_start3A_232 = tpu.memref_squeeze %dma_start3A_231 : memref<1x128xi32, #tpu.memory_space<vmem>> -> memref<128xi32, #tpu.memory_space<vmem>>
        %dma_start3A_233 = arith.constant 0 : i32
        %dma_start3A_234 = arith.constant 0 : i32
        %dma_start3A_235 = tpu.memref_slice %arg2[%dma_start3A_233, %dma_start3A_234] : memref<10240x128xf32, #tpu.memory_space<hbm>> -> memref<10240x128xf32, #tpu.memory_space<hbm>>
        tpu.enqueue_indirect_dma source(%dma_start3A_235 : memref<10240x128xf32, #tpu.memory_space<hbm>>) target(%dma_start3A_229 : memref<128x128xf32, #tpu.memory_space<vmem>>) offsets(%dma_start3A_232 : memref<128xi32, #tpu.memory_space<vmem>>) semaphore(%arg10 : memref<!tpu.dma_semaphore, #tpu.memory_space<semaphore_mem>>)
        %add3A_236 = arith.constant 2 : i32
        %add3A_237 = arith.addi %add3A_193, %add3A_236 : i32
        %lt3A_238 = arith.constant 79 : i32
        %lt3A_239 = arith.cmpi slt, %add3A_237, %lt3A_238 : i32
        %convert_element_type3A_240 = arith.extui %lt3A_239 : i1 to i32
        %cond3A_241 = arith.constant 0 : i32
        %cond3A_242 = arith.cmpi ne, %convert_element_type3A_240, %cond3A_241 : i32
        scf.if %cond3A_242 {
          %add3A_243 = arith.constant 2 : i32
          %add3A_244 = arith.addi %add3A_193, %add3A_243 : i32
          %dma_start3A_245 = arith.constant 0 : i32
          %dma_start3A_246 = tpu.memref_slice %arg6[%rem3A_194, %dma_start3A_245] : memref<2x128xi32, #tpu.memory_space<vmem>> -> memref<1x128xi32, #tpu.memory_space<vmem>>
          %dma_start3A_247 = tpu.memref_squeeze %dma_start3A_246 : memref<1x128xi32, #tpu.memory_space<vmem>> -> memref<128xi32, #tpu.memory_space<vmem>>
          %dma_start3A_248 = arith.constant 0 : i32
          %dma_start3A_249 = tpu.memref_slice %arg3[%add3A, %add3A_244, %dma_start3A_248] : memref<32x79x128xi32, #tpu.memory_space<hbm>> -> memref<1x1x128xi32, #tpu.memory_space<hbm>>
          %dma_start3A_250 = tpu.memref_squeeze %dma_start3A_249 : memref<1x1x128xi32, #tpu.memory_space<hbm>> -> memref<128xi32, #tpu.memory_space<hbm>>
          %dma_start3A_251 = arith.constant 0 : i32
          %dma_start3A_252 = tpu.memref_slice %arg6[%rem3A_194, %dma_start3A_251] : memref<2x128xi32, #tpu.memory_space<vmem>> -> memref<1x128xi32, #tpu.memory_space<vmem>>
          %dma_start3A_253 = tpu.memref_squeeze %dma_start3A_252 : memref<1x128xi32, #tpu.memory_space<vmem>> -> memref<128xi32, #tpu.memory_space<vmem>>
          %dma_start3A_254 = arith.constant 0 : i32
          %dma_start3A_255 = tpu.memref_slice %arg3[%add3A, %add3A_244, %dma_start3A_254] : memref<32x79x128xi32, #tpu.memory_space<hbm>> -> memref<1x1x128xi32, #tpu.memory_space<hbm>>
          %dma_start3A_256 = tpu.memref_squeeze %dma_start3A_255 : memref<1x1x128xi32, #tpu.memory_space<hbm>> -> memref<128xi32, #tpu.memory_space<hbm>>
          tpu.enqueue_dma source(%dma_start3A_256 : memref<128xi32, #tpu.memory_space<hbm>>) target(%dma_start3A_253 : memref<128xi32, #tpu.memory_space<vmem>>) target_semaphore(%arg11 : memref<!tpu.dma_semaphore, #tpu.memory_space<semaphore_mem>>)
        } else {
        }
      } else {
      }
      "tpu.region"() ({
        %run_scoped3A_213 = tpu.sem_alloc : memref<!tpu.dma_semaphore, #tpu.memory_space<semaphore_mem>>
        %dma_start3A_214 = arith.constant 0 : i32
        %dma_start3A_215 = arith.constant 0 : i32
        %dma_start3A_216 = tpu.memref_slice %arg8[%rem3A_194, %dma_start3A_214, %dma_start3A_215] : memref<2x128x128xf32, #tpu.memory_space<vmem>> -> memref<1x128x128xf32, #tpu.memory_space<vmem>>
        %dma_start3A_217 = tpu.memref_squeeze %dma_start3A_216 : memref<1x128x128xf32, #tpu.memory_space<vmem>> -> memref<128x128xf32, #tpu.memory_space<vmem>>
        %dma_start3A_218 = arith.constant 0 : i32
        %dma_start3A_219 = tpu.memref_slice %arg7[%add3A_193, %dma_start3A_218] : memref<79x128xi32, #tpu.memory_space<vmem>> -> memref<1x128xi32, #tpu.memory_space<vmem>>
        %dma_start3A_220 = tpu.memref_squeeze %dma_start3A_219 : memref<1x128xi32, #tpu.memory_space<vmem>> -> memref<128xi32, #tpu.memory_space<vmem>>
        %dma_start3A_221 = arith.constant 0 : i32
        %dma_start3A_222 = arith.constant 0 : i32
        %dma_start3A_223 = tpu.memref_slice %arg9[%dma_start3A_221, %dma_start3A_222] : memref<10240x128xf32, #tpu.memory_space<vmem_shared>> -> memref<10240x128xf32, #tpu.memory_space<vmem_shared>>
        tpu.enqueue_indirect_dma source(%dma_start3A_217 : memref<128x128xf32, #tpu.memory_space<vmem>>) target(%dma_start3A_223 : memref<10240x128xf32, #tpu.memory_space<vmem_shared>>) offsets(%dma_start3A_220 : memref<128xi32, #tpu.memory_space<vmem>>) semaphore(%run_scoped3A_213 : memref<!tpu.dma_semaphore, #tpu.memory_space<semaphore_mem>>) {add = true}
        %dma_wait3A_224 = arith.constant 0 : i32
        %dma_wait3A_225 = arith.constant 0 : i32
        %dma_wait3A_226 = tpu.memref_slice %arg8[%rem3A_194, %dma_wait3A_224, %dma_wait3A_225] : memref<2x128x128xf32, #tpu.memory_space<vmem>> -> memref<1x128x128xf32, #tpu.memory_space<vmem>>
        %dma_wait3A_227 = tpu.memref_squeeze %dma_wait3A_226 : memref<1x128x128xf32, #tpu.memory_space<vmem>> -> memref<128x128xf32, #tpu.memory_space<vmem>>
        %dma_wait3A_228 = arith.constant 0 : i32
        %dma_wait3A_229 = tpu.memref_slice %arg7[%add3A_193, %dma_wait3A_228] : memref<79x128xi32, #tpu.memory_space<vmem>> -> memref<1x128xi32, #tpu.memory_space<vmem>>
        %dma_wait3A_230 = tpu.memref_squeeze %dma_wait3A_229 : memref<1x128xi32, #tpu.memory_space<vmem>> -> memref<128xi32, #tpu.memory_space<vmem>>
        %dma_wait3A_231 = arith.constant 0 : i32
        %dma_wait3A_232 = arith.constant 0 : i32
        %dma_wait3A_233 = tpu.memref_slice %arg9[%dma_wait3A_231, %dma_wait3A_232] : memref<10240x128xf32, #tpu.memory_space<vmem_shared>> -> memref<10240x128xf32, #tpu.memory_space<vmem_shared>>
        tpu.wait_indirect_dma semaphore(%run_scoped3A_213 : memref<!tpu.dma_semaphore, #tpu.memory_space<semaphore_mem>>) src(%dma_wait3A_227 : memref<128x128xf32, #tpu.memory_space<vmem>>) dst(%dma_wait3A_233 : memref<10240x128xf32, #tpu.memory_space<vmem_shared>>)
        tpu.yield
      }) : () -> ()
    }
    %scan3A_187 = arith.constant 79 : i32
    %barrier3A_188 = arith.constant 0 : index
    tpu.barrier barrier_id(%barrier3A_188)
    "tpu.region"() ({
      %run_scoped3A_189 = tpu.sem_alloc : memref<!tpu.dma_semaphore, #tpu.memory_space<semaphore_mem>>
      %dma_start3A_190 = arith.constant 0 : i32
      %dma_start3A_191 = tpu.memref_slice %arg5[%arg0, %mul3A_2, %dma_start3A_190] : memref<2x10240x128xf32, #tpu.memory_space<hbm>> -> memref<1x640x128xf32, #tpu.memory_space<hbm>>
      %dma_start3A_192 = tpu.memref_squeeze %dma_start3A_191 : memref<1x640x128xf32, #tpu.memory_space<hbm>> -> memref<640x128xf32, #tpu.memory_space<hbm>>
      %dma_start3A_193 = arith.constant 0 : i32
      %dma_start3A_194 = tpu.memref_slice %arg9[%mul3A_2, %dma_start3A_193] : memref<10240x128xf32, #tpu.memory_space<vmem_shared>> -> memref<640x128xf32, #tpu.memory_space<vmem_shared>>
      tpu.enqueue_dma source(%dma_start3A_194 : memref<640x128xf32, #tpu.memory_space<vmem_shared>>) target(%dma_start3A_192 : memref<640x128xf32, #tpu.memory_space<hbm>>) target_semaphore(%run_scoped3A_189 : memref<!tpu.dma_semaphore, #tpu.memory_space<semaphore_mem>>)
      %dma_wait3A_195 = arith.constant 0 : i32
      %dma_wait3A_196 = tpu.memref_slice %arg5[%arg0, %mul3A_2, %dma_wait3A_195] : memref<2x10240x128xf32, #tpu.memory_space<hbm>> -> memref<1x640x128xf32, #tpu.memory_space<hbm>>
      %dma_wait3A_197 = tpu.memref_squeeze %dma_wait3A_196 : memref<1x640x128xf32, #tpu.memory_space<hbm>> -> memref<640x128xf32, #tpu.memory_space<hbm>>
      %dma_wait3A_198 = arith.constant 0 : i32
      %dma_wait3A_199 = tpu.memref_slice %arg9[%mul3A_2, %dma_wait3A_198] : memref<10240x128xf32, #tpu.memory_space<vmem_shared>> -> memref<640x128xf32, #tpu.memory_space<vmem_shared>>
      tpu.wait_dma2 semaphore(%run_scoped3A_189 : memref<!tpu.dma_semaphore, #tpu.memory_space<semaphore_mem>>) src(%dma_wait3A_199 : memref<640x128xf32, #tpu.memory_space<vmem_shared>>) dst(%dma_wait3A_197 : memref<640x128xf32, #tpu.memory_space<hbm>>)
      tpu.yield
    }) : () -> ()
    return
  }
}

#map = affine_map<(d0, d1) -> (0, 0)>
#map1 = affine_map<(d0, d1) -> (0, 0, 0)>
module attributes {stable_mosaic.version = 14 : i64} {
  func.func @body(%arg0: i32, %arg1: i32, %arg2: memref<10240x128xf32, #tpu.memory_space<hbm>>, %arg3: memref<32x79x128xi32, #tpu.memory_space<hbm>>, %arg4: memref<32x79x128xi32, #tpu.memory_space<hbm>>, %arg5: memref<2x10240x128xf32, #tpu.memory_space<hbm>>, %arg6: memref<2x128xi32, #tpu.memory_space<vmem>>, %arg7: memref<79x128xi32, #tpu.memory_space<vmem>>, %arg8: memref<2x128x128xf32, #tpu.memory_space<vmem>>, %arg9: memref<10240x128xf32, #tpu.memory_space<vmem_shared>>, %arg10: memref<!tpu.dma_semaphore, #tpu.memory_space<semaphore_mem>>, %arg11: memref<!tpu.dma_semaphore, #tpu.memory_space<semaphore_mem>>) attributes {dimension_semantics = [#tpu.dimension_semantics<core_parallel>, #tpu.dimension_semantics<subcore_parallel>], iteration_bounds = array<i64: 2, 16>, scalar_prefetch = 0 : i64, scratch_operands = 6 : i64, tpu.core_type = #tpu.core_type<sc_vector_subcore>, window_params = [{transform_indices = #map}, {transform_indices = #map1}, {transform_indices = #map1}, {transform_indices = #map1}]} {
    %mul3A = arith.constant 16 : i32
    %mul3A_0 = arith.muli %arg0, %mul3A : i32
    %add3A = arith.addi %mul3A_0, %arg1 : i32
    %mul3A_1 = arith.constant 640 : i32
    %mul3A_2 = arith.muli %arg1, %mul3A_1 : i32
    %scan3A = arith.constant 0 : i32
    %scan3A_3 = arith.constant 0 : i32
    %scan3A_4 = arith.constant 128 : i32
    %scan3A_5 = arith.addi %scan3A_3, %scan3A_4 : i32
    %scan3A_6 = arith.constant 1 : i32
    scf.for %scan3A_189 = %scan3A_3 to %scan3A_5 step %scan3A_6  : i32 {
      %mul3A_190 = arith.constant 1 : i32
      %mul3A_191 = arith.muli %scan3A_189, %mul3A_190 : i32
      %add3A_192 = arith.constant 0 : i32
      %add3A_193 = arith.addi %add3A_192, %mul3A_191 : i32
      %broadcast_in_dim3A = arith.constant 0.000000e+00 : f32
      %broadcast_in_dim3A_194 = vector.broadcast %broadcast_in_dim3A : f32 to vector<16xf32>
      %swap3A = arith.constant 0 : i32
      %swap3A_195 = arith.constant 0 : i32
      %swap3A_196 = tpu.memref_slice %arg8[%scan3A, %swap3A, %swap3A_195] : memref<2x128x128xf32, #tpu.memory_space<vmem>> -> memref<1x128x128xf32, #tpu.memory_space<vmem>>
      %swap3A_197 = tpu.memref_squeeze %swap3A_196 : memref<1x128x128xf32, #tpu.memory_space<vmem>> -> memref<128x128xf32, #tpu.memory_space<vmem>>
      %swap3A_198 = arith.index_cast %add3A_193 : i32 to index
      %swap3A_199 = arith.constant 0 : index
      %swap3A_200 = tpu.vector_load %swap3A_197[%swap3A_198, %swap3A_199] {strides = array<i32>} : memref<128x128xf32, #tpu.memory_space<vmem>>, vector<1x16xf32>,
      %swap3A_201 = vector.shape_cast %swap3A_200 : vector<1x16xf32> to vector<16xf32>
      %swap3A_202 = vector.shape_cast %broadcast_in_dim3A_194 : vector<16xf32> to vector<1x16xf32>
      tpu.vector_store %swap3A_197[%swap3A_198, %swap3A_199], %swap3A_202 {strides = array<i32>} : memref<128x128xf32, #tpu.memory_space<vmem>>, vector<1x16xf32>,
      %broadcast_in_dim3A_203 = arith.constant 0.000000e+00 : f32
      %broadcast_in_dim3A_204 = vector.broadcast %broadcast_in_dim3A_203 : f32 to vector<16xf32>
      %swap3A_205 = arith.constant 0 : i32
      %swap3A_206 = arith.constant 0 : i32
      %swap3A_207 = tpu.memref_slice %arg8[%scan3A, %swap3A_205, %swap3A_206] : memref<2x128x128xf32, #tpu.memory_space<vmem>> -> memref<1x128x128xf32, #tpu.memory_space<vmem>>
      %swap3A_208 = tpu.memref_squeeze %swap3A_207 : memref<1x128x128xf32, #tpu.memory_space<vmem>> -> memref<128x128xf32, #tpu.memory_space<vmem>>
      %swap3A_209 = arith.index_cast %add3A_193 : i32 to index
      %swap3A_210 = arith.constant 16 : index
      %swap3A_211 = tpu.vector_load %swap3A_208[%swap3A_209, %swap3A_210] {strides = array<i32>} : memref<128x128xf32, #tpu.memory_space<vmem>>, vector<1x16xf32>,
      %swap3A_212 = vector.shape_cast %swap3A_211 : vector<1x16xf32> to vector<16xf32>
      %swap3A_213 = vector.shape_cast %broadcast_in_dim3A_204 : vector<16xf32> to vector<1x16xf32>
      tpu.vector_store %swap3A_208[%swap3A_209, %swap3A_210], %swap3A_213 {strides = array<i32>} : memref<128x128xf32, #tpu.memory_space<vmem>>, vector<1x16xf32>,
      %broadcast_in_dim3A_214 = arith.constant 0.000000e+00 : f32
      %broadcast_in_dim3A_215 = vector.broadcast %broadcast_in_dim3A_214 : f32 to vector<16xf32>
      %swap3A_216 = arith.constant 0 : i32
      %swap3A_217 = arith.constant 0 : i32
      %swap3A_218 = tpu.memref_slice %arg8[%scan3A, %swap3A_216, %swap3A_217] : memref<2x128x128xf32, #tpu.memory_space<vmem>> -> memref<1x128x128xf32, #tpu.memory_space<vmem>>
      %swap3A_219 = tpu.memref_squeeze %swap3A_218 : memref<1x128x128xf32, #tpu.memory_space<vmem>> -> memref<128x128xf32, #tpu.memory_space<vmem>>
      %swap3A_220 = arith.index_cast %add3A_193 : i32 to index
      %swap3A_221 = arith.constant 32 : index
      %swap3A_222 = tpu.vector_load %swap3A_219[%swap3A_220, %swap3A_221] {strides = array<i32>} : memref<128x128xf32, #tpu.memory_space<vmem>>, vector<1x16xf32>,
      %swap3A_223 = vector.shape_cast %swap3A_222 : vector<1x16xf32> to vector<16xf32>
      %swap3A_224 = vector.shape_cast %broadcast_in_dim3A_215 : vector<16xf32> to vector<1x16xf32>
      tpu.vector_store %swap3A_219[%swap3A_220, %swap3A_221], %swap3A_224 {strides = array<i32>} : memref<128x128xf32, #tpu.memory_space<vmem>>, vector<1x16xf32>,
      %broadcast_in_dim3A_225 = arith.constant 0.000000e+00 : f32
      %broadcast_in_dim3A_226 = vector.broadcast %broadcast_in_dim3A_225 : f32 to vector<16xf32>
      %swap3A_227 = arith.constant 0 : i32
      %swap3A_228 = arith.constant 0 : i32
      %swap3A_229 = tpu.memref_slice %arg8[%scan3A, %swap3A_227, %swap3A_228] : memref<2x128x128xf32, #tpu.memory_space<vmem>> -> memref<1x128x128xf32, #tpu.memory_space<vmem>>
      %swap3A_230 = tpu.memref_squeeze %swap3A_229 : memref<1x128x128xf32, #tpu.memory_space<vmem>> -> memref<128x128xf32, #tpu.memory_space<vmem>>
      %swap3A_231 = arith.index_cast %add3A_193 : i32 to index
      %swap3A_232 = arith.constant 48 : index
      %swap3A_233 = tpu.vector_load %swap3A_230[%swap3A_231, %swap3A_232] {strides = array<i32>} : memref<128x128xf32, #tpu.memory_space<vmem>>, vector<1x16xf32>,
      %swap3A_234 = vector.shape_cast %swap3A_233 : vector<1x16xf32> to vector<16xf32>
      %swap3A_235 = vector.shape_cast %broadcast_in_dim3A_226 : vector<16xf32> to vector<1x16xf32>
      tpu.vector_store %swap3A_230[%swap3A_231, %swap3A_232], %swap3A_235 {strides = array<i32>} : memref<128x128xf32, #tpu.memory_space<vmem>>, vector<1x16xf32>,
      %broadcast_in_dim3A_236 = arith.constant 0.000000e+00 : f32
      %broadcast_in_dim3A_237 = vector.broadcast %broadcast_in_dim3A_236 : f32 to vector<16xf32>
      %swap3A_238 = arith.constant 0 : i32
      %swap3A_239 = arith.constant 0 : i32
      %swap3A_240 = tpu.memref_slice %arg8[%scan3A, %swap3A_238, %swap3A_239] : memref<2x128x128xf32, #tpu.memory_space<vmem>> -> memref<1x128x128xf32, #tpu.memory_space<vmem>>
      %swap3A_241 = tpu.memref_squeeze %swap3A_240 : memref<1x128x128xf32, #tpu.memory_space<vmem>> -> memref<128x128xf32, #tpu.memory_space<vmem>>
      %swap3A_242 = arith.index_cast %add3A_193 : i32 to index
      %swap3A_243 = arith.constant 64 : index
      %swap3A_244 = tpu.vector_load %swap3A_241[%swap3A_242, %swap3A_243] {strides = array<i32>} : memref<128x128xf32, #tpu.memory_space<vmem>>, vector<1x16xf32>,
      %swap3A_245 = vector.shape_cast %swap3A_244 : vector<1x16xf32> to vector<16xf32>
      %swap3A_246 = vector.shape_cast %broadcast_in_dim3A_237 : vector<16xf32> to vector<1x16xf32>
      tpu.vector_store %swap3A_241[%swap3A_242, %swap3A_243], %swap3A_246 {strides = array<i32>} : memref<128x128xf32, #tpu.memory_space<vmem>>, vector<1x16xf32>,
      %broadcast_in_dim3A_247 = arith.constant 0.000000e+00 : f32
      %broadcast_in_dim3A_248 = vector.broadcast %broadcast_in_dim3A_247 : f32 to vector<16xf32>
      %swap3A_249 = arith.constant 0 : i32
      %swap3A_250 = arith.constant 0 : i32
      %swap3A_251 = tpu.memref_slice %arg8[%scan3A, %swap3A_249, %swap3A_250] : memref<2x128x128xf32, #tpu.memory_space<vmem>> -> memref<1x128x128xf32, #tpu.memory_space<vmem>>
      %swap3A_252 = tpu.memref_squeeze %swap3A_251 : memref<1x128x128xf32, #tpu.memory_space<vmem>> -> memref<128x128xf32, #tpu.memory_space<vmem>>
      %swap3A_253 = arith.index_cast %add3A_193 : i32 to index
      %swap3A_254 = arith.constant 80 : index
      %swap3A_255 = tpu.vector_load %swap3A_252[%swap3A_253, %swap3A_254] {strides = array<i32>} : memref<128x128xf32, #tpu.memory_space<vmem>>, vector<1x16xf32>,
      %swap3A_256 = vector.shape_cast %swap3A_255 : vector<1x16xf32> to vector<16xf32>
      %swap3A_257 = vector.shape_cast %broadcast_in_dim3A_248 : vector<16xf32> to vector<1x16xf32>
      tpu.vector_store %swap3A_252[%swap3A_253, %swap3A_254], %swap3A_257 {strides = array<i32>} : memref<128x128xf32, #tpu.memory_space<vmem>>, vector<1x16xf32>,
      %broadcast_in_dim3A_258 = arith.constant 0.000000e+00 : f32
      %broadcast_in_dim3A_259 = vector.broadcast %broadcast_in_dim3A_258 : f32 to vector<16xf32>
      %swap3A_260 = arith.constant 0 : i32
      %swap3A_261 = arith.constant 0 : i32
      %swap3A_262 = tpu.memref_slice %arg8[%scan3A, %swap3A_260, %swap3A_261] : memref<2x128x128xf32, #tpu.memory_space<vmem>> -> memref<1x128x128xf32, #tpu.memory_space<vmem>>
      %swap3A_263 = tpu.memref_squeeze %swap3A_262 : memref<1x128x128xf32, #tpu.memory_space<vmem>> -> memref<128x128xf32, #tpu.memory_space<vmem>>
      %swap3A_264 = arith.index_cast %add3A_193 : i32 to index
      %swap3A_265 = arith.constant 96 : index
      %swap3A_266 = tpu.vector_load %swap3A_263[%swap3A_264, %swap3A_265] {strides = array<i32>} : memref<128x128xf32, #tpu.memory_space<vmem>>, vector<1x16xf32>,
      %swap3A_267 = vector.shape_cast %swap3A_266 : vector<1x16xf32> to vector<16xf32>
      %swap3A_268 = vector.shape_cast %broadcast_in_dim3A_259 : vector<16xf32> to vector<1x16xf32>
      tpu.vector_store %swap3A_263[%swap3A_264, %swap3A_265], %swap3A_268 {strides = array<i32>} : memref<128x128xf32, #tpu.memory_space<vmem>>, vector<1x16xf32>,
      %broadcast_in_dim3A_269 = arith.constant 0.000000e+00 : f32
      %broadcast_in_dim3A_270 = vector.broadcast %broadcast_in_dim3A_269 : f32 to vector<16xf32>
      %swap3A_271 = arith.constant 0 : i32
      %swap3A_272 = arith.constant 0 : i32
      %swap3A_273 = tpu.memref_slice %arg8[%scan3A, %swap3A_271, %swap3A_272] : memref<2x128x128xf32, #tpu.memory_space<vmem>> -> memref<1x128x128xf32, #tpu.memory_space<vmem>>
      %swap3A_274 = tpu.memref_squeeze %swap3A_273 : memref<1x128x128xf32, #tpu.memory_space<vmem>> -> memref<128x128xf32, #tpu.memory_space<vmem>>
      %swap3A_275 = arith.index_cast %add3A_193 : i32 to index
      %swap3A_276 = arith.constant 112 : index
      %swap3A_277 = tpu.vector_load %swap3A_274[%swap3A_275, %swap3A_276] {strides = array<i32>} : memref<128x128xf32, #tpu.memory_space<vmem>>, vector<1x16xf32>,
      %swap3A_278 = vector.shape_cast %swap3A_277 : vector<1x16xf32> to vector<16xf32>
      %swap3A_279 = vector.shape_cast %broadcast_in_dim3A_270 : vector<16xf32> to vector<1x16xf32>
      tpu.vector_store %swap3A_274[%swap3A_275, %swap3A_276], %swap3A_279 {strides = array<i32>} : memref<128x128xf32, #tpu.memory_space<vmem>>, vector<1x16xf32>,
    }
    %scan3A_7 = arith.constant 128 : i32
    %add3A_8 = arith.constant 0 : i32
    %add3A_9 = arith.addi %mul3A_2, %add3A_8 : i32
    %dma_start3A = arith.constant 0 : i32
    %dma_start3A_10 = arith.constant 0 : i32
    %dma_start3A_11 = arith.constant 0 : i32
    %dma_start3A_12 = tpu.memref_slice %arg8[%dma_start3A, %dma_start3A_10, %dma_start3A_11] : memref<2x128x128xf32, #tpu.memory_space<vmem>> -> memref<1x128x128xf32, #tpu.memory_space<vmem>>
    %dma_start3A_13 = tpu.memref_squeeze %dma_start3A_12 : memref<1x128x128xf32, #tpu.memory_space<vmem>> -> memref<128x128xf32, #tpu.memory_space<vmem>>
    %dma_start3A_14 = arith.constant 0 : i32
    %dma_start3A_15 = tpu.memref_slice %arg9[%add3A_9, %dma_start3A_14] : memref<10240x128xf32, #tpu.memory_space<vmem_shared>> -> memref<128x128xf32, #tpu.memory_space<vmem_shared>>
    %dma_start3A_16 = arith.constant 0 : i32
    %dma_start3A_17 = tpu.memref_slice %arg9[%add3A_9, %dma_start3A_16] : memref<10240x128xf32, #tpu.memory_space<vmem_shared>> -> memref<128x128xf32, #tpu.memory_space<vmem_shared>>
    %dma_start3A_18 = arith.constant 0 : i32
    %dma_start3A_19 = arith.constant 0 : i32
    %dma_start3A_20 = tpu.memref_slice %arg8[%dma_start3A, %dma_start3A_18, %dma_start3A_19] : memref<2x128x128xf32, #tpu.memory_space<vmem>> -> memref<1x128x128xf32, #tpu.memory_space<vmem>>
    %dma_start3A_21 = tpu.memref_squeeze %dma_start3A_20 : memref<1x128x128xf32, #tpu.memory_space<vmem>> -> memref<128x128xf32, #tpu.memory_space<vmem>>
    tpu.enqueue_dma source(%dma_start3A_21 : memref<128x128xf32, #tpu.memory_space<vmem>>) target(%dma_start3A_17 : memref<128x128xf32, #tpu.memory_space<vmem_shared>>) target_semaphore(%arg10 : memref<!tpu.dma_semaphore, #tpu.memory_space<semaphore_mem>>)
    %add3A_22 = arith.constant 128 : i32
    %add3A_23 = arith.addi %mul3A_2, %add3A_22 : i32
    %dma_start3A_24 = arith.constant 0 : i32
    %dma_start3A_25 = arith.constant 0 : i32
    %dma_start3A_26 = arith.constant 0 : i32
    %dma_start3A_27 = tpu.memref_slice %arg8[%dma_start3A_24, %dma_start3A_25, %dma_start3A_26] : memref<2x128x128xf32, #tpu.memory_space<vmem>> -> memref<1x128x128xf32, #tpu.memory_space<vmem>>
    %dma_start3A_28 = tpu.memref_squeeze %dma_start3A_27 : memref<1x128x128xf32, #tpu.memory_space<vmem>> -> memref<128x128xf32, #tpu.memory_space<vmem>>
    %dma_start3A_29 = arith.constant 0 : i32
    %dma_start3A_30 = tpu.memref_slice %arg9[%add3A_23, %dma_start3A_29] : memref<10240x128xf32, #tpu.memory_space<vmem_shared>> -> memref<128x128xf32, #tpu.memory_space<vmem_shared>>
    %dma_start3A_31 = arith.constant 0 : i32
    %dma_start3A_32 = tpu.memref_slice %arg9[%add3A_23, %dma_start3A_31] : memref<10240x128xf32, #tpu.memory_space<vmem_shared>> -> memref<128x128xf32, #tpu.memory_space<vmem_shared>>
    %dma_start3A_33 = arith.constant 0 : i32
    %dma_start3A_34 = arith.constant 0 : i32
    %dma_start3A_35 = tpu.memref_slice %arg8[%dma_start3A_24, %dma_start3A_33, %dma_start3A_34] : memref<2x128x128xf32, #tpu.memory_space<vmem>> -> memref<1x128x128xf32, #tpu.memory_space<vmem>>
    %dma_start3A_36 = tpu.memref_squeeze %dma_start3A_35 : memref<1x128x128xf32, #tpu.memory_space<vmem>> -> memref<128x128xf32, #tpu.memory_space<vmem>>
    tpu.enqueue_dma source(%dma_start3A_36 : memref<128x128xf32, #tpu.memory_space<vmem>>) target(%dma_start3A_32 : memref<128x128xf32, #tpu.memory_space<vmem_shared>>) target_semaphore(%arg10 : memref<!tpu.dma_semaphore, #tpu.memory_space<semaphore_mem>>)
    %add3A_37 = arith.constant 256 : i32
    %add3A_38 = arith.addi %mul3A_2, %add3A_37 : i32
    %dma_start3A_39 = arith.constant 0 : i32
    %dma_start3A_40 = arith.constant 0 : i32
    %dma_start3A_41 = arith.constant 0 : i32
    %dma_start3A_42 = tpu.memref_slice %arg8[%dma_start3A_39, %dma_start3A_40, %dma_start3A_41] : memref<2x128x128xf32, #tpu.memory_space<vmem>> -> memref<1x128x128xf32, #tpu.memory_space<vmem>>
    %dma_start3A_43 = tpu.memref_squeeze %dma_start3A_42 : memref<1x128x128xf32, #tpu.memory_space<vmem>> -> memref<128x128xf32, #tpu.memory_space<vmem>>
    %dma_start3A_44 = arith.constant 0 : i32
    %dma_start3A_45 = tpu.memref_slice %arg9[%add3A_38, %dma_start3A_44] : memref<10240x128xf32, #tpu.memory_space<vmem_shared>> -> memref<128x128xf32, #tpu.memory_space<vmem_shared>>
    %dma_start3A_46 = arith.constant 0 : i32
    %dma_start3A_47 = tpu.memref_slice %arg9[%add3A_38, %dma_start3A_46] : memref<10240x128xf32, #tpu.memory_space<vmem_shared>> -> memref<128x128xf32, #tpu.memory_space<vmem_shared>>
    %dma_start3A_48 = arith.constant 0 : i32
    %dma_start3A_49 = arith.constant 0 : i32
    %dma_start3A_50 = tpu.memref_slice %arg8[%dma_start3A_39, %dma_start3A_48, %dma_start3A_49] : memref<2x128x128xf32, #tpu.memory_space<vmem>> -> memref<1x128x128xf32, #tpu.memory_space<vmem>>
    %dma_start3A_51 = tpu.memref_squeeze %dma_start3A_50 : memref<1x128x128xf32, #tpu.memory_space<vmem>> -> memref<128x128xf32, #tpu.memory_space<vmem>>
    tpu.enqueue_dma source(%dma_start3A_51 : memref<128x128xf32, #tpu.memory_space<vmem>>) target(%dma_start3A_47 : memref<128x128xf32, #tpu.memory_space<vmem_shared>>) target_semaphore(%arg10 : memref<!tpu.dma_semaphore, #tpu.memory_space<semaphore_mem>>)
    %add3A_52 = arith.constant 384 : i32
    %add3A_53 = arith.addi %mul3A_2, %add3A_52 : i32
    %dma_start3A_54 = arith.constant 0 : i32
    %dma_start3A_55 = arith.constant 0 : i32
    %dma_start3A_56 = arith.constant 0 : i32
    %dma_start3A_57 = tpu.memref_slice %arg8[%dma_start3A_54, %dma_start3A_55, %dma_start3A_56] : memref<2x128x128xf32, #tpu.memory_space<vmem>> -> memref<1x128x128xf32, #tpu.memory_space<vmem>>
    %dma_start3A_58 = tpu.memref_squeeze %dma_start3A_57 : memref<1x128x128xf32, #tpu.memory_space<vmem>> -> memref<128x128xf32, #tpu.memory_space<vmem>>
    %dma_start3A_59 = arith.constant 0 : i32
    %dma_start3A_60 = tpu.memref_slice %arg9[%add3A_53, %dma_start3A_59] : memref<10240x128xf32, #tpu.memory_space<vmem_shared>> -> memref<128x128xf32, #tpu.memory_space<vmem_shared>>
    %dma_start3A_61 = arith.constant 0 : i32
    %dma_start3A_62 = tpu.memref_slice %arg9[%add3A_53, %dma_start3A_61] : memref<10240x128xf32, #tpu.memory_space<vmem_shared>> -> memref<128x128xf32, #tpu.memory_space<vmem_shared>>
    %dma_start3A_63 = arith.constant 0 : i32
    %dma_start3A_64 = arith.constant 0 : i32
    %dma_start3A_65 = tpu.memref_slice %arg8[%dma_start3A_54, %dma_start3A_63, %dma_start3A_64] : memref<2x128x128xf32, #tpu.memory_space<vmem>> -> memref<1x128x128xf32, #tpu.memory_space<vmem>>
    %dma_start3A_66 = tpu.memref_squeeze %dma_start3A_65 : memref<1x128x128xf32, #tpu.memory_space<vmem>> -> memref<128x128xf32, #tpu.memory_space<vmem>>
    tpu.enqueue_dma source(%dma_start3A_66 : memref<128x128xf32, #tpu.memory_space<vmem>>) target(%dma_start3A_62 : memref<128x128xf32, #tpu.memory_space<vmem_shared>>) target_semaphore(%arg10 : memref<!tpu.dma_semaphore, #tpu.memory_space<semaphore_mem>>)
    %add3A_67 = arith.constant 512 : i32
    %add3A_68 = arith.addi %mul3A_2, %add3A_67 : i32
    %dma_start3A_69 = arith.constant 0 : i32
    %dma_start3A_70 = arith.constant 0 : i32
    %dma_start3A_71 = arith.constant 0 : i32
    %dma_start3A_72 = tpu.memref_slice %arg8[%dma_start3A_69, %dma_start3A_70, %dma_start3A_71] : memref<2x128x128xf32, #tpu.memory_space<vmem>> -> memref<1x128x128xf32, #tpu.memory_space<vmem>>
    %dma_start3A_73 = tpu.memref_squeeze %dma_start3A_72 : memref<1x128x128xf32, #tpu.memory_space<vmem>> -> memref<128x128xf32, #tpu.memory_space<vmem>>
    %dma_start3A_74 = arith.constant 0 : i32
    %dma_start3A_75 = tpu.memref_slice %arg9[%add3A_68, %dma_start3A_74] : memref<10240x128xf32, #tpu.memory_space<vmem_shared>> -> memref<128x128xf32, #tpu.memory_space<vmem_shared>>
    %dma_start3A_76 = arith.constant 0 : i32
    %dma_start3A_77 = tpu.memref_slice %arg9[%add3A_68, %dma_start3A_76] : memref<10240x128xf32, #tpu.memory_space<vmem_shared>> -> memref<128x128xf32, #tpu.memory_space<vmem_shared>>
    %dma_start3A_78 = arith.constant 0 : i32
    %dma_start3A_79 = arith.constant 0 : i32
    %dma_start3A_80 = tpu.memref_slice %arg8[%dma_start3A_69, %dma_start3A_78, %dma_start3A_79] : memref<2x128x128xf32, #tpu.memory_space<vmem>> -> memref<1x128x128xf32, #tpu.memory_space<vmem>>
    %dma_start3A_81 = tpu.memref_squeeze %dma_start3A_80 : memref<1x128x128xf32, #tpu.memory_space<vmem>> -> memref<128x128xf32, #tpu.memory_space<vmem>>
    tpu.enqueue_dma source(%dma_start3A_81 : memref<128x128xf32, #tpu.memory_space<vmem>>) target(%dma_start3A_77 : memref<128x128xf32, #tpu.memory_space<vmem_shared>>) target_semaphore(%arg10 : memref<!tpu.dma_semaphore, #tpu.memory_space<semaphore_mem>>)
    "tpu.region"() ({
      %run_scoped3A_189 = tpu.sem_alloc : memref<!tpu.dma_semaphore, #tpu.memory_space<semaphore_mem>>
      %dma_start3A_190 = arith.constant 0 : i32
      %dma_start3A_191 = arith.constant 0 : i32
      %dma_start3A_192 = tpu.memref_slice %arg4[%add3A, %dma_start3A_190, %dma_start3A_191] : memref<32x79x128xi32, #tpu.memory_space<hbm>> -> memref<1x79x128xi32, #tpu.memory_space<hbm>>
      %dma_start3A_193 = tpu.memref_squeeze %dma_start3A_192 : memref<1x79x128xi32, #tpu.memory_space<hbm>> -> memref<79x128xi32, #tpu.memory_space<hbm>>
      %dma_start3A_194 = arith.constant 0 : i32
      %dma_start3A_195 = arith.constant 0 : i32
      %dma_start3A_196 = tpu.memref_slice %arg4[%add3A, %dma_start3A_194, %dma_start3A_195] : memref<32x79x128xi32, #tpu.memory_space<hbm>> -> memref<1x79x128xi32, #tpu.memory_space<hbm>>
      %dma_start3A_197 = tpu.memref_squeeze %dma_start3A_196 : memref<1x79x128xi32, #tpu.memory_space<hbm>> -> memref<79x128xi32, #tpu.memory_space<hbm>>
      tpu.enqueue_dma source(%dma_start3A_197 : memref<79x128xi32, #tpu.memory_space<hbm>>) target(%arg7 : memref<79x128xi32, #tpu.memory_space<vmem>>) target_semaphore(%run_scoped3A_189 : memref<!tpu.dma_semaphore, #tpu.memory_space<semaphore_mem>>)
      %dma_wait3A_198 = arith.constant 0 : i32
      %dma_wait3A_199 = arith.constant 0 : i32
      %dma_wait3A_200 = tpu.memref_slice %arg4[%add3A, %dma_wait3A_198, %dma_wait3A_199] : memref<32x79x128xi32, #tpu.memory_space<hbm>> -> memref<1x79x128xi32, #tpu.memory_space<hbm>>
      %dma_wait3A_201 = tpu.memref_squeeze %dma_wait3A_200 : memref<1x79x128xi32, #tpu.memory_space<hbm>> -> memref<79x128xi32, #tpu.memory_space<hbm>>
      %dma_wait3A_202 = arith.constant 0 : i32
      %dma_wait3A_203 = arith.constant 0 : i32
      %dma_wait3A_204 = tpu.memref_slice %arg4[%add3A, %dma_wait3A_202, %dma_wait3A_203] : memref<32x79x128xi32, #tpu.memory_space<hbm>> -> memref<1x79x128xi32, #tpu.memory_space<hbm>>
      %dma_wait3A_205 = tpu.memref_squeeze %dma_wait3A_204 : memref<1x79x128xi32, #tpu.memory_space<hbm>> -> memref<79x128xi32, #tpu.memory_space<hbm>>
      tpu.wait_dma2 semaphore(%run_scoped3A_189 : memref<!tpu.dma_semaphore, #tpu.memory_space<semaphore_mem>>) src(%dma_wait3A_205 : memref<79x128xi32, #tpu.memory_space<hbm>>) dst(%arg7 : memref<79x128xi32, #tpu.memory_space<vmem>>)
      tpu.yield
    }) : () -> ()
    %add3A_82 = arith.constant 0 : i32
    %add3A_83 = arith.addi %mul3A_2, %add3A_82 : i32
    %dma_wait3A = arith.constant 0 : i32
    %dma_wait3A_84 = arith.constant 0 : i32
    %dma_wait3A_85 = arith.constant 0 : i32
    %dma_wait3A_86 = tpu.memref_slice %arg8[%dma_wait3A, %dma_wait3A_84, %dma_wait3A_85] : memref<2x128x128xf32, #tpu.memory_space<vmem>> -> memref<1x128x128xf32, #tpu.memory_space<vmem>>
    %dma_wait3A_87 = tpu.memref_squeeze %dma_wait3A_86 : memref<1x128x128xf32, #tpu.memory_space<vmem>> -> memref<128x128xf32, #tpu.memory_space<vmem>>
    %dma_wait3A_88 = arith.constant 0 : i32
    %dma_wait3A_89 = tpu.memref_slice %arg9[%add3A_83, %dma_wait3A_88] : memref<10240x128xf32, #tpu.memory_space<vmem_shared>> -> memref<128x128xf32, #tpu.memory_space<vmem_shared>>
    %dma_wait3A_90 = arith.constant 0 : i32
    %dma_wait3A_91 = tpu.memref_slice %arg9[%add3A_83, %dma_wait3A_90] : memref<10240x128xf32, #tpu.memory_space<vmem_shared>> -> memref<128x128xf32, #tpu.memory_space<vmem_shared>>
    %dma_wait3A_92 = arith.constant 0 : i32
    %dma_wait3A_93 = arith.constant 0 : i32
    %dma_wait3A_94 = tpu.memref_slice %arg8[%dma_wait3A, %dma_wait3A_92, %dma_wait3A_93] : memref<2x128x128xf32, #tpu.memory_space<vmem>> -> memref<1x128x128xf32, #tpu.memory_space<vmem>>
    %dma_wait3A_95 = tpu.memref_squeeze %dma_wait3A_94 : memref<1x128x128xf32, #tpu.memory_space<vmem>> -> memref<128x128xf32, #tpu.memory_space<vmem>>
    tpu.wait_dma2 semaphore(%arg10 : memref<!tpu.dma_semaphore, #tpu.memory_space<semaphore_mem>>) src(%dma_wait3A_95 : memref<128x128xf32, #tpu.memory_space<vmem>>) dst(%dma_wait3A_91 : memref<128x128xf32, #tpu.memory_space<vmem_shared>>)
    %add3A_96 = arith.constant 128 : i32
    %add3A_97 = arith.addi %mul3A_2, %add3A_96 : i32
    %dma_wait3A_98 = arith.constant 0 : i32
    %dma_wait3A_99 = arith.constant 0 : i32
    %dma_wait3A_100 = arith.constant 0 : i32
    %dma_wait3A_101 = tpu.memref_slice %arg8[%dma_wait3A_98, %dma_wait3A_99, %dma_wait3A_100] : memref<2x128x128xf32, #tpu.memory_space<vmem>> -> memref<1x128x128xf32, #tpu.memory_space<vmem>>
    %dma_wait3A_102 = tpu.memref_squeeze %dma_wait3A_101 : memref<1x128x128xf32, #tpu.memory_space<vmem>> -> memref<128x128xf32, #tpu.memory_space<vmem>>
    %dma_wait3A_103 = arith.constant 0 : i32
    %dma_wait3A_104 = tpu.memref_slice %arg9[%add3A_97, %dma_wait3A_103] : memref<10240x128xf32, #tpu.memory_space<vmem_shared>> -> memref<128x128xf32, #tpu.memory_space<vmem_shared>>
    %dma_wait3A_105 = arith.constant 0 : i32
    %dma_wait3A_106 = tpu.memref_slice %arg9[%add3A_97, %dma_wait3A_105] : memref<10240x128xf32, #tpu.memory_space<vmem_shared>> -> memref<128x128xf32, #tpu.memory_space<vmem_shared>>
    %dma_wait3A_107 = arith.constant 0 : i32
    %dma_wait3A_108 = arith.constant 0 : i32
    %dma_wait3A_109 = tpu.memref_slice %arg8[%dma_wait3A_98, %dma_wait3A_107, %dma_wait3A_108] : memref<2x128x128xf32, #tpu.memory_space<vmem>> -> memref<1x128x128xf32, #tpu.memory_space<vmem>>
    %dma_wait3A_110 = tpu.memref_squeeze %dma_wait3A_109 : memref<1x128x128xf32, #tpu.memory_space<vmem>> -> memref<128x128xf32, #tpu.memory_space<vmem>>
    tpu.wait_dma2 semaphore(%arg10 : memref<!tpu.dma_semaphore, #tpu.memory_space<semaphore_mem>>) src(%dma_wait3A_110 : memref<128x128xf32, #tpu.memory_space<vmem>>) dst(%dma_wait3A_106 : memref<128x128xf32, #tpu.memory_space<vmem_shared>>)
    %add3A_111 = arith.constant 256 : i32
    %add3A_112 = arith.addi %mul3A_2, %add3A_111 : i32
    %dma_wait3A_113 = arith.constant 0 : i32
    %dma_wait3A_114 = arith.constant 0 : i32
    %dma_wait3A_115 = arith.constant 0 : i32
    %dma_wait3A_116 = tpu.memref_slice %arg8[%dma_wait3A_113, %dma_wait3A_114, %dma_wait3A_115] : memref<2x128x128xf32, #tpu.memory_space<vmem>> -> memref<1x128x128xf32, #tpu.memory_space<vmem>>
    %dma_wait3A_117 = tpu.memref_squeeze %dma_wait3A_116 : memref<1x128x128xf32, #tpu.memory_space<vmem>> -> memref<128x128xf32, #tpu.memory_space<vmem>>
    %dma_wait3A_118 = arith.constant 0 : i32
    %dma_wait3A_119 = tpu.memref_slice %arg9[%add3A_112, %dma_wait3A_118] : memref<10240x128xf32, #tpu.memory_space<vmem_shared>> -> memref<128x128xf32, #tpu.memory_space<vmem_shared>>
    %dma_wait3A_120 = arith.constant 0 : i32
    %dma_wait3A_121 = tpu.memref_slice %arg9[%add3A_112, %dma_wait3A_120] : memref<10240x128xf32, #tpu.memory_space<vmem_shared>> -> memref<128x128xf32, #tpu.memory_space<vmem_shared>>
    %dma_wait3A_122 = arith.constant 0 : i32
    %dma_wait3A_123 = arith.constant 0 : i32
    %dma_wait3A_124 = tpu.memref_slice %arg8[%dma_wait3A_113, %dma_wait3A_122, %dma_wait3A_123] : memref<2x128x128xf32, #tpu.memory_space<vmem>> -> memref<1x128x128xf32, #tpu.memory_space<vmem>>
    %dma_wait3A_125 = tpu.memref_squeeze %dma_wait3A_124 : memref<1x128x128xf32, #tpu.memory_space<vmem>> -> memref<128x128xf32, #tpu.memory_space<vmem>>
    tpu.wait_dma2 semaphore(%arg10 : memref<!tpu.dma_semaphore, #tpu.memory_space<semaphore_mem>>) src(%dma_wait3A_125 : memref<128x128xf32, #tpu.memory_space<vmem>>) dst(%dma_wait3A_121 : memref<128x128xf32, #tpu.memory_space<vmem_shared>>)
    %add3A_126 = arith.constant 384 : i32
    %add3A_127 = arith.addi %mul3A_2, %add3A_126 : i32
    %dma_wait3A_128 = arith.constant 0 : i32
    %dma_wait3A_129 = arith.constant 0 : i32
    %dma_wait3A_130 = arith.constant 0 : i32
    %dma_wait3A_131 = tpu.memref_slice %arg8[%dma_wait3A_128, %dma_wait3A_129, %dma_wait3A_130] : memref<2x128x128xf32, #tpu.memory_space<vmem>> -> memref<1x128x128xf32, #tpu.memory_space<vmem>>
    %dma_wait3A_132 = tpu.memref_squeeze %dma_wait3A_131 : memref<1x128x128xf32, #tpu.memory_space<vmem>> -> memref<128x128xf32, #tpu.memory_space<vmem>>
    %dma_wait3A_133 = arith.constant 0 : i32
    %dma_wait3A_134 = tpu.memref_slice %arg9[%add3A_127, %dma_wait3A_133] : memref<10240x128xf32, #tpu.memory_space<vmem_shared>> -> memref<128x128xf32, #tpu.memory_space<vmem_shared>>
    %dma_wait3A_135 = arith.constant 0 : i32
    %dma_wait3A_136 = tpu.memref_slice %arg9[%add3A_127, %dma_wait3A_135] : memref<10240x128xf32, #tpu.memory_space<vmem_shared>> -> memref<128x128xf32, #tpu.memory_space<vmem_shared>>
    %dma_wait3A_137 = arith.constant 0 : i32
    %dma_wait3A_138 = arith.constant 0 : i32
    %dma_wait3A_139 = tpu.memref_slice %arg8[%dma_wait3A_128, %dma_wait3A_137, %dma_wait3A_138] : memref<2x128x128xf32, #tpu.memory_space<vmem>> -> memref<1x128x128xf32, #tpu.memory_space<vmem>>
    %dma_wait3A_140 = tpu.memref_squeeze %dma_wait3A_139 : memref<1x128x128xf32, #tpu.memory_space<vmem>> -> memref<128x128xf32, #tpu.memory_space<vmem>>
    tpu.wait_dma2 semaphore(%arg10 : memref<!tpu.dma_semaphore, #tpu.memory_space<semaphore_mem>>) src(%dma_wait3A_140 : memref<128x128xf32, #tpu.memory_space<vmem>>) dst(%dma_wait3A_136 : memref<128x128xf32, #tpu.memory_space<vmem_shared>>)
    %add3A_141 = arith.constant 512 : i32
    %add3A_142 = arith.addi %mul3A_2, %add3A_141 : i32
    %dma_wait3A_143 = arith.constant 0 : i32
    %dma_wait3A_144 = arith.constant 0 : i32
    %dma_wait3A_145 = arith.constant 0 : i32
    %dma_wait3A_146 = tpu.memref_slice %arg8[%dma_wait3A_143, %dma_wait3A_144, %dma_wait3A_145] : memref<2x128x128xf32, #tpu.memory_space<vmem>> -> memref<1x128x128xf32, #tpu.memory_space<vmem>>
    %dma_wait3A_147 = tpu.memref_squeeze %dma_wait3A_146 : memref<1x128x128xf32, #tpu.memory_space<vmem>> -> memref<128x128xf32, #tpu.memory_space<vmem>>
    %dma_wait3A_148 = arith.constant 0 : i32
    %dma_wait3A_149 = tpu.memref_slice %arg9[%add3A_142, %dma_wait3A_148] : memref<10240x128xf32, #tpu.memory_space<vmem_shared>> -> memref<128x128xf32, #tpu.memory_space<vmem_shared>>
    %dma_wait3A_150 = arith.constant 0 : i32
    %dma_wait3A_151 = tpu.memref_slice %arg9[%add3A_142, %dma_wait3A_150] : memref<10240x128xf32, #tpu.memory_space<vmem_shared>> -> memref<128x128xf32, #tpu.memory_space<vmem_shared>>
    %dma_wait3A_152 = arith.constant 0 : i32
    %dma_wait3A_153 = arith.constant 0 : i32
    %dma_wait3A_154 = tpu.memref_slice %arg8[%dma_wait3A_143, %dma_wait3A_152, %dma_wait3A_153] : memref<2x128x128xf32, #tpu.memory_space<vmem>> -> memref<1x128x128xf32, #tpu.memory_space<vmem>>
    %dma_wait3A_155 = tpu.memref_squeeze %dma_wait3A_154 : memref<1x128x128xf32, #tpu.memory_space<vmem>> -> memref<128x128xf32, #tpu.memory_space<vmem>>
    tpu.wait_dma2 semaphore(%arg10 : memref<!tpu.dma_semaphore, #tpu.memory_space<semaphore_mem>>) src(%dma_wait3A_155 : memref<128x128xf32, #tpu.memory_space<vmem>>) dst(%dma_wait3A_151 : memref<128x128xf32, #tpu.memory_space<vmem_shared>>)
    %barrier3A = arith.constant 0 : index
    tpu.barrier barrier_id(%barrier3A)
    %run_scoped3A = arith.constant 0 : i32
    %run_scoped3A_156 = arith.constant 0 : i32
    "tpu.region"() ({
      %run_scoped3A_189 = tpu.sem_alloc : memref<!tpu.dma_semaphore, #tpu.memory_space<semaphore_mem>>
      %dma_start3A_190 = arith.constant 0 : i32
      %dma_start3A_191 = tpu.memref_slice %arg6[%run_scoped3A_156, %dma_start3A_190] : memref<2x128xi32, #tpu.memory_space<vmem>> -> memref<1x128xi32, #tpu.memory_space<vmem>>
      %dma_start3A_192 = tpu.memref_squeeze %dma_start3A_191 : memref<1x128xi32, #tpu.memory_space<vmem>> -> memref<128xi32, #tpu.memory_space<vmem>>
      %dma_start3A_193 = arith.constant 0 : i32
      %dma_start3A_194 = tpu.memref_slice %arg3[%add3A, %run_scoped3A, %dma_start3A_193] : memref<32x79x128xi32, #tpu.memory_space<hbm>> -> memref<1x1x128xi32, #tpu.memory_space<hbm>>
      %dma_start3A_195 = tpu.memref_squeeze %dma_start3A_194 : memref<1x1x128xi32, #tpu.memory_space<hbm>> -> memref<128xi32, #tpu.memory_space<hbm>>
      %dma_start3A_196 = arith.constant 0 : i32
      %dma_start3A_197 = tpu.memref_slice %arg6[%run_scoped3A_156, %dma_start3A_196] : memref<2x128xi32, #tpu.memory_space<vmem>> -> memref<1x128xi32, #tpu.memory_space<vmem>>
      %dma_start3A_198 = tpu.memref_squeeze %dma_start3A_197 : memref<1x128xi32, #tpu.memory_space<vmem>> -> memref<128xi32, #tpu.memory_space<vmem>>
      %dma_start3A_199 = arith.constant 0 : i32
      %dma_start3A_200 = tpu.memref_slice %arg3[%add3A, %run_scoped3A, %dma_start3A_199] : memref<32x79x128xi32, #tpu.memory_space<hbm>> -> memref<1x1x128xi32, #tpu.memory_space<hbm>>
      %dma_start3A_201 = tpu.memref_squeeze %dma_start3A_200 : memref<1x1x128xi32, #tpu.memory_space<hbm>> -> memref<128xi32, #tpu.memory_space<hbm>>
      tpu.enqueue_dma source(%dma_start3A_201 : memref<128xi32, #tpu.memory_space<hbm>>) target(%dma_start3A_198 : memref<128xi32, #tpu.memory_space<vmem>>) target_semaphore(%run_scoped3A_189 : memref<!tpu.dma_semaphore, #tpu.memory_space<semaphore_mem>>)
      %dma_wait3A_202 = arith.constant 0 : i32
      %dma_wait3A_203 = tpu.memref_slice %arg6[%run_scoped3A_156, %dma_wait3A_202] : memref<2x128xi32, #tpu.memory_space<vmem>> -> memref<1x128xi32, #tpu.memory_space<vmem>>
      %dma_wait3A_204 = tpu.memref_squeeze %dma_wait3A_203 : memref<1x128xi32, #tpu.memory_space<vmem>> -> memref<128xi32, #tpu.memory_space<vmem>>
      %dma_wait3A_205 = arith.constant 0 : i32
      %dma_wait3A_206 = tpu.memref_slice %arg3[%add3A, %run_scoped3A, %dma_wait3A_205] : memref<32x79x128xi32, #tpu.memory_space<hbm>> -> memref<1x1x128xi32, #tpu.memory_space<hbm>>
      %dma_wait3A_207 = tpu.memref_squeeze %dma_wait3A_206 : memref<1x1x128xi32, #tpu.memory_space<hbm>> -> memref<128xi32, #tpu.memory_space<hbm>>
      %dma_wait3A_208 = arith.constant 0 : i32
      %dma_wait3A_209 = tpu.memref_slice %arg6[%run_scoped3A_156, %dma_wait3A_208] : memref<2x128xi32, #tpu.memory_space<vmem>> -> memref<1x128xi32, #tpu.memory_space<vmem>>
      %dma_wait3A_210 = tpu.memref_squeeze %dma_wait3A_209 : memref<1x128xi32, #tpu.memory_space<vmem>> -> memref<128xi32, #tpu.memory_space<vmem>>
      %dma_wait3A_211 = arith.constant 0 : i32
      %dma_wait3A_212 = tpu.memref_slice %arg3[%add3A, %run_scoped3A, %dma_wait3A_211] : memref<32x79x128xi32, #tpu.memory_space<hbm>> -> memref<1x1x128xi32, #tpu.memory_space<hbm>>
      %dma_wait3A_213 = tpu.memref_squeeze %dma_wait3A_212 : memref<1x1x128xi32, #tpu.memory_space<hbm>> -> memref<128xi32, #tpu.memory_space<hbm>>
      tpu.wait_dma2 semaphore(%run_scoped3A_189 : memref<!tpu.dma_semaphore, #tpu.memory_space<semaphore_mem>>) src(%dma_wait3A_213 : memref<128xi32, #tpu.memory_space<hbm>>) dst(%dma_wait3A_210 : memref<128xi32, #tpu.memory_space<vmem>>)
      tpu.yield
    }) : () -> ()
    %dma_start3A_157 = arith.constant 0 : i32
    %dma_start3A_158 = arith.constant 0 : i32
    %dma_start3A_159 = arith.constant 0 : i32
    %dma_start3A_160 = arith.constant 0 : i32
    %dma_start3A_161 = tpu.memref_slice %arg8[%dma_start3A_158, %dma_start3A_159, %dma_start3A_160] : memref<2x128x128xf32, #tpu.memory_space<vmem>> -> memref<1x128x128xf32, #tpu.memory_space<vmem>>
    %dma_start3A_162 = tpu.memref_squeeze %dma_start3A_161 : memref<1x128x128xf32, #tpu.memory_space<vmem>> -> memref<128x128xf32, #tpu.memory_space<vmem>>
    %dma_start3A_163 = arith.constant 0 : i32
    %dma_start3A_164 = tpu.memref_slice %arg6[%dma_start3A_157, %dma_start3A_163] : memref<2x128xi32, #tpu.memory_space<vmem>> -> memref<1x128xi32, #tpu.memory_space<vmem>>
    %dma_start3A_165 = tpu.memref_squeeze %dma_start3A_164 : memref<1x128xi32, #tpu.memory_space<vmem>> -> memref<128xi32, #tpu.memory_space<vmem>>
    %dma_start3A_166 = arith.constant 0 : i32
    %dma_start3A_167 = arith.constant 0 : i32
    %dma_start3A_168 = tpu.memref_slice %arg2[%dma_start3A_166, %dma_start3A_167] : memref<10240x128xf32, #tpu.memory_space<hbm>> -> memref<10240x128xf32, #tpu.memory_space<hbm>>
    tpu.enqueue_indirect_dma source(%dma_start3A_168 : memref<10240x128xf32, #tpu.memory_space<hbm>>) target(%dma_start3A_162 : memref<128x128xf32, #tpu.memory_space<vmem>>) offsets(%dma_start3A_165 : memref<128xi32, #tpu.memory_space<vmem>>) semaphore(%arg10 : memref<!tpu.dma_semaphore, #tpu.memory_space<semaphore_mem>>)
    %dma_start3A_169 = arith.constant 1 : i32
    %dma_start3A_170 = arith.constant 1 : i32
    %dma_start3A_171 = arith.constant 0 : i32
    %dma_start3A_172 = tpu.memref_slice %arg6[%dma_start3A_170, %dma_start3A_171] : memref<2x128xi32, #tpu.memory_space<vmem>> -> memref<1x128xi32, #tpu.memory_space<vmem>>
    %dma_start3A_173 = tpu.memref_squeeze %dma_start3A_172 : memref<1x128xi32, #tpu.memory_space<vmem>> -> memref<128xi32, #tpu.memory_space<vmem>>
    %dma_start3A_174 = arith.constant 0 : i32
    %dma_start3A_175 = tpu.memref_slice %arg3[%add3A, %dma_start3A_169, %dma_start3A_174] : memref<32x79x128xi32, #tpu.memory_space<hbm>> -> memref<1x1x128xi32, #tpu.memory_space<hbm>>
    %dma_start3A_176 = tpu.memref_squeeze %dma_start3A_175 : memref<1x1x128xi32, #tpu.memory_space<hbm>> -> memref<128xi32, #tpu.memory_space<hbm>>
    %dma_start3A_177 = arith.constant 0 : i32
    %dma_start3A_178 = tpu.memref_slice %arg6[%dma_start3A_170, %dma_start3A_177] : memref<2x128xi32, #tpu.memory_space<vmem>> -> memref<1x128xi32, #tpu.memory_space<vmem>>
    %dma_start3A_179 = tpu.memref_squeeze %dma_start3A_178 : memref<1x128xi32, #tpu.memory_space<vmem>> -> memref<128xi32, #tpu.memory_space<vmem>>
    %dma_start3A_180 = arith.constant 0 : i32
    %dma_start3A_181 = tpu.memref_slice %arg3[%add3A, %dma_start3A_169, %dma_start3A_180] : memref<32x79x128xi32, #tpu.memory_space<hbm>> -> memref<1x1x128xi32, #tpu.memory_space<hbm>>
    %dma_start3A_182 = tpu.memref_squeeze %dma_start3A_181 : memref<1x1x128xi32, #tpu.memory_space<hbm>> -> memref<128xi32, #tpu.memory_space<hbm>>
    tpu.enqueue_dma source(%dma_start3A_182 : memref<128xi32, #tpu.memory_space<hbm>>) target(%dma_start3A_179 : memref<128xi32, #tpu.memory_space<vmem>>) target_semaphore(%arg11 : memref<!tpu.dma_semaphore, #tpu.memory_space<semaphore_mem>>)
    %scan3A_183 = arith.constant 0 : i32
    %scan3A_184 = arith.constant 79 : i32
    %scan3A_185 = arith.addi %scan3A_183, %scan3A_184 : i32
    %scan3A_186 = arith.constant 1 : i32
    scf.for %scan3A_189 = %scan3A_183 to %scan3A_185 step %scan3A_186  : i32 {
      %mul3A_190 = arith.constant 1 : i32
      %mul3A_191 = arith.muli %scan3A_189, %mul3A_190 : i32
      %add3A_192 = arith.constant 0 : i32
      %add3A_193 = arith.addi %add3A_192, %mul3A_191 : i32
      %rem3A = arith.constant 2 : i32
      %rem3A_194 = arith.remsi %add3A_193, %rem3A : i32
      %add3A_195 = arith.constant 1 : i32
      %add3A_196 = arith.addi %add3A_193, %add3A_195 : i32
      %rem3A_197 = arith.constant 2 : i32
      %rem3A_198 = arith.remsi %add3A_196, %rem3A_197 : i32
      %dma_wait3A_199 = arith.constant 0 : i32
      %dma_wait3A_200 = arith.constant 0 : i32
      %dma_wait3A_201 = tpu.memref_slice %arg8[%rem3A_194, %dma_wait3A_199, %dma_wait3A_200] : memref<2x128x128xf32, #tpu.memory_space<vmem>> -> memref<1x128x128xf32, #tpu.memory_space<vmem>>
      %dma_wait3A_202 = tpu.memref_squeeze %dma_wait3A_201 : memref<1x128x128xf32, #tpu.memory_space<vmem>> -> memref<128x128xf32, #tpu.memory_space<vmem>>
      %dma_wait3A_203 = arith.constant 0 : i32
      %dma_wait3A_204 = tpu.memref_slice %arg6[%rem3A_194, %dma_wait3A_203] : memref<2x128xi32, #tpu.memory_space<vmem>> -> memref<1x128xi32, #tpu.memory_space<vmem>>
      %dma_wait3A_205 = tpu.memref_squeeze %dma_wait3A_204 : memref<1x128xi32, #tpu.memory_space<vmem>> -> memref<128xi32, #tpu.memory_space<vmem>>
      %dma_wait3A_206 = arith.constant 0 : i32
      %dma_wait3A_207 = arith.constant 0 : i32
      %dma_wait3A_208 = tpu.memref_slice %arg2[%dma_wait3A_206, %dma_wait3A_207] : memref<10240x128xf32, #tpu.memory_space<hbm>> -> memref<10240x128xf32, #tpu.memory_space<hbm>>
      tpu.wait_indirect_dma semaphore(%arg10 : memref<!tpu.dma_semaphore, #tpu.memory_space<semaphore_mem>>) src(%dma_wait3A_208 : memref<10240x128xf32, #tpu.memory_space<hbm>>) dst(%dma_wait3A_202 : memref<128x128xf32, #tpu.memory_space<vmem>>)
      %add3A_209 = arith.constant 1 : i32
      %add3A_210 = arith.addi %add3A_193, %add3A_209 : i32
      %lt3A = arith.constant 79 : i32
      %lt3A_211 = arith.cmpi slt, %add3A_210, %lt3A : i32
      %convert_element_type3A = arith.extui %lt3A_211 : i1 to i32
      %cond3A = arith.constant 0 : i32
      %cond3A_212 = arith.cmpi ne, %convert_element_type3A, %cond3A : i32
      scf.if %cond3A_212 {
        %dma_wait3A_213 = arith.constant 0 : i32
        %dma_wait3A_214 = arith.constant 0 : i32
        %dma_wait3A_215 = tpu.memref_slice %arg6[%rem3A_198, %dma_wait3A_214] : memref<2x128xi32, #tpu.memory_space<vmem>> -> memref<1x128xi32, #tpu.memory_space<vmem>>
        %dma_wait3A_216 = tpu.memref_squeeze %dma_wait3A_215 : memref<1x128xi32, #tpu.memory_space<vmem>> -> memref<128xi32, #tpu.memory_space<vmem>>
        %dma_wait3A_217 = arith.constant 0 : i32
        %dma_wait3A_218 = tpu.memref_slice %arg3[%add3A, %dma_wait3A_213, %dma_wait3A_217] : memref<32x79x128xi32, #tpu.memory_space<hbm>> -> memref<1x1x128xi32, #tpu.memory_space<hbm>>
        %dma_wait3A_219 = tpu.memref_squeeze %dma_wait3A_218 : memref<1x1x128xi32, #tpu.memory_space<hbm>> -> memref<128xi32, #tpu.memory_space<hbm>>
        %dma_wait3A_220 = arith.constant 0 : i32
        %dma_wait3A_221 = tpu.memref_slice %arg6[%rem3A_198, %dma_wait3A_220] : memref<2x128xi32, #tpu.memory_space<vmem>> -> memref<1x128xi32, #tpu.memory_space<vmem>>
        %dma_wait3A_222 = tpu.memref_squeeze %dma_wait3A_221 : memref<1x128xi32, #tpu.memory_space<vmem>> -> memref<128xi32, #tpu.memory_space<vmem>>
        %dma_wait3A_223 = arith.constant 0 : i32
        %dma_wait3A_224 = tpu.memref_slice %arg3[%add3A, %dma_wait3A_213, %dma_wait3A_223] : memref<32x79x128xi32, #tpu.memory_space<hbm>> -> memref<1x1x128xi32, #tpu.memory_space<hbm>>
        %dma_wait3A_225 = tpu.memref_squeeze %dma_wait3A_224 : memref<1x1x128xi32, #tpu.memory_space<hbm>> -> memref<128xi32, #tpu.memory_space<hbm>>
        tpu.wait_dma2 semaphore(%arg11 : memref<!tpu.dma_semaphore, #tpu.memory_space<semaphore_mem>>) src(%dma_wait3A_225 : memref<128xi32, #tpu.memory_space<hbm>>) dst(%dma_wait3A_222 : memref<128xi32, #tpu.memory_space<vmem>>)
        %dma_start3A_226 = arith.constant 0 : i32
        %dma_start3A_227 = arith.constant 0 : i32
        %dma_start3A_228 = tpu.memref_slice %arg8[%rem3A_198, %dma_start3A_226, %dma_start3A_227] : memref<2x128x128xf32, #tpu.memory_space<vmem>> -> memref<1x128x128xf32, #tpu.memory_space<vmem>>
        %dma_start3A_229 = tpu.memref_squeeze %dma_start3A_228 : memref<1x128x128xf32, #tpu.memory_space<vmem>> -> memref<128x128xf32, #tpu.memory_space<vmem>>
        %dma_start3A_230 = arith.constant 0 : i32
        %dma_start3A_231 = tpu.memref_slice %arg6[%rem3A_198, %dma_start3A_230] : memref<2x128xi32, #tpu.memory_space<vmem>> -> memref<1x128xi32, #tpu.memory_space<vmem>>
        %dma_start3A_232 = tpu.memref_squeeze %dma_start3A_231 : memref<1x128xi32, #tpu.memory_space<vmem>> -> memref<128xi32, #tpu.memory_space<vmem>>
        %dma_start3A_233 = arith.constant 0 : i32
        %dma_start3A_234 = arith.constant 0 : i32
        %dma_start3A_235 = tpu.memref_slice %arg2[%dma_start3A_233, %dma_start3A_234] : memref<10240x128xf32, #tpu.memory_space<hbm>> -> memref<10240x128xf32, #tpu.memory_space<hbm>>
        tpu.enqueue_indirect_dma source(%dma_start3A_235 : memref<10240x128xf32, #tpu.memory_space<hbm>>) target(%dma_start3A_229 : memref<128x128xf32, #tpu.memory_space<vmem>>) offsets(%dma_start3A_232 : memref<128xi32, #tpu.memory_space<vmem>>) semaphore(%arg10 : memref<!tpu.dma_semaphore, #tpu.memory_space<semaphore_mem>>)
        %add3A_236 = arith.constant 2 : i32
        %add3A_237 = arith.addi %add3A_193, %add3A_236 : i32
        %lt3A_238 = arith.constant 79 : i32
        %lt3A_239 = arith.cmpi slt, %add3A_237, %lt3A_238 : i32
        %convert_element_type3A_240 = arith.extui %lt3A_239 : i1 to i32
        %cond3A_241 = arith.constant 0 : i32
        %cond3A_242 = arith.cmpi ne, %convert_element_type3A_240, %cond3A_241 : i32
        scf.if %cond3A_242 {
          %add3A_243 = arith.constant 2 : i32
          %add3A_244 = arith.addi %add3A_193, %add3A_243 : i32
          %dma_start3A_245 = arith.constant 0 : i32
          %dma_start3A_246 = tpu.memref_slice %arg6[%rem3A_194, %dma_start3A_245] : memref<2x128xi32, #tpu.memory_space<vmem>> -> memref<1x128xi32, #tpu.memory_space<vmem>>
          %dma_start3A_247 = tpu.memref_squeeze %dma_start3A_246 : memref<1x128xi32, #tpu.memory_space<vmem>> -> memref<128xi32, #tpu.memory_space<vmem>>
          %dma_start3A_248 = arith.constant 0 : i32
          %dma_start3A_249 = tpu.memref_slice %arg3[%add3A, %add3A_244, %dma_start3A_248] : memref<32x79x128xi32, #tpu.memory_space<hbm>> -> memref<1x1x128xi32, #tpu.memory_space<hbm>>
          %dma_start3A_250 = tpu.memref_squeeze %dma_start3A_249 : memref<1x1x128xi32, #tpu.memory_space<hbm>> -> memref<128xi32, #tpu.memory_space<hbm>>
          %dma_start3A_251 = arith.constant 0 : i32
          %dma_start3A_252 = tpu.memref_slice %arg6[%rem3A_194, %dma_start3A_251] : memref<2x128xi32, #tpu.memory_space<vmem>> -> memref<1x128xi32, #tpu.memory_space<vmem>>
          %dma_start3A_253 = tpu.memref_squeeze %dma_start3A_252 : memref<1x128xi32, #tpu.memory_space<vmem>> -> memref<128xi32, #tpu.memory_space<vmem>>
          %dma_start3A_254 = arith.constant 0 : i32
          %dma_start3A_255 = tpu.memref_slice %arg3[%add3A, %add3A_244, %dma_start3A_254] : memref<32x79x128xi32, #tpu.memory_space<hbm>> -> memref<1x1x128xi32, #tpu.memory_space<hbm>>
          %dma_start3A_256 = tpu.memref_squeeze %dma_start3A_255 : memref<1x1x128xi32, #tpu.memory_space<hbm>> -> memref<128xi32, #tpu.memory_space<hbm>>
          tpu.enqueue_dma source(%dma_start3A_256 : memref<128xi32, #tpu.memory_space<hbm>>) target(%dma_start3A_253 : memref<128xi32, #tpu.memory_space<vmem>>) target_semaphore(%arg11 : memref<!tpu.dma_semaphore, #tpu.memory_space<semaphore_mem>>)
        } else {
        }
      } else {
      }
      "tpu.region"() ({
        %run_scoped3A_213 = tpu.sem_alloc : memref<!tpu.dma_semaphore, #tpu.memory_space<semaphore_mem>>
        %dma_start3A_214 = arith.constant 0 : i32
        %dma_start3A_215 = arith.constant 0 : i32
        %dma_start3A_216 = tpu.memref_slice %arg8[%rem3A_194, %dma_start3A_214, %dma_start3A_215] : memref<2x128x128xf32, #tpu.memory_space<vmem>> -> memref<1x128x128xf32, #tpu.memory_space<vmem>>
        %dma_start3A_217 = tpu.memref_squeeze %dma_start3A_216 : memref<1x128x128xf32, #tpu.memory_space<vmem>> -> memref<128x128xf32, #tpu.memory_space<vmem>>
        %dma_start3A_218 = arith.constant 0 : i32
        %dma_start3A_219 = tpu.memref_slice %arg7[%add3A_193, %dma_start3A_218] : memref<79x128xi32, #tpu.memory_space<vmem>> -> memref<1x128xi32, #tpu.memory_space<vmem>>
        %dma_start3A_220 = tpu.memref_squeeze %dma_start3A_219 : memref<1x128xi32, #tpu.memory_space<vmem>> -> memref<128xi32, #tpu.memory_space<vmem>>
        %dma_start3A_221 = arith.constant 0 : i32
        %dma_start3A_222 = arith.constant 0 : i32
        %dma_start3A_223 = tpu.memref_slice %arg9[%dma_start3A_221, %dma_start3A_222] : memref<10240x128xf32, #tpu.memory_space<vmem_shared>> -> memref<10240x128xf32, #tpu.memory_space<vmem_shared>>
        tpu.enqueue_indirect_dma source(%dma_start3A_217 : memref<128x128xf32, #tpu.memory_space<vmem>>) target(%dma_start3A_223 : memref<10240x128xf32, #tpu.memory_space<vmem_shared>>) offsets(%dma_start3A_220 : memref<128xi32, #tpu.memory_space<vmem>>) semaphore(%run_scoped3A_213 : memref<!tpu.dma_semaphore, #tpu.memory_space<semaphore_mem>>) {add = true}
        %dma_wait3A_224 = arith.constant 0 : i32
        %dma_wait3A_225 = arith.constant 0 : i32
        %dma_wait3A_226 = tpu.memref_slice %arg8[%rem3A_194, %dma_wait3A_224, %dma_wait3A_225] : memref<2x128x128xf32, #tpu.memory_space<vmem>> -> memref<1x128x128xf32, #tpu.memory_space<vmem>>
        %dma_wait3A_227 = tpu.memref_squeeze %dma_wait3A_226 : memref<1x128x128xf32, #tpu.memory_space<vmem>> -> memref<128x128xf32, #tpu.memory_space<vmem>>
        %dma_wait3A_228 = arith.constant 0 : i32
        %dma_wait3A_229 = tpu.memref_slice %arg7[%add3A_193, %dma_wait3A_228] : memref<79x128xi32, #tpu.memory_space<vmem>> -> memref<1x128xi32, #tpu.memory_space<vmem>>
        %dma_wait3A_230 = tpu.memref_squeeze %dma_wait3A_229 : memref<1x128xi32, #tpu.memory_space<vmem>> -> memref<128xi32, #tpu.memory_space<vmem>>
        %dma_wait3A_231 = arith.constant 0 : i32
        %dma_wait3A_232 = arith.constant 0 : i32
        %dma_wait3A_233 = tpu.memref_slice %arg9[%dma_wait3A_231, %dma_wait3A_232] : memref<10240x128xf32, #tpu.memory_space<vmem_shared>> -> memref<10240x128xf32, #tpu.memory_space<vmem_shared>>
        tpu.wait_indirect_dma semaphore(%run_scoped3A_213 : memref<!tpu.dma_semaphore, #tpu.memory_space<semaphore_mem>>) src(%dma_wait3A_227 : memref<128x128xf32, #tpu.memory_space<vmem>>) dst(%dma_wait3A_233 : memref<10240x128xf32, #tpu.memory_space<vmem_shared>>)
        tpu.yield
      }) : () -> ()
    }
    %scan3A_187 = arith.constant 79 : i32
    %barrier3A_188 = arith.constant 0 : index
    tpu.barrier barrier_id(%barrier3A_188)
    "tpu.region"() ({
      %run_scoped3A_189 = tpu.sem_alloc : memref<!tpu.dma_semaphore, #tpu.memory_space<semaphore_mem>>
      %dma_start3A_190 = arith.constant 0 : i32
      %dma_start3A_191 = tpu.memref_slice %arg5[%arg0, %mul3A_2, %dma_start3A_190] : memref<2x10240x128xf32, #tpu.memory_space<hbm>> -> memref<1x640x128xf32, #tpu.memory_space<hbm>>
      %dma_start3A_192 = tpu.memref_squeeze %dma_start3A_191 : memref<1x640x128xf32, #tpu.memory_space<hbm>> -> memref<640x128xf32, #tpu.memory_space<hbm>>
      %dma_start3A_193 = arith.constant 0 : i32
      %dma_start3A_194 = tpu.memref_slice %arg9[%mul3A_2, %dma_start3A_193] : memref<10240x128xf32, #tpu.memory_space<vmem_shared>> -> memref<640x128xf32, #tpu.memory_space<vmem_shared>>
      tpu.enqueue_dma source(%dma_start3A_194 : memref<640x128xf32, #tpu.memory_space<vmem_shared>>) target(%dma_start3A_192 : memref<640x128xf32, #tpu.memory_space<hbm>>) target_semaphore(%run_scoped3A_189 : memref<!tpu.dma_semaphore, #tpu.memory_space<semaphore_mem>>)
      %dma_wait3A_195 = arith.constant 0 : i32
      %dma_wait3A_196 = tpu.memref_slice %arg5[%arg0, %mul3A_2, %dma_wait3A_195] : memref<2x10240x128xf32, #tpu.memory_space<hbm>> -> memref<1x640x128xf32, #tpu.memory_space<hbm>>
      %dma_wait3A_197 = tpu.memref_squeeze %dma_wait3A_196 : memref<1x640x128xf32, #tpu.memory_space<hbm>> -> memref<640x128xf32, #tpu.memory_space<hbm>>
      %dma_wait3A_198 = arith.constant 0 : i32
      %dma_wait3A_199 = tpu.memref_slice %arg9[%mul3A_2, %dma_wait3A_198] : memref<10240x128xf32, #tpu.memory_space<vmem_shared>> -> memref<640x128xf32, #tpu.memory_space<vmem_shared>>
      tpu.wait_dma2 semaphore(%run_scoped3A_189 : memref<!tpu.dma_semaphore, #tpu.memory_space<semaphore_mem>>) src(%dma_wait3A_199 : memref<640x128xf32, #tpu.memory_space<vmem_shared>>) dst(%dma_wait3A_197 : memref<640x128xf32, #tpu.memory_space<hbm>>)
      tpu.yield
    }) : () -> ()
    return
  }
}

#map = affine_map<(d0, d1) -> (0, 0)>
#map1 = affine_map<(d0, d1) -> (0, 0, 0)>
module attributes {stable_mosaic.version = 14 : i64} {
  func.func @body(%arg0: i32, %arg1: i32, %arg2: memref<10240x128xf32, #tpu.memory_space<hbm>>, %arg3: memref<32x79x128xi32, #tpu.memory_space<hbm>>, %arg4: memref<32x79x128xi32, #tpu.memory_space<hbm>>, %arg5: memref<2x10240x128xf32, #tpu.memory_space<hbm>>, %arg6: memref<2x128xi32, #tpu.memory_space<vmem>>, %arg7: memref<79x128xi32, #tpu.memory_space<vmem>>, %arg8: memref<2x128x128xf32, #tpu.memory_space<vmem>>, %arg9: memref<10240x128xf32, #tpu.memory_space<vmem_shared>>, %arg10: memref<!tpu.dma_semaphore, #tpu.memory_space<semaphore_mem>>, %arg11: memref<!tpu.dma_semaphore, #tpu.memory_space<semaphore_mem>>) attributes {dimension_semantics = [#tpu.dimension_semantics<core_parallel>, #tpu.dimension_semantics<subcore_parallel>], iteration_bounds = array<i64: 2, 16>, scalar_prefetch = 0 : i64, scratch_operands = 6 : i64, tpu.core_type = #tpu.core_type<sc_vector_subcore>, window_params = [{transform_indices = #map}, {transform_indices = #map1}, {transform_indices = #map1}, {transform_indices = #map1}]} {
    %mul3A = arith.constant 16 : i32
    %mul3A_0 = arith.muli %arg0, %mul3A : i32
    %add3A = arith.addi %mul3A_0, %arg1 : i32
    %mul3A_1 = arith.constant 640 : i32
    %mul3A_2 = arith.muli %arg1, %mul3A_1 : i32
    %scan3A = arith.constant 0 : i32
    %scan3A_3 = arith.constant 0 : i32
    %scan3A_4 = arith.constant 128 : i32
    %scan3A_5 = arith.addi %scan3A_3, %scan3A_4 : i32
    %scan3A_6 = arith.constant 1 : i32
    scf.for %scan3A_189 = %scan3A_3 to %scan3A_5 step %scan3A_6  : i32 {
      %mul3A_190 = arith.constant 1 : i32
      %mul3A_191 = arith.muli %scan3A_189, %mul3A_190 : i32
      %add3A_192 = arith.constant 0 : i32
      %add3A_193 = arith.addi %add3A_192, %mul3A_191 : i32
      %broadcast_in_dim3A = arith.constant 0.000000e+00 : f32
      %broadcast_in_dim3A_194 = vector.broadcast %broadcast_in_dim3A : f32 to vector<16xf32>
      %swap3A = arith.constant 0 : i32
      %swap3A_195 = arith.constant 0 : i32
      %swap3A_196 = tpu.memref_slice %arg8[%scan3A, %swap3A, %swap3A_195] : memref<2x128x128xf32, #tpu.memory_space<vmem>> -> memref<1x128x128xf32, #tpu.memory_space<vmem>>
      %swap3A_197 = tpu.memref_squeeze %swap3A_196 : memref<1x128x128xf32, #tpu.memory_space<vmem>> -> memref<128x128xf32, #tpu.memory_space<vmem>>
      %swap3A_198 = arith.index_cast %add3A_193 : i32 to index
      %swap3A_199 = arith.constant 0 : index
      %swap3A_200 = tpu.vector_load %swap3A_197[%swap3A_198, %swap3A_199] {strides = array<i32>} : memref<128x128xf32, #tpu.memory_space<vmem>>, vector<1x16xf32>,
      %swap3A_201 = vector.shape_cast %swap3A_200 : vector<1x16xf32> to vector<16xf32>
      %swap3A_202 = vector.shape_cast %broadcast_in_dim3A_194 : vector<16xf32> to vector<1x16xf32>
      tpu.vector_store %swap3A_197[%swap3A_198, %swap3A_199], %swap3A_202 {strides = array<i32>} : memref<128x128xf32, #tpu.memory_space<vmem>>, vector<1x16xf32>,
      %broadcast_in_dim3A_203 = arith.constant 0.000000e+00 : f32
      %broadcast_in_dim3A_204 = vector.broadcast %broadcast_in_dim3A_203 : f32 to vector<16xf32>
      %swap3A_205 = arith.constant 0 : i32
      %swap3A_206 = arith.constant 0 : i32
      %swap3A_207 = tpu.memref_slice %arg8[%scan3A, %swap3A_205, %swap3A_206] : memref<2x128x128xf32, #tpu.memory_space<vmem>> -> memref<1x128x128xf32, #tpu.memory_space<vmem>>
      %swap3A_208 = tpu.memref_squeeze %swap3A_207 : memref<1x128x128xf32, #tpu.memory_space<vmem>> -> memref<128x128xf32, #tpu.memory_space<vmem>>
      %swap3A_209 = arith.index_cast %add3A_193 : i32 to index
      %swap3A_210 = arith.constant 16 : index
      %swap3A_211 = tpu.vector_load %swap3A_208[%swap3A_209, %swap3A_210] {strides = array<i32>} : memref<128x128xf32, #tpu.memory_space<vmem>>, vector<1x16xf32>,
      %swap3A_212 = vector.shape_cast %swap3A_211 : vector<1x16xf32> to vector<16xf32>
      %swap3A_213 = vector.shape_cast %broadcast_in_dim3A_204 : vector<16xf32> to vector<1x16xf32>
      tpu.vector_store %swap3A_208[%swap3A_209, %swap3A_210], %swap3A_213 {strides = array<i32>} : memref<128x128xf32, #tpu.memory_space<vmem>>, vector<1x16xf32>,
      %broadcast_in_dim3A_214 = arith.constant 0.000000e+00 : f32
      %broadcast_in_dim3A_215 = vector.broadcast %broadcast_in_dim3A_214 : f32 to vector<16xf32>
      %swap3A_216 = arith.constant 0 : i32
      %swap3A_217 = arith.constant 0 : i32
      %swap3A_218 = tpu.memref_slice %arg8[%scan3A, %swap3A_216, %swap3A_217] : memref<2x128x128xf32, #tpu.memory_space<vmem>> -> memref<1x128x128xf32, #tpu.memory_space<vmem>>
      %swap3A_219 = tpu.memref_squeeze %swap3A_218 : memref<1x128x128xf32, #tpu.memory_space<vmem>> -> memref<128x128xf32, #tpu.memory_space<vmem>>
      %swap3A_220 = arith.index_cast %add3A_193 : i32 to index
      %swap3A_221 = arith.constant 32 : index
      %swap3A_222 = tpu.vector_load %swap3A_219[%swap3A_220, %swap3A_221] {strides = array<i32>} : memref<128x128xf32, #tpu.memory_space<vmem>>, vector<1x16xf32>,
      %swap3A_223 = vector.shape_cast %swap3A_222 : vector<1x16xf32> to vector<16xf32>
      %swap3A_224 = vector.shape_cast %broadcast_in_dim3A_215 : vector<16xf32> to vector<1x16xf32>
      tpu.vector_store %swap3A_219[%swap3A_220, %swap3A_221], %swap3A_224 {strides = array<i32>} : memref<128x128xf32, #tpu.memory_space<vmem>>, vector<1x16xf32>,
      %broadcast_in_dim3A_225 = arith.constant 0.000000e+00 : f32
      %broadcast_in_dim3A_226 = vector.broadcast %broadcast_in_dim3A_225 : f32 to vector<16xf32>
      %swap3A_227 = arith.constant 0 : i32
      %swap3A_228 = arith.constant 0 : i32
      %swap3A_229 = tpu.memref_slice %arg8[%scan3A, %swap3A_227, %swap3A_228] : memref<2x128x128xf32, #tpu.memory_space<vmem>> -> memref<1x128x128xf32, #tpu.memory_space<vmem>>
      %swap3A_230 = tpu.memref_squeeze %swap3A_229 : memref<1x128x128xf32, #tpu.memory_space<vmem>> -> memref<128x128xf32, #tpu.memory_space<vmem>>
      %swap3A_231 = arith.index_cast %add3A_193 : i32 to index
      %swap3A_232 = arith.constant 48 : index
      %swap3A_233 = tpu.vector_load %swap3A_230[%swap3A_231, %swap3A_232] {strides = array<i32>} : memref<128x128xf32, #tpu.memory_space<vmem>>, vector<1x16xf32>,
      %swap3A_234 = vector.shape_cast %swap3A_233 : vector<1x16xf32> to vector<16xf32>
      %swap3A_235 = vector.shape_cast %broadcast_in_dim3A_226 : vector<16xf32> to vector<1x16xf32>
      tpu.vector_store %swap3A_230[%swap3A_231, %swap3A_232], %swap3A_235 {strides = array<i32>} : memref<128x128xf32, #tpu.memory_space<vmem>>, vector<1x16xf32>,
      %broadcast_in_dim3A_236 = arith.constant 0.000000e+00 : f32
      %broadcast_in_dim3A_237 = vector.broadcast %broadcast_in_dim3A_236 : f32 to vector<16xf32>
      %swap3A_238 = arith.constant 0 : i32
      %swap3A_239 = arith.constant 0 : i32
      %swap3A_240 = tpu.memref_slice %arg8[%scan3A, %swap3A_238, %swap3A_239] : memref<2x128x128xf32, #tpu.memory_space<vmem>> -> memref<1x128x128xf32, #tpu.memory_space<vmem>>
      %swap3A_241 = tpu.memref_squeeze %swap3A_240 : memref<1x128x128xf32, #tpu.memory_space<vmem>> -> memref<128x128xf32, #tpu.memory_space<vmem>>
      %swap3A_242 = arith.index_cast %add3A_193 : i32 to index
      %swap3A_243 = arith.constant 64 : index
      %swap3A_244 = tpu.vector_load %swap3A_241[%swap3A_242, %swap3A_243] {strides = array<i32>} : memref<128x128xf32, #tpu.memory_space<vmem>>, vector<1x16xf32>,
      %swap3A_245 = vector.shape_cast %swap3A_244 : vector<1x16xf32> to vector<16xf32>
      %swap3A_246 = vector.shape_cast %broadcast_in_dim3A_237 : vector<16xf32> to vector<1x16xf32>
      tpu.vector_store %swap3A_241[%swap3A_242, %swap3A_243], %swap3A_246 {strides = array<i32>} : memref<128x128xf32, #tpu.memory_space<vmem>>, vector<1x16xf32>,
      %broadcast_in_dim3A_247 = arith.constant 0.000000e+00 : f32
      %broadcast_in_dim3A_248 = vector.broadcast %broadcast_in_dim3A_247 : f32 to vector<16xf32>
      %swap3A_249 = arith.constant 0 : i32
      %swap3A_250 = arith.constant 0 : i32
      %swap3A_251 = tpu.memref_slice %arg8[%scan3A, %swap3A_249, %swap3A_250] : memref<2x128x128xf32, #tpu.memory_space<vmem>> -> memref<1x128x128xf32, #tpu.memory_space<vmem>>
      %swap3A_252 = tpu.memref_squeeze %swap3A_251 : memref<1x128x128xf32, #tpu.memory_space<vmem>> -> memref<128x128xf32, #tpu.memory_space<vmem>>
      %swap3A_253 = arith.index_cast %add3A_193 : i32 to index
      %swap3A_254 = arith.constant 80 : index
      %swap3A_255 = tpu.vector_load %swap3A_252[%swap3A_253, %swap3A_254] {strides = array<i32>} : memref<128x128xf32, #tpu.memory_space<vmem>>, vector<1x16xf32>,
      %swap3A_256 = vector.shape_cast %swap3A_255 : vector<1x16xf32> to vector<16xf32>
      %swap3A_257 = vector.shape_cast %broadcast_in_dim3A_248 : vector<16xf32> to vector<1x16xf32>
      tpu.vector_store %swap3A_252[%swap3A_253, %swap3A_254], %swap3A_257 {strides = array<i32>} : memref<128x128xf32, #tpu.memory_space<vmem>>, vector<1x16xf32>,
      %broadcast_in_dim3A_258 = arith.constant 0.000000e+00 : f32
      %broadcast_in_dim3A_259 = vector.broadcast %broadcast_in_dim3A_258 : f32 to vector<16xf32>
      %swap3A_260 = arith.constant 0 : i32
      %swap3A_261 = arith.constant 0 : i32
      %swap3A_262 = tpu.memref_slice %arg8[%scan3A, %swap3A_260, %swap3A_261] : memref<2x128x128xf32, #tpu.memory_space<vmem>> -> memref<1x128x128xf32, #tpu.memory_space<vmem>>
      %swap3A_263 = tpu.memref_squeeze %swap3A_262 : memref<1x128x128xf32, #tpu.memory_space<vmem>> -> memref<128x128xf32, #tpu.memory_space<vmem>>
      %swap3A_264 = arith.index_cast %add3A_193 : i32 to index
      %swap3A_265 = arith.constant 96 : index
      %swap3A_266 = tpu.vector_load %swap3A_263[%swap3A_264, %swap3A_265] {strides = array<i32>} : memref<128x128xf32, #tpu.memory_space<vmem>>, vector<1x16xf32>,
      %swap3A_267 = vector.shape_cast %swap3A_266 : vector<1x16xf32> to vector<16xf32>
      %swap3A_268 = vector.shape_cast %broadcast_in_dim3A_259 : vector<16xf32> to vector<1x16xf32>
      tpu.vector_store %swap3A_263[%swap3A_264, %swap3A_265], %swap3A_268 {strides = array<i32>} : memref<128x128xf32, #tpu.memory_space<vmem>>, vector<1x16xf32>,
      %broadcast_in_dim3A_269 = arith.constant 0.000000e+00 : f32
      %broadcast_in_dim3A_270 = vector.broadcast %broadcast_in_dim3A_269 : f32 to vector<16xf32>
      %swap3A_271 = arith.constant 0 : i32
      %swap3A_272 = arith.constant 0 : i32
      %swap3A_273 = tpu.memref_slice %arg8[%scan3A, %swap3A_271, %swap3A_272] : memref<2x128x128xf32, #tpu.memory_space<vmem>> -> memref<1x128x128xf32, #tpu.memory_space<vmem>>
      %swap3A_274 = tpu.memref_squeeze %swap3A_273 : memref<1x128x128xf32, #tpu.memory_space<vmem>> -> memref<128x128xf32, #tpu.memory_space<vmem>>
      %swap3A_275 = arith.index_cast %add3A_193 : i32 to index
      %swap3A_276 = arith.constant 112 : index
      %swap3A_277 = tpu.vector_load %swap3A_274[%swap3A_275, %swap3A_276] {strides = array<i32>} : memref<128x128xf32, #tpu.memory_space<vmem>>, vector<1x16xf32>,
      %swap3A_278 = vector.shape_cast %swap3A_277 : vector<1x16xf32> to vector<16xf32>
      %swap3A_279 = vector.shape_cast %broadcast_in_dim3A_270 : vector<16xf32> to vector<1x16xf32>
      tpu.vector_store %swap3A_274[%swap3A_275, %swap3A_276], %swap3A_279 {strides = array<i32>} : memref<128x128xf32, #tpu.memory_space<vmem>>, vector<1x16xf32>,
    }
    %scan3A_7 = arith.constant 128 : i32
    %add3A_8 = arith.constant 0 : i32
    %add3A_9 = arith.addi %mul3A_2, %add3A_8 : i32
    %dma_start3A = arith.constant 0 : i32
    %dma_start3A_10 = arith.constant 0 : i32
    %dma_start3A_11 = arith.constant 0 : i32
    %dma_start3A_12 = tpu.memref_slice %arg8[%dma_start3A, %dma_start3A_10, %dma_start3A_11] : memref<2x128x128xf32, #tpu.memory_space<vmem>> -> memref<1x128x128xf32, #tpu.memory_space<vmem>>
    %dma_start3A_13 = tpu.memref_squeeze %dma_start3A_12 : memref<1x128x128xf32, #tpu.memory_space<vmem>> -> memref<128x128xf32, #tpu.memory_space<vmem>>
    %dma_start3A_14 = arith.constant 0 : i32
    %dma_start3A_15 = tpu.memref_slice %arg9[%add3A_9, %dma_start3A_14] : memref<10240x128xf32, #tpu.memory_space<vmem_shared>> -> memref<128x128xf32, #tpu.memory_space<vmem_shared>>
    %dma_start3A_16 = arith.constant 0 : i32
    %dma_start3A_17 = tpu.memref_slice %arg9[%add3A_9, %dma_start3A_16] : memref<10240x128xf32, #tpu.memory_space<vmem_shared>> -> memref<128x128xf32, #tpu.memory_space<vmem_shared>>
    %dma_start3A_18 = arith.constant 0 : i32
    %dma_start3A_19 = arith.constant 0 : i32
    %dma_start3A_20 = tpu.memref_slice %arg8[%dma_start3A, %dma_start3A_18, %dma_start3A_19] : memref<2x128x128xf32, #tpu.memory_space<vmem>> -> memref<1x128x128xf32, #tpu.memory_space<vmem>>
    %dma_start3A_21 = tpu.memref_squeeze %dma_start3A_20 : memref<1x128x128xf32, #tpu.memory_space<vmem>> -> memref<128x128xf32, #tpu.memory_space<vmem>>
    tpu.enqueue_dma source(%dma_start3A_21 : memref<128x128xf32, #tpu.memory_space<vmem>>) target(%dma_start3A_17 : memref<128x128xf32, #tpu.memory_space<vmem_shared>>) target_semaphore(%arg10 : memref<!tpu.dma_semaphore, #tpu.memory_space<semaphore_mem>>)
    %add3A_22 = arith.constant 128 : i32
    %add3A_23 = arith.addi %mul3A_2, %add3A_22 : i32
    %dma_start3A_24 = arith.constant 0 : i32
    %dma_start3A_25 = arith.constant 0 : i32
    %dma_start3A_26 = arith.constant 0 : i32
    %dma_start3A_27 = tpu.memref_slice %arg8[%dma_start3A_24, %dma_start3A_25, %dma_start3A_26] : memref<2x128x128xf32, #tpu.memory_space<vmem>> -> memref<1x128x128xf32, #tpu.memory_space<vmem>>
    %dma_start3A_28 = tpu.memref_squeeze %dma_start3A_27 : memref<1x128x128xf32, #tpu.memory_space<vmem>> -> memref<128x128xf32, #tpu.memory_space<vmem>>
    %dma_start3A_29 = arith.constant 0 : i32
    %dma_start3A_30 = tpu.memref_slice %arg9[%add3A_23, %dma_start3A_29] : memref<10240x128xf32, #tpu.memory_space<vmem_shared>> -> memref<128x128xf32, #tpu.memory_space<vmem_shared>>
    %dma_start3A_31 = arith.constant 0 : i32
    %dma_start3A_32 = tpu.memref_slice %arg9[%add3A_23, %dma_start3A_31] : memref<10240x128xf32, #tpu.memory_space<vmem_shared>> -> memref<128x128xf32, #tpu.memory_space<vmem_shared>>
    %dma_start3A_33 = arith.constant 0 : i32
    %dma_start3A_34 = arith.constant 0 : i32
    %dma_start3A_35 = tpu.memref_slice %arg8[%dma_start3A_24, %dma_start3A_33, %dma_start3A_34] : memref<2x128x128xf32, #tpu.memory_space<vmem>> -> memref<1x128x128xf32, #tpu.memory_space<vmem>>
    %dma_start3A_36 = tpu.memref_squeeze %dma_start3A_35 : memref<1x128x128xf32, #tpu.memory_space<vmem>> -> memref<128x128xf32, #tpu.memory_space<vmem>>
    tpu.enqueue_dma source(%dma_start3A_36 : memref<128x128xf32, #tpu.memory_space<vmem>>) target(%dma_start3A_32 : memref<128x128xf32, #tpu.memory_space<vmem_shared>>) target_semaphore(%arg10 : memref<!tpu.dma_semaphore, #tpu.memory_space<semaphore_mem>>)
    %add3A_37 = arith.constant 256 : i32
    %add3A_38 = arith.addi %mul3A_2, %add3A_37 : i32
    %dma_start3A_39 = arith.constant 0 : i32
    %dma_start3A_40 = arith.constant 0 : i32
    %dma_start3A_41 = arith.constant 0 : i32
    %dma_start3A_42 = tpu.memref_slice %arg8[%dma_start3A_39, %dma_start3A_40, %dma_start3A_41] : memref<2x128x128xf32, #tpu.memory_space<vmem>> -> memref<1x128x128xf32, #tpu.memory_space<vmem>>
    %dma_start3A_43 = tpu.memref_squeeze %dma_start3A_42 : memref<1x128x128xf32, #tpu.memory_space<vmem>> -> memref<128x128xf32, #tpu.memory_space<vmem>>
    %dma_start3A_44 = arith.constant 0 : i32
    %dma_start3A_45 = tpu.memref_slice %arg9[%add3A_38, %dma_start3A_44] : memref<10240x128xf32, #tpu.memory_space<vmem_shared>> -> memref<128x128xf32, #tpu.memory_space<vmem_shared>>
    %dma_start3A_46 = arith.constant 0 : i32
    %dma_start3A_47 = tpu.memref_slice %arg9[%add3A_38, %dma_start3A_46] : memref<10240x128xf32, #tpu.memory_space<vmem_shared>> -> memref<128x128xf32, #tpu.memory_space<vmem_shared>>
    %dma_start3A_48 = arith.constant 0 : i32
    %dma_start3A_49 = arith.constant 0 : i32
    %dma_start3A_50 = tpu.memref_slice %arg8[%dma_start3A_39, %dma_start3A_48, %dma_start3A_49] : memref<2x128x128xf32, #tpu.memory_space<vmem>> -> memref<1x128x128xf32, #tpu.memory_space<vmem>>
    %dma_start3A_51 = tpu.memref_squeeze %dma_start3A_50 : memref<1x128x128xf32, #tpu.memory_space<vmem>> -> memref<128x128xf32, #tpu.memory_space<vmem>>
    tpu.enqueue_dma source(%dma_start3A_51 : memref<128x128xf32, #tpu.memory_space<vmem>>) target(%dma_start3A_47 : memref<128x128xf32, #tpu.memory_space<vmem_shared>>) target_semaphore(%arg10 : memref<!tpu.dma_semaphore, #tpu.memory_space<semaphore_mem>>)
    %add3A_52 = arith.constant 384 : i32
    %add3A_53 = arith.addi %mul3A_2, %add3A_52 : i32
    %dma_start3A_54 = arith.constant 0 : i32
    %dma_start3A_55 = arith.constant 0 : i32
    %dma_start3A_56 = arith.constant 0 : i32
    %dma_start3A_57 = tpu.memref_slice %arg8[%dma_start3A_54, %dma_start3A_55, %dma_start3A_56] : memref<2x128x128xf32, #tpu.memory_space<vmem>> -> memref<1x128x128xf32, #tpu.memory_space<vmem>>
    %dma_start3A_58 = tpu.memref_squeeze %dma_start3A_57 : memref<1x128x128xf32, #tpu.memory_space<vmem>> -> memref<128x128xf32, #tpu.memory_space<vmem>>
    %dma_start3A_59 = arith.constant 0 : i32
    %dma_start3A_60 = tpu.memref_slice %arg9[%add3A_53, %dma_start3A_59] : memref<10240x128xf32, #tpu.memory_space<vmem_shared>> -> memref<128x128xf32, #tpu.memory_space<vmem_shared>>
    %dma_start3A_61 = arith.constant 0 : i32
    %dma_start3A_62 = tpu.memref_slice %arg9[%add3A_53, %dma_start3A_61] : memref<10240x128xf32, #tpu.memory_space<vmem_shared>> -> memref<128x128xf32, #tpu.memory_space<vmem_shared>>
    %dma_start3A_63 = arith.constant 0 : i32
    %dma_start3A_64 = arith.constant 0 : i32
    %dma_start3A_65 = tpu.memref_slice %arg8[%dma_start3A_54, %dma_start3A_63, %dma_start3A_64] : memref<2x128x128xf32, #tpu.memory_space<vmem>> -> memref<1x128x128xf32, #tpu.memory_space<vmem>>
    %dma_start3A_66 = tpu.memref_squeeze %dma_start3A_65 : memref<1x128x128xf32, #tpu.memory_space<vmem>> -> memref<128x128xf32, #tpu.memory_space<vmem>>
    tpu.enqueue_dma source(%dma_start3A_66 : memref<128x128xf32, #tpu.memory_space<vmem>>) target(%dma_start3A_62 : memref<128x128xf32, #tpu.memory_space<vmem_shared>>) target_semaphore(%arg10 : memref<!tpu.dma_semaphore, #tpu.memory_space<semaphore_mem>>)
    %add3A_67 = arith.constant 512 : i32
    %add3A_68 = arith.addi %mul3A_2, %add3A_67 : i32
    %dma_start3A_69 = arith.constant 0 : i32
    %dma_start3A_70 = arith.constant 0 : i32
    %dma_start3A_71 = arith.constant 0 : i32
    %dma_start3A_72 = tpu.memref_slice %arg8[%dma_start3A_69, %dma_start3A_70, %dma_start3A_71] : memref<2x128x128xf32, #tpu.memory_space<vmem>> -> memref<1x128x128xf32, #tpu.memory_space<vmem>>
    %dma_start3A_73 = tpu.memref_squeeze %dma_start3A_72 : memref<1x128x128xf32, #tpu.memory_space<vmem>> -> memref<128x128xf32, #tpu.memory_space<vmem>>
    %dma_start3A_74 = arith.constant 0 : i32
    %dma_start3A_75 = tpu.memref_slice %arg9[%add3A_68, %dma_start3A_74] : memref<10240x128xf32, #tpu.memory_space<vmem_shared>> -> memref<128x128xf32, #tpu.memory_space<vmem_shared>>
    %dma_start3A_76 = arith.constant 0 : i32
    %dma_start3A_77 = tpu.memref_slice %arg9[%add3A_68, %dma_start3A_76] : memref<10240x128xf32, #tpu.memory_space<vmem_shared>> -> memref<128x128xf32, #tpu.memory_space<vmem_shared>>
    %dma_start3A_78 = arith.constant 0 : i32
    %dma_start3A_79 = arith.constant 0 : i32
    %dma_start3A_80 = tpu.memref_slice %arg8[%dma_start3A_69, %dma_start3A_78, %dma_start3A_79] : memref<2x128x128xf32, #tpu.memory_space<vmem>> -> memref<1x128x128xf32, #tpu.memory_space<vmem>>
    %dma_start3A_81 = tpu.memref_squeeze %dma_start3A_80 : memref<1x128x128xf32, #tpu.memory_space<vmem>> -> memref<128x128xf32, #tpu.memory_space<vmem>>
    tpu.enqueue_dma source(%dma_start3A_81 : memref<128x128xf32, #tpu.memory_space<vmem>>) target(%dma_start3A_77 : memref<128x128xf32, #tpu.memory_space<vmem_shared>>) target_semaphore(%arg10 : memref<!tpu.dma_semaphore, #tpu.memory_space<semaphore_mem>>)
    "tpu.region"() ({
      %run_scoped3A_189 = tpu.sem_alloc : memref<!tpu.dma_semaphore, #tpu.memory_space<semaphore_mem>>
      %dma_start3A_190 = arith.constant 0 : i32
      %dma_start3A_191 = arith.constant 0 : i32
      %dma_start3A_192 = tpu.memref_slice %arg4[%add3A, %dma_start3A_190, %dma_start3A_191] : memref<32x79x128xi32, #tpu.memory_space<hbm>> -> memref<1x79x128xi32, #tpu.memory_space<hbm>>
      %dma_start3A_193 = tpu.memref_squeeze %dma_start3A_192 : memref<1x79x128xi32, #tpu.memory_space<hbm>> -> memref<79x128xi32, #tpu.memory_space<hbm>>
      %dma_start3A_194 = arith.constant 0 : i32
      %dma_start3A_195 = arith.constant 0 : i32
      %dma_start3A_196 = tpu.memref_slice %arg4[%add3A, %dma_start3A_194, %dma_start3A_195] : memref<32x79x128xi32, #tpu.memory_space<hbm>> -> memref<1x79x128xi32, #tpu.memory_space<hbm>>
      %dma_start3A_197 = tpu.memref_squeeze %dma_start3A_196 : memref<1x79x128xi32, #tpu.memory_space<hbm>> -> memref<79x128xi32, #tpu.memory_space<hbm>>
      tpu.enqueue_dma source(%dma_start3A_197 : memref<79x128xi32, #tpu.memory_space<hbm>>) target(%arg7 : memref<79x128xi32, #tpu.memory_space<vmem>>) target_semaphore(%run_scoped3A_189 : memref<!tpu.dma_semaphore, #tpu.memory_space<semaphore_mem>>)
      %dma_wait3A_198 = arith.constant 0 : i32
      %dma_wait3A_199 = arith.constant 0 : i32
      %dma_wait3A_200 = tpu.memref_slice %arg4[%add3A, %dma_wait3A_198, %dma_wait3A_199] : memref<32x79x128xi32, #tpu.memory_space<hbm>> -> memref<1x79x128xi32, #tpu.memory_space<hbm>>
      %dma_wait3A_201 = tpu.memref_squeeze %dma_wait3A_200 : memref<1x79x128xi32, #tpu.memory_space<hbm>> -> memref<79x128xi32, #tpu.memory_space<hbm>>
      %dma_wait3A_202 = arith.constant 0 : i32
      %dma_wait3A_203 = arith.constant 0 : i32
      %dma_wait3A_204 = tpu.memref_slice %arg4[%add3A, %dma_wait3A_202, %dma_wait3A_203] : memref<32x79x128xi32, #tpu.memory_space<hbm>> -> memref<1x79x128xi32, #tpu.memory_space<hbm>>
      %dma_wait3A_205 = tpu.memref_squeeze %dma_wait3A_204 : memref<1x79x128xi32, #tpu.memory_space<hbm>> -> memref<79x128xi32, #tpu.memory_space<hbm>>
      tpu.wait_dma2 semaphore(%run_scoped3A_189 : memref<!tpu.dma_semaphore, #tpu.memory_space<semaphore_mem>>) src(%dma_wait3A_205 : memref<79x128xi32, #tpu.memory_space<hbm>>) dst(%arg7 : memref<79x128xi32, #tpu.memory_space<vmem>>)
      tpu.yield
    }) : () -> ()
    %add3A_82 = arith.constant 0 : i32
    %add3A_83 = arith.addi %mul3A_2, %add3A_82 : i32
    %dma_wait3A = arith.constant 0 : i32
    %dma_wait3A_84 = arith.constant 0 : i32
    %dma_wait3A_85 = arith.constant 0 : i32
    %dma_wait3A_86 = tpu.memref_slice %arg8[%dma_wait3A, %dma_wait3A_84, %dma_wait3A_85] : memref<2x128x128xf32, #tpu.memory_space<vmem>> -> memref<1x128x128xf32, #tpu.memory_space<vmem>>
    %dma_wait3A_87 = tpu.memref_squeeze %dma_wait3A_86 : memref<1x128x128xf32, #tpu.memory_space<vmem>> -> memref<128x128xf32, #tpu.memory_space<vmem>>
    %dma_wait3A_88 = arith.constant 0 : i32
    %dma_wait3A_89 = tpu.memref_slice %arg9[%add3A_83, %dma_wait3A_88] : memref<10240x128xf32, #tpu.memory_space<vmem_shared>> -> memref<128x128xf32, #tpu.memory_space<vmem_shared>>
    %dma_wait3A_90 = arith.constant 0 : i32
    %dma_wait3A_91 = tpu.memref_slice %arg9[%add3A_83, %dma_wait3A_90] : memref<10240x128xf32, #tpu.memory_space<vmem_shared>> -> memref<128x128xf32, #tpu.memory_space<vmem_shared>>
    %dma_wait3A_92 = arith.constant 0 : i32
    %dma_wait3A_93 = arith.constant 0 : i32
    %dma_wait3A_94 = tpu.memref_slice %arg8[%dma_wait3A, %dma_wait3A_92, %dma_wait3A_93] : memref<2x128x128xf32, #tpu.memory_space<vmem>> -> memref<1x128x128xf32, #tpu.memory_space<vmem>>
    %dma_wait3A_95 = tpu.memref_squeeze %dma_wait3A_94 : memref<1x128x128xf32, #tpu.memory_space<vmem>> -> memref<128x128xf32, #tpu.memory_space<vmem>>
    tpu.wait_dma2 semaphore(%arg10 : memref<!tpu.dma_semaphore, #tpu.memory_space<semaphore_mem>>) src(%dma_wait3A_95 : memref<128x128xf32, #tpu.memory_space<vmem>>) dst(%dma_wait3A_91 : memref<128x128xf32, #tpu.memory_space<vmem_shared>>)
    %add3A_96 = arith.constant 128 : i32
    %add3A_97 = arith.addi %mul3A_2, %add3A_96 : i32
    %dma_wait3A_98 = arith.constant 0 : i32
    %dma_wait3A_99 = arith.constant 0 : i32
    %dma_wait3A_100 = arith.constant 0 : i32
    %dma_wait3A_101 = tpu.memref_slice %arg8[%dma_wait3A_98, %dma_wait3A_99, %dma_wait3A_100] : memref<2x128x128xf32, #tpu.memory_space<vmem>> -> memref<1x128x128xf32, #tpu.memory_space<vmem>>
    %dma_wait3A_102 = tpu.memref_squeeze %dma_wait3A_101 : memref<1x128x128xf32, #tpu.memory_space<vmem>> -> memref<128x128xf32, #tpu.memory_space<vmem>>
    %dma_wait3A_103 = arith.constant 0 : i32
    %dma_wait3A_104 = tpu.memref_slice %arg9[%add3A_97, %dma_wait3A_103] : memref<10240x128xf32, #tpu.memory_space<vmem_shared>> -> memref<128x128xf32, #tpu.memory_space<vmem_shared>>
    %dma_wait3A_105 = arith.constant 0 : i32
    %dma_wait3A_106 = tpu.memref_slice %arg9[%add3A_97, %dma_wait3A_105] : memref<10240x128xf32, #tpu.memory_space<vmem_shared>> -> memref<128x128xf32, #tpu.memory_space<vmem_shared>>
    %dma_wait3A_107 = arith.constant 0 : i32
    %dma_wait3A_108 = arith.constant 0 : i32
    %dma_wait3A_109 = tpu.memref_slice %arg8[%dma_wait3A_98, %dma_wait3A_107, %dma_wait3A_108] : memref<2x128x128xf32, #tpu.memory_space<vmem>> -> memref<1x128x128xf32, #tpu.memory_space<vmem>>
    %dma_wait3A_110 = tpu.memref_squeeze %dma_wait3A_109 : memref<1x128x128xf32, #tpu.memory_space<vmem>> -> memref<128x128xf32, #tpu.memory_space<vmem>>
    tpu.wait_dma2 semaphore(%arg10 : memref<!tpu.dma_semaphore, #tpu.memory_space<semaphore_mem>>) src(%dma_wait3A_110 : memref<128x128xf32, #tpu.memory_space<vmem>>) dst(%dma_wait3A_106 : memref<128x128xf32, #tpu.memory_space<vmem_shared>>)
    %add3A_111 = arith.constant 256 : i32
    %add3A_112 = arith.addi %mul3A_2, %add3A_111 : i32
    %dma_wait3A_113 = arith.constant 0 : i32
    %dma_wait3A_114 = arith.constant 0 : i32
    %dma_wait3A_115 = arith.constant 0 : i32
    %dma_wait3A_116 = tpu.memref_slice %arg8[%dma_wait3A_113, %dma_wait3A_114, %dma_wait3A_115] : memref<2x128x128xf32, #tpu.memory_space<vmem>> -> memref<1x128x128xf32, #tpu.memory_space<vmem>>
    %dma_wait3A_117 = tpu.memref_squeeze %dma_wait3A_116 : memref<1x128x128xf32, #tpu.memory_space<vmem>> -> memref<128x128xf32, #tpu.memory_space<vmem>>
    %dma_wait3A_118 = arith.constant 0 : i32
    %dma_wait3A_119 = tpu.memref_slice %arg9[%add3A_112, %dma_wait3A_118] : memref<10240x128xf32, #tpu.memory_space<vmem_shared>> -> memref<128x128xf32, #tpu.memory_space<vmem_shared>>
    %dma_wait3A_120 = arith.constant 0 : i32
    %dma_wait3A_121 = tpu.memref_slice %arg9[%add3A_112, %dma_wait3A_120] : memref<10240x128xf32, #tpu.memory_space<vmem_shared>> -> memref<128x128xf32, #tpu.memory_space<vmem_shared>>
    %dma_wait3A_122 = arith.constant 0 : i32
    %dma_wait3A_123 = arith.constant 0 : i32
    %dma_wait3A_124 = tpu.memref_slice %arg8[%dma_wait3A_113, %dma_wait3A_122, %dma_wait3A_123] : memref<2x128x128xf32, #tpu.memory_space<vmem>> -> memref<1x128x128xf32, #tpu.memory_space<vmem>>
    %dma_wait3A_125 = tpu.memref_squeeze %dma_wait3A_124 : memref<1x128x128xf32, #tpu.memory_space<vmem>> -> memref<128x128xf32, #tpu.memory_space<vmem>>
    tpu.wait_dma2 semaphore(%arg10 : memref<!tpu.dma_semaphore, #tpu.memory_space<semaphore_mem>>) src(%dma_wait3A_125 : memref<128x128xf32, #tpu.memory_space<vmem>>) dst(%dma_wait3A_121 : memref<128x128xf32, #tpu.memory_space<vmem_shared>>)
    %add3A_126 = arith.constant 384 : i32
    %add3A_127 = arith.addi %mul3A_2, %add3A_126 : i32
    %dma_wait3A_128 = arith.constant 0 : i32
    %dma_wait3A_129 = arith.constant 0 : i32
    %dma_wait3A_130 = arith.constant 0 : i32
    %dma_wait3A_131 = tpu.memref_slice %arg8[%dma_wait3A_128, %dma_wait3A_129, %dma_wait3A_130] : memref<2x128x128xf32, #tpu.memory_space<vmem>> -> memref<1x128x128xf32, #tpu.memory_space<vmem>>
    %dma_wait3A_132 = tpu.memref_squeeze %dma_wait3A_131 : memref<1x128x128xf32, #tpu.memory_space<vmem>> -> memref<128x128xf32, #tpu.memory_space<vmem>>
    %dma_wait3A_133 = arith.constant 0 : i32
    %dma_wait3A_134 = tpu.memref_slice %arg9[%add3A_127, %dma_wait3A_133] : memref<10240x128xf32, #tpu.memory_space<vmem_shared>> -> memref<128x128xf32, #tpu.memory_space<vmem_shared>>
    %dma_wait3A_135 = arith.constant 0 : i32
    %dma_wait3A_136 = tpu.memref_slice %arg9[%add3A_127, %dma_wait3A_135] : memref<10240x128xf32, #tpu.memory_space<vmem_shared>> -> memref<128x128xf32, #tpu.memory_space<vmem_shared>>
    %dma_wait3A_137 = arith.constant 0 : i32
    %dma_wait3A_138 = arith.constant 0 : i32
    %dma_wait3A_139 = tpu.memref_slice %arg8[%dma_wait3A_128, %dma_wait3A_137, %dma_wait3A_138] : memref<2x128x128xf32, #tpu.memory_space<vmem>> -> memref<1x128x128xf32, #tpu.memory_space<vmem>>
    %dma_wait3A_140 = tpu.memref_squeeze %dma_wait3A_139 : memref<1x128x128xf32, #tpu.memory_space<vmem>> -> memref<128x128xf32, #tpu.memory_space<vmem>>
    tpu.wait_dma2 semaphore(%arg10 : memref<!tpu.dma_semaphore, #tpu.memory_space<semaphore_mem>>) src(%dma_wait3A_140 : memref<128x128xf32, #tpu.memory_space<vmem>>) dst(%dma_wait3A_136 : memref<128x128xf32, #tpu.memory_space<vmem_shared>>)
    %add3A_141 = arith.constant 512 : i32
    %add3A_142 = arith.addi %mul3A_2, %add3A_141 : i32
    %dma_wait3A_143 = arith.constant 0 : i32
    %dma_wait3A_144 = arith.constant 0 : i32
    %dma_wait3A_145 = arith.constant 0 : i32
    %dma_wait3A_146 = tpu.memref_slice %arg8[%dma_wait3A_143, %dma_wait3A_144, %dma_wait3A_145] : memref<2x128x128xf32, #tpu.memory_space<vmem>> -> memref<1x128x128xf32, #tpu.memory_space<vmem>>
    %dma_wait3A_147 = tpu.memref_squeeze %dma_wait3A_146 : memref<1x128x128xf32, #tpu.memory_space<vmem>> -> memref<128x128xf32, #tpu.memory_space<vmem>>
    %dma_wait3A_148 = arith.constant 0 : i32
    %dma_wait3A_149 = tpu.memref_slice %arg9[%add3A_142, %dma_wait3A_148] : memref<10240x128xf32, #tpu.memory_space<vmem_shared>> -> memref<128x128xf32, #tpu.memory_space<vmem_shared>>
    %dma_wait3A_150 = arith.constant 0 : i32
    %dma_wait3A_151 = tpu.memref_slice %arg9[%add3A_142, %dma_wait3A_150] : memref<10240x128xf32, #tpu.memory_space<vmem_shared>> -> memref<128x128xf32, #tpu.memory_space<vmem_shared>>
    %dma_wait3A_152 = arith.constant 0 : i32
    %dma_wait3A_153 = arith.constant 0 : i32
    %dma_wait3A_154 = tpu.memref_slice %arg8[%dma_wait3A_143, %dma_wait3A_152, %dma_wait3A_153] : memref<2x128x128xf32, #tpu.memory_space<vmem>> -> memref<1x128x128xf32, #tpu.memory_space<vmem>>
    %dma_wait3A_155 = tpu.memref_squeeze %dma_wait3A_154 : memref<1x128x128xf32, #tpu.memory_space<vmem>> -> memref<128x128xf32, #tpu.memory_space<vmem>>
    tpu.wait_dma2 semaphore(%arg10 : memref<!tpu.dma_semaphore, #tpu.memory_space<semaphore_mem>>) src(%dma_wait3A_155 : memref<128x128xf32, #tpu.memory_space<vmem>>) dst(%dma_wait3A_151 : memref<128x128xf32, #tpu.memory_space<vmem_shared>>)
    %barrier3A = arith.constant 0 : index
    tpu.barrier barrier_id(%barrier3A)
    %run_scoped3A = arith.constant 0 : i32
    %run_scoped3A_156 = arith.constant 0 : i32
    "tpu.region"() ({
      %run_scoped3A_189 = tpu.sem_alloc : memref<!tpu.dma_semaphore, #tpu.memory_space<semaphore_mem>>
      %dma_start3A_190 = arith.constant 0 : i32
      %dma_start3A_191 = tpu.memref_slice %arg6[%run_scoped3A_156, %dma_start3A_190] : memref<2x128xi32, #tpu.memory_space<vmem>> -> memref<1x128xi32, #tpu.memory_space<vmem>>
      %dma_start3A_192 = tpu.memref_squeeze %dma_start3A_191 : memref<1x128xi32, #tpu.memory_space<vmem>> -> memref<128xi32, #tpu.memory_space<vmem>>
      %dma_start3A_193 = arith.constant 0 : i32
      %dma_start3A_194 = tpu.memref_slice %arg3[%add3A, %run_scoped3A, %dma_start3A_193] : memref<32x79x128xi32, #tpu.memory_space<hbm>> -> memref<1x1x128xi32, #tpu.memory_space<hbm>>
      %dma_start3A_195 = tpu.memref_squeeze %dma_start3A_194 : memref<1x1x128xi32, #tpu.memory_space<hbm>> -> memref<128xi32, #tpu.memory_space<hbm>>
      %dma_start3A_196 = arith.constant 0 : i32
      %dma_start3A_197 = tpu.memref_slice %arg6[%run_scoped3A_156, %dma_start3A_196] : memref<2x128xi32, #tpu.memory_space<vmem>> -> memref<1x128xi32, #tpu.memory_space<vmem>>
      %dma_start3A_198 = tpu.memref_squeeze %dma_start3A_197 : memref<1x128xi32, #tpu.memory_space<vmem>> -> memref<128xi32, #tpu.memory_space<vmem>>
      %dma_start3A_199 = arith.constant 0 : i32
      %dma_start3A_200 = tpu.memref_slice %arg3[%add3A, %run_scoped3A, %dma_start3A_199] : memref<32x79x128xi32, #tpu.memory_space<hbm>> -> memref<1x1x128xi32, #tpu.memory_space<hbm>>
      %dma_start3A_201 = tpu.memref_squeeze %dma_start3A_200 : memref<1x1x128xi32, #tpu.memory_space<hbm>> -> memref<128xi32, #tpu.memory_space<hbm>>
      tpu.enqueue_dma source(%dma_start3A_201 : memref<128xi32, #tpu.memory_space<hbm>>) target(%dma_start3A_198 : memref<128xi32, #tpu.memory_space<vmem>>) target_semaphore(%run_scoped3A_189 : memref<!tpu.dma_semaphore, #tpu.memory_space<semaphore_mem>>)
      %dma_wait3A_202 = arith.constant 0 : i32
      %dma_wait3A_203 = tpu.memref_slice %arg6[%run_scoped3A_156, %dma_wait3A_202] : memref<2x128xi32, #tpu.memory_space<vmem>> -> memref<1x128xi32, #tpu.memory_space<vmem>>
      %dma_wait3A_204 = tpu.memref_squeeze %dma_wait3A_203 : memref<1x128xi32, #tpu.memory_space<vmem>> -> memref<128xi32, #tpu.memory_space<vmem>>
      %dma_wait3A_205 = arith.constant 0 : i32
      %dma_wait3A_206 = tpu.memref_slice %arg3[%add3A, %run_scoped3A, %dma_wait3A_205] : memref<32x79x128xi32, #tpu.memory_space<hbm>> -> memref<1x1x128xi32, #tpu.memory_space<hbm>>
      %dma_wait3A_207 = tpu.memref_squeeze %dma_wait3A_206 : memref<1x1x128xi32, #tpu.memory_space<hbm>> -> memref<128xi32, #tpu.memory_space<hbm>>
      %dma_wait3A_208 = arith.constant 0 : i32
      %dma_wait3A_209 = tpu.memref_slice %arg6[%run_scoped3A_156, %dma_wait3A_208] : memref<2x128xi32, #tpu.memory_space<vmem>> -> memref<1x128xi32, #tpu.memory_space<vmem>>
      %dma_wait3A_210 = tpu.memref_squeeze %dma_wait3A_209 : memref<1x128xi32, #tpu.memory_space<vmem>> -> memref<128xi32, #tpu.memory_space<vmem>>
      %dma_wait3A_211 = arith.constant 0 : i32
      %dma_wait3A_212 = tpu.memref_slice %arg3[%add3A, %run_scoped3A, %dma_wait3A_211] : memref<32x79x128xi32, #tpu.memory_space<hbm>> -> memref<1x1x128xi32, #tpu.memory_space<hbm>>
      %dma_wait3A_213 = tpu.memref_squeeze %dma_wait3A_212 : memref<1x1x128xi32, #tpu.memory_space<hbm>> -> memref<128xi32, #tpu.memory_space<hbm>>
      tpu.wait_dma2 semaphore(%run_scoped3A_189 : memref<!tpu.dma_semaphore, #tpu.memory_space<semaphore_mem>>) src(%dma_wait3A_213 : memref<128xi32, #tpu.memory_space<hbm>>) dst(%dma_wait3A_210 : memref<128xi32, #tpu.memory_space<vmem>>)
      tpu.yield
    }) : () -> ()
    %dma_start3A_157 = arith.constant 0 : i32
    %dma_start3A_158 = arith.constant 0 : i32
    %dma_start3A_159 = arith.constant 0 : i32
    %dma_start3A_160 = arith.constant 0 : i32
    %dma_start3A_161 = tpu.memref_slice %arg8[%dma_start3A_158, %dma_start3A_159, %dma_start3A_160] : memref<2x128x128xf32, #tpu.memory_space<vmem>> -> memref<1x128x128xf32, #tpu.memory_space<vmem>>
    %dma_start3A_162 = tpu.memref_squeeze %dma_start3A_161 : memref<1x128x128xf32, #tpu.memory_space<vmem>> -> memref<128x128xf32, #tpu.memory_space<vmem>>
    %dma_start3A_163 = arith.constant 0 : i32
    %dma_start3A_164 = tpu.memref_slice %arg6[%dma_start3A_157, %dma_start3A_163] : memref<2x128xi32, #tpu.memory_space<vmem>> -> memref<1x128xi32, #tpu.memory_space<vmem>>
    %dma_start3A_165 = tpu.memref_squeeze %dma_start3A_164 : memref<1x128xi32, #tpu.memory_space<vmem>> -> memref<128xi32, #tpu.memory_space<vmem>>
    %dma_start3A_166 = arith.constant 0 : i32
    %dma_start3A_167 = arith.constant 0 : i32
    %dma_start3A_168 = tpu.memref_slice %arg2[%dma_start3A_166, %dma_start3A_167] : memref<10240x128xf32, #tpu.memory_space<hbm>> -> memref<10240x128xf32, #tpu.memory_space<hbm>>
    tpu.enqueue_indirect_dma source(%dma_start3A_168 : memref<10240x128xf32, #tpu.memory_space<hbm>>) target(%dma_start3A_162 : memref<128x128xf32, #tpu.memory_space<vmem>>) offsets(%dma_start3A_165 : memref<128xi32, #tpu.memory_space<vmem>>) semaphore(%arg10 : memref<!tpu.dma_semaphore, #tpu.memory_space<semaphore_mem>>)
    %dma_start3A_169 = arith.constant 1 : i32
    %dma_start3A_170 = arith.constant 1 : i32
    %dma_start3A_171 = arith.constant 0 : i32
    %dma_start3A_172 = tpu.memref_slice %arg6[%dma_start3A_170, %dma_start3A_171] : memref<2x128xi32, #tpu.memory_space<vmem>> -> memref<1x128xi32, #tpu.memory_space<vmem>>
    %dma_start3A_173 = tpu.memref_squeeze %dma_start3A_172 : memref<1x128xi32, #tpu.memory_space<vmem>> -> memref<128xi32, #tpu.memory_space<vmem>>
    %dma_start3A_174 = arith.constant 0 : i32
    %dma_start3A_175 = tpu.memref_slice %arg3[%add3A, %dma_start3A_169, %dma_start3A_174] : memref<32x79x128xi32, #tpu.memory_space<hbm>> -> memref<1x1x128xi32, #tpu.memory_space<hbm>>
    %dma_start3A_176 = tpu.memref_squeeze %dma_start3A_175 : memref<1x1x128xi32, #tpu.memory_space<hbm>> -> memref<128xi32, #tpu.memory_space<hbm>>
    %dma_start3A_177 = arith.constant 0 : i32
    %dma_start3A_178 = tpu.memref_slice %arg6[%dma_start3A_170, %dma_start3A_177] : memref<2x128xi32, #tpu.memory_space<vmem>> -> memref<1x128xi32, #tpu.memory_space<vmem>>
    %dma_start3A_179 = tpu.memref_squeeze %dma_start3A_178 : memref<1x128xi32, #tpu.memory_space<vmem>> -> memref<128xi32, #tpu.memory_space<vmem>>
    %dma_start3A_180 = arith.constant 0 : i32
    %dma_start3A_181 = tpu.memref_slice %arg3[%add3A, %dma_start3A_169, %dma_start3A_180] : memref<32x79x128xi32, #tpu.memory_space<hbm>> -> memref<1x1x128xi32, #tpu.memory_space<hbm>>
    %dma_start3A_182 = tpu.memref_squeeze %dma_start3A_181 : memref<1x1x128xi32, #tpu.memory_space<hbm>> -> memref<128xi32, #tpu.memory_space<hbm>>
    tpu.enqueue_dma source(%dma_start3A_182 : memref<128xi32, #tpu.memory_space<hbm>>) target(%dma_start3A_179 : memref<128xi32, #tpu.memory_space<vmem>>) target_semaphore(%arg11 : memref<!tpu.dma_semaphore, #tpu.memory_space<semaphore_mem>>)
    %scan3A_183 = arith.constant 0 : i32
    %scan3A_184 = arith.constant 79 : i32
    %scan3A_185 = arith.addi %scan3A_183, %scan3A_184 : i32
    %scan3A_186 = arith.constant 1 : i32
    scf.for %scan3A_189 = %scan3A_183 to %scan3A_185 step %scan3A_186  : i32 {
      %mul3A_190 = arith.constant 1 : i32
      %mul3A_191 = arith.muli %scan3A_189, %mul3A_190 : i32
      %add3A_192 = arith.constant 0 : i32
      %add3A_193 = arith.addi %add3A_192, %mul3A_191 : i32
      %rem3A = arith.constant 2 : i32
      %rem3A_194 = arith.remsi %add3A_193, %rem3A : i32
      %add3A_195 = arith.constant 1 : i32
      %add3A_196 = arith.addi %add3A_193, %add3A_195 : i32
      %rem3A_197 = arith.constant 2 : i32
      %rem3A_198 = arith.remsi %add3A_196, %rem3A_197 : i32
      %dma_wait3A_199 = arith.constant 0 : i32
      %dma_wait3A_200 = arith.constant 0 : i32
      %dma_wait3A_201 = tpu.memref_slice %arg8[%rem3A_194, %dma_wait3A_199, %dma_wait3A_200] : memref<2x128x128xf32, #tpu.memory_space<vmem>> -> memref<1x128x128xf32, #tpu.memory_space<vmem>>
      %dma_wait3A_202 = tpu.memref_squeeze %dma_wait3A_201 : memref<1x128x128xf32, #tpu.memory_space<vmem>> -> memref<128x128xf32, #tpu.memory_space<vmem>>
      %dma_wait3A_203 = arith.constant 0 : i32
      %dma_wait3A_204 = tpu.memref_slice %arg6[%rem3A_194, %dma_wait3A_203] : memref<2x128xi32, #tpu.memory_space<vmem>> -> memref<1x128xi32, #tpu.memory_space<vmem>>
      %dma_wait3A_205 = tpu.memref_squeeze %dma_wait3A_204 : memref<1x128xi32, #tpu.memory_space<vmem>> -> memref<128xi32, #tpu.memory_space<vmem>>
      %dma_wait3A_206 = arith.constant 0 : i32
      %dma_wait3A_207 = arith.constant 0 : i32
      %dma_wait3A_208 = tpu.memref_slice %arg2[%dma_wait3A_206, %dma_wait3A_207] : memref<10240x128xf32, #tpu.memory_space<hbm>> -> memref<10240x128xf32, #tpu.memory_space<hbm>>
      tpu.wait_indirect_dma semaphore(%arg10 : memref<!tpu.dma_semaphore, #tpu.memory_space<semaphore_mem>>) src(%dma_wait3A_208 : memref<10240x128xf32, #tpu.memory_space<hbm>>) dst(%dma_wait3A_202 : memref<128x128xf32, #tpu.memory_space<vmem>>)
      %add3A_209 = arith.constant 1 : i32
      %add3A_210 = arith.addi %add3A_193, %add3A_209 : i32
      %lt3A = arith.constant 79 : i32
      %lt3A_211 = arith.cmpi slt, %add3A_210, %lt3A : i32
      %convert_element_type3A = arith.extui %lt3A_211 : i1 to i32
      %cond3A = arith.constant 0 : i32
      %cond3A_212 = arith.cmpi ne, %convert_element_type3A, %cond3A : i32
      scf.if %cond3A_212 {
        %dma_wait3A_213 = arith.constant 0 : i32
        %dma_wait3A_214 = arith.constant 0 : i32
        %dma_wait3A_215 = tpu.memref_slice %arg6[%rem3A_198, %dma_wait3A_214] : memref<2x128xi32, #tpu.memory_space<vmem>> -> memref<1x128xi32, #tpu.memory_space<vmem>>
        %dma_wait3A_216 = tpu.memref_squeeze %dma_wait3A_215 : memref<1x128xi32, #tpu.memory_space<vmem>> -> memref<128xi32, #tpu.memory_space<vmem>>
        %dma_wait3A_217 = arith.constant 0 : i32
        %dma_wait3A_218 = tpu.memref_slice %arg3[%add3A, %dma_wait3A_213, %dma_wait3A_217] : memref<32x79x128xi32, #tpu.memory_space<hbm>> -> memref<1x1x128xi32, #tpu.memory_space<hbm>>
        %dma_wait3A_219 = tpu.memref_squeeze %dma_wait3A_218 : memref<1x1x128xi32, #tpu.memory_space<hbm>> -> memref<128xi32, #tpu.memory_space<hbm>>
        %dma_wait3A_220 = arith.constant 0 : i32
        %dma_wait3A_221 = tpu.memref_slice %arg6[%rem3A_198, %dma_wait3A_220] : memref<2x128xi32, #tpu.memory_space<vmem>> -> memref<1x128xi32, #tpu.memory_space<vmem>>
        %dma_wait3A_222 = tpu.memref_squeeze %dma_wait3A_221 : memref<1x128xi32, #tpu.memory_space<vmem>> -> memref<128xi32, #tpu.memory_space<vmem>>
        %dma_wait3A_223 = arith.constant 0 : i32
        %dma_wait3A_224 = tpu.memref_slice %arg3[%add3A, %dma_wait3A_213, %dma_wait3A_223] : memref<32x79x128xi32, #tpu.memory_space<hbm>> -> memref<1x1x128xi32, #tpu.memory_space<hbm>>
        %dma_wait3A_225 = tpu.memref_squeeze %dma_wait3A_224 : memref<1x1x128xi32, #tpu.memory_space<hbm>> -> memref<128xi32, #tpu.memory_space<hbm>>
        tpu.wait_dma2 semaphore(%arg11 : memref<!tpu.dma_semaphore, #tpu.memory_space<semaphore_mem>>) src(%dma_wait3A_225 : memref<128xi32, #tpu.memory_space<hbm>>) dst(%dma_wait3A_222 : memref<128xi32, #tpu.memory_space<vmem>>)
        %dma_start3A_226 = arith.constant 0 : i32
        %dma_start3A_227 = arith.constant 0 : i32
        %dma_start3A_228 = tpu.memref_slice %arg8[%rem3A_198, %dma_start3A_226, %dma_start3A_227] : memref<2x128x128xf32, #tpu.memory_space<vmem>> -> memref<1x128x128xf32, #tpu.memory_space<vmem>>
        %dma_start3A_229 = tpu.memref_squeeze %dma_start3A_228 : memref<1x128x128xf32, #tpu.memory_space<vmem>> -> memref<128x128xf32, #tpu.memory_space<vmem>>
        %dma_start3A_230 = arith.constant 0 : i32
        %dma_start3A_231 = tpu.memref_slice %arg6[%rem3A_198, %dma_start3A_230] : memref<2x128xi32, #tpu.memory_space<vmem>> -> memref<1x128xi32, #tpu.memory_space<vmem>>
        %dma_start3A_232 = tpu.memref_squeeze %dma_start3A_231 : memref<1x128xi32, #tpu.memory_space<vmem>> -> memref<128xi32, #tpu.memory_space<vmem>>
        %dma_start3A_233 = arith.constant 0 : i32
        %dma_start3A_234 = arith.constant 0 : i32
        %dma_start3A_235 = tpu.memref_slice %arg2[%dma_start3A_233, %dma_start3A_234] : memref<10240x128xf32, #tpu.memory_space<hbm>> -> memref<10240x128xf32, #tpu.memory_space<hbm>>
        tpu.enqueue_indirect_dma source(%dma_start3A_235 : memref<10240x128xf32, #tpu.memory_space<hbm>>) target(%dma_start3A_229 : memref<128x128xf32, #tpu.memory_space<vmem>>) offsets(%dma_start3A_232 : memref<128xi32, #tpu.memory_space<vmem>>) semaphore(%arg10 : memref<!tpu.dma_semaphore, #tpu.memory_space<semaphore_mem>>)
        %add3A_236 = arith.constant 2 : i32
        %add3A_237 = arith.addi %add3A_193, %add3A_236 : i32
        %lt3A_238 = arith.constant 79 : i32
        %lt3A_239 = arith.cmpi slt, %add3A_237, %lt3A_238 : i32
        %convert_element_type3A_240 = arith.extui %lt3A_239 : i1 to i32
        %cond3A_241 = arith.constant 0 : i32
        %cond3A_242 = arith.cmpi ne, %convert_element_type3A_240, %cond3A_241 : i32
        scf.if %cond3A_242 {
          %add3A_243 = arith.constant 2 : i32
          %add3A_244 = arith.addi %add3A_193, %add3A_243 : i32
          %dma_start3A_245 = arith.constant 0 : i32
          %dma_start3A_246 = tpu.memref_slice %arg6[%rem3A_194, %dma_start3A_245] : memref<2x128xi32, #tpu.memory_space<vmem>> -> memref<1x128xi32, #tpu.memory_space<vmem>>
          %dma_start3A_247 = tpu.memref_squeeze %dma_start3A_246 : memref<1x128xi32, #tpu.memory_space<vmem>> -> memref<128xi32, #tpu.memory_space<vmem>>
          %dma_start3A_248 = arith.constant 0 : i32
          %dma_start3A_249 = tpu.memref_slice %arg3[%add3A, %add3A_244, %dma_start3A_248] : memref<32x79x128xi32, #tpu.memory_space<hbm>> -> memref<1x1x128xi32, #tpu.memory_space<hbm>>
          %dma_start3A_250 = tpu.memref_squeeze %dma_start3A_249 : memref<1x1x128xi32, #tpu.memory_space<hbm>> -> memref<128xi32, #tpu.memory_space<hbm>>
          %dma_start3A_251 = arith.constant 0 : i32
          %dma_start3A_252 = tpu.memref_slice %arg6[%rem3A_194, %dma_start3A_251] : memref<2x128xi32, #tpu.memory_space<vmem>> -> memref<1x128xi32, #tpu.memory_space<vmem>>
          %dma_start3A_253 = tpu.memref_squeeze %dma_start3A_252 : memref<1x128xi32, #tpu.memory_space<vmem>> -> memref<128xi32, #tpu.memory_space<vmem>>
          %dma_start3A_254 = arith.constant 0 : i32
          %dma_start3A_255 = tpu.memref_slice %arg3[%add3A, %add3A_244, %dma_start3A_254] : memref<32x79x128xi32, #tpu.memory_space<hbm>> -> memref<1x1x128xi32, #tpu.memory_space<hbm>>
          %dma_start3A_256 = tpu.memref_squeeze %dma_start3A_255 : memref<1x1x128xi32, #tpu.memory_space<hbm>> -> memref<128xi32, #tpu.memory_space<hbm>>
          tpu.enqueue_dma source(%dma_start3A_256 : memref<128xi32, #tpu.memory_space<hbm>>) target(%dma_start3A_253 : memref<128xi32, #tpu.memory_space<vmem>>) target_semaphore(%arg11 : memref<!tpu.dma_semaphore, #tpu.memory_space<semaphore_mem>>)
        } else {
        }
      } else {
      }
      "tpu.region"() ({
        %run_scoped3A_213 = tpu.sem_alloc : memref<!tpu.dma_semaphore, #tpu.memory_space<semaphore_mem>>
        %dma_start3A_214 = arith.constant 0 : i32
        %dma_start3A_215 = arith.constant 0 : i32
        %dma_start3A_216 = tpu.memref_slice %arg8[%rem3A_194, %dma_start3A_214, %dma_start3A_215] : memref<2x128x128xf32, #tpu.memory_space<vmem>> -> memref<1x128x128xf32, #tpu.memory_space<vmem>>
        %dma_start3A_217 = tpu.memref_squeeze %dma_start3A_216 : memref<1x128x128xf32, #tpu.memory_space<vmem>> -> memref<128x128xf32, #tpu.memory_space<vmem>>
        %dma_start3A_218 = arith.constant 0 : i32
        %dma_start3A_219 = tpu.memref_slice %arg7[%add3A_193, %dma_start3A_218] : memref<79x128xi32, #tpu.memory_space<vmem>> -> memref<1x128xi32, #tpu.memory_space<vmem>>
        %dma_start3A_220 = tpu.memref_squeeze %dma_start3A_219 : memref<1x128xi32, #tpu.memory_space<vmem>> -> memref<128xi32, #tpu.memory_space<vmem>>
        %dma_start3A_221 = arith.constant 0 : i32
        %dma_start3A_222 = arith.constant 0 : i32
        %dma_start3A_223 = tpu.memref_slice %arg9[%dma_start3A_221, %dma_start3A_222] : memref<10240x128xf32, #tpu.memory_space<vmem_shared>> -> memref<10240x128xf32, #tpu.memory_space<vmem_shared>>
        tpu.enqueue_indirect_dma source(%dma_start3A_217 : memref<128x128xf32, #tpu.memory_space<vmem>>) target(%dma_start3A_223 : memref<10240x128xf32, #tpu.memory_space<vmem_shared>>) offsets(%dma_start3A_220 : memref<128xi32, #tpu.memory_space<vmem>>) semaphore(%run_scoped3A_213 : memref<!tpu.dma_semaphore, #tpu.memory_space<semaphore_mem>>) {add = true}
        %dma_wait3A_224 = arith.constant 0 : i32
        %dma_wait3A_225 = arith.constant 0 : i32
        %dma_wait3A_226 = tpu.memref_slice %arg8[%rem3A_194, %dma_wait3A_224, %dma_wait3A_225] : memref<2x128x128xf32, #tpu.memory_space<vmem>> -> memref<1x128x128xf32, #tpu.memory_space<vmem>>
        %dma_wait3A_227 = tpu.memref_squeeze %dma_wait3A_226 : memref<1x128x128xf32, #tpu.memory_space<vmem>> -> memref<128x128xf32, #tpu.memory_space<vmem>>
        %dma_wait3A_228 = arith.constant 0 : i32
        %dma_wait3A_229 = tpu.memref_slice %arg7[%add3A_193, %dma_wait3A_228] : memref<79x128xi32, #tpu.memory_space<vmem>> -> memref<1x128xi32, #tpu.memory_space<vmem>>
        %dma_wait3A_230 = tpu.memref_squeeze %dma_wait3A_229 : memref<1x128xi32, #tpu.memory_space<vmem>> -> memref<128xi32, #tpu.memory_space<vmem>>
        %dma_wait3A_231 = arith.constant 0 : i32
        %dma_wait3A_232 = arith.constant 0 : i32
        %dma_wait3A_233 = tpu.memref_slice %arg9[%dma_wait3A_231, %dma_wait3A_232] : memref<10240x128xf32, #tpu.memory_space<vmem_shared>> -> memref<10240x128xf32, #tpu.memory_space<vmem_shared>>
        tpu.wait_indirect_dma semaphore(%run_scoped3A_213 : memref<!tpu.dma_semaphore, #tpu.memory_space<semaphore_mem>>) src(%dma_wait3A_227 : memref<128x128xf32, #tpu.memory_space<vmem>>) dst(%dma_wait3A_233 : memref<10240x128xf32, #tpu.memory_space<vmem_shared>>)
        tpu.yield
      }) : () -> ()
    }
    %scan3A_187 = arith.constant 79 : i32
    %barrier3A_188 = arith.constant 0 : index
    tpu.barrier barrier_id(%barrier3A_188)
    "tpu.region"() ({
      %run_scoped3A_189 = tpu.sem_alloc : memref<!tpu.dma_semaphore, #tpu.memory_space<semaphore_mem>>
      %dma_start3A_190 = arith.constant 0 : i32
      %dma_start3A_191 = tpu.memref_slice %arg5[%arg0, %mul3A_2, %dma_start3A_190] : memref<2x10240x128xf32, #tpu.memory_space<hbm>> -> memref<1x640x128xf32, #tpu.memory_space<hbm>>
      %dma_start3A_192 = tpu.memref_squeeze %dma_start3A_191 : memref<1x640x128xf32, #tpu.memory_space<hbm>> -> memref<640x128xf32, #tpu.memory_space<hbm>>
      %dma_start3A_193 = arith.constant 0 : i32
      %dma_start3A_194 = tpu.memref_slice %arg9[%mul3A_2, %dma_start3A_193] : memref<10240x128xf32, #tpu.memory_space<vmem_shared>> -> memref<640x128xf32, #tpu.memory_space<vmem_shared>>
      tpu.enqueue_dma source(%dma_start3A_194 : memref<640x128xf32, #tpu.memory_space<vmem_shared>>) target(%dma_start3A_192 : memref<640x128xf32, #tpu.memory_space<hbm>>) target_semaphore(%run_scoped3A_189 : memref<!tpu.dma_semaphore, #tpu.memory_space<semaphore_mem>>)
      %dma_wait3A_195 = arith.constant 0 : i32
      %dma_wait3A_196 = tpu.memref_slice %arg5[%arg0, %mul3A_2, %dma_wait3A_195] : memref<2x10240x128xf32, #tpu.memory_space<hbm>> -> memref<1x640x128xf32, #tpu.memory_space<hbm>>
      %dma_wait3A_197 = tpu.memref_squeeze %dma_wait3A_196 : memref<1x640x128xf32, #tpu.memory_space<hbm>> -> memref<640x128xf32, #tpu.memory_space<hbm>>
      %dma_wait3A_198 = arith.constant 0 : i32
      %dma_wait3A_199 = tpu.memref_slice %arg9[%mul3A_2, %dma_wait3A_198] : memref<10240x128xf32, #tpu.memory_space<vmem_shared>> -> memref<640x128xf32, #tpu.memory_space<vmem_shared>>
      tpu.wait_dma2 semaphore(%run_scoped3A_189 : memref<!tpu.dma_semaphore, #tpu.memory_space<semaphore_mem>>) src(%dma_wait3A_199 : memref<640x128xf32, #tpu.memory_space<vmem_shared>>) dst(%dma_wait3A_197 : memref<640x128xf32, #tpu.memory_space<hbm>>)
      tpu.yield
    }) : () -> ()
    return
  }
}

#map = affine_map<(d0, d1) -> (0, 0, 0)>
module attributes {stable_mosaic.version = 14 : i64} {
  func.func @body(%arg0: i32, %arg1: i32, %arg2: memref<32x79x128xi32, #tpu.memory_space<hbm>>, %arg3: memref<2x10240x128xf32, #tpu.memory_space<hbm>>, %arg4: memref<79x128xi32, #tpu.memory_space<vmem>>, %arg5: memref<128x128xf32, #tpu.memory_space<vmem>>, %arg6: memref<10240x128xf32, #tpu.memory_space<vmem_shared>>) attributes {dimension_semantics = [#tpu.dimension_semantics<core_parallel>, #tpu.dimension_semantics<subcore_parallel>], iteration_bounds = array<i64: 2, 16>, scalar_prefetch = 0 : i64, scratch_operands = 3 : i64, tpu.core_type = #tpu.core_type<sc_vector_subcore>, window_params = [{transform_indices = #map}, {transform_indices = #map}]} {
    %mul3A = arith.constant 16 : i32
    %mul3A_0 = arith.muli %arg0, %mul3A : i32
    %add3A = arith.addi %mul3A_0, %arg1 : i32
    %mul3A_1 = arith.constant 640 : i32
    %mul3A_2 = arith.muli %arg1, %mul3A_1 : i32
    %scan3A = arith.constant 0 : i32
    %scan3A_3 = arith.constant 128 : i32
    %scan3A_4 = arith.addi %scan3A, %scan3A_3 : i32
    %scan3A_5 = arith.constant 1 : i32
    scf.for %scan3A_28 = %scan3A to %scan3A_4 step %scan3A_5  : i32 {
      %mul3A_29 = arith.constant 1 : i32
      %mul3A_30 = arith.muli %scan3A_28, %mul3A_29 : i32
      %add3A_31 = arith.constant 0 : i32
      %add3A_32 = arith.addi %add3A_31, %mul3A_30 : i32
      %broadcast_in_dim3A = arith.constant 0.000000e+00 : f32
      %broadcast_in_dim3A_33 = vector.broadcast %broadcast_in_dim3A : f32 to vector<16xf32>
      %swap3A = arith.index_cast %add3A_32 : i32 to index
      %swap3A_34 = arith.constant 0 : index
      %swap3A_35 = tpu.vector_load %arg5[%swap3A, %swap3A_34] {strides = array<i32>} : memref<128x128xf32, #tpu.memory_space<vmem>>, vector<1x16xf32>,
      %swap3A_36 = vector.shape_cast %swap3A_35 : vector<1x16xf32> to vector<16xf32>
      %swap3A_37 = vector.shape_cast %broadcast_in_dim3A_33 : vector<16xf32> to vector<1x16xf32>
      tpu.vector_store %arg5[%swap3A, %swap3A_34], %swap3A_37 {strides = array<i32>} : memref<128x128xf32, #tpu.memory_space<vmem>>, vector<1x16xf32>,
      %broadcast_in_dim3A_38 = arith.constant 0.000000e+00 : f32
      %broadcast_in_dim3A_39 = vector.broadcast %broadcast_in_dim3A_38 : f32 to vector<16xf32>
      %swap3A_40 = arith.index_cast %add3A_32 : i32 to index
      %swap3A_41 = arith.constant 16 : index
      %swap3A_42 = tpu.vector_load %arg5[%swap3A_40, %swap3A_41] {strides = array<i32>} : memref<128x128xf32, #tpu.memory_space<vmem>>, vector<1x16xf32>,
      %swap3A_43 = vector.shape_cast %swap3A_42 : vector<1x16xf32> to vector<16xf32>
      %swap3A_44 = vector.shape_cast %broadcast_in_dim3A_39 : vector<16xf32> to vector<1x16xf32>
      tpu.vector_store %arg5[%swap3A_40, %swap3A_41], %swap3A_44 {strides = array<i32>} : memref<128x128xf32, #tpu.memory_space<vmem>>, vector<1x16xf32>,
      %broadcast_in_dim3A_45 = arith.constant 0.000000e+00 : f32
      %broadcast_in_dim3A_46 = vector.broadcast %broadcast_in_dim3A_45 : f32 to vector<16xf32>
      %swap3A_47 = arith.index_cast %add3A_32 : i32 to index
      %swap3A_48 = arith.constant 32 : index
      %swap3A_49 = tpu.vector_load %arg5[%swap3A_47, %swap3A_48] {strides = array<i32>} : memref<128x128xf32, #tpu.memory_space<vmem>>, vector<1x16xf32>,
      %swap3A_50 = vector.shape_cast %swap3A_49 : vector<1x16xf32> to vector<16xf32>
      %swap3A_51 = vector.shape_cast %broadcast_in_dim3A_46 : vector<16xf32> to vector<1x16xf32>
      tpu.vector_store %arg5[%swap3A_47, %swap3A_48], %swap3A_51 {strides = array<i32>} : memref<128x128xf32, #tpu.memory_space<vmem>>, vector<1x16xf32>,
      %broadcast_in_dim3A_52 = arith.constant 0.000000e+00 : f32
      %broadcast_in_dim3A_53 = vector.broadcast %broadcast_in_dim3A_52 : f32 to vector<16xf32>
      %swap3A_54 = arith.index_cast %add3A_32 : i32 to index
      %swap3A_55 = arith.constant 48 : index
      %swap3A_56 = tpu.vector_load %arg5[%swap3A_54, %swap3A_55] {strides = array<i32>} : memref<128x128xf32, #tpu.memory_space<vmem>>, vector<1x16xf32>,
      %swap3A_57 = vector.shape_cast %swap3A_56 : vector<1x16xf32> to vector<16xf32>
      %swap3A_58 = vector.shape_cast %broadcast_in_dim3A_53 : vector<16xf32> to vector<1x16xf32>
      tpu.vector_store %arg5[%swap3A_54, %swap3A_55], %swap3A_58 {strides = array<i32>} : memref<128x128xf32, #tpu.memory_space<vmem>>, vector<1x16xf32>,
      %broadcast_in_dim3A_59 = arith.constant 0.000000e+00 : f32
      %broadcast_in_dim3A_60 = vector.broadcast %broadcast_in_dim3A_59 : f32 to vector<16xf32>
      %swap3A_61 = arith.index_cast %add3A_32 : i32 to index
      %swap3A_62 = arith.constant 64 : index
      %swap3A_63 = tpu.vector_load %arg5[%swap3A_61, %swap3A_62] {strides = array<i32>} : memref<128x128xf32, #tpu.memory_space<vmem>>, vector<1x16xf32>,
      %swap3A_64 = vector.shape_cast %swap3A_63 : vector<1x16xf32> to vector<16xf32>
      %swap3A_65 = vector.shape_cast %broadcast_in_dim3A_60 : vector<16xf32> to vector<1x16xf32>
      tpu.vector_store %arg5[%swap3A_61, %swap3A_62], %swap3A_65 {strides = array<i32>} : memref<128x128xf32, #tpu.memory_space<vmem>>, vector<1x16xf32>,
      %broadcast_in_dim3A_66 = arith.constant 0.000000e+00 : f32
      %broadcast_in_dim3A_67 = vector.broadcast %broadcast_in_dim3A_66 : f32 to vector<16xf32>
      %swap3A_68 = arith.index_cast %add3A_32 : i32 to index
      %swap3A_69 = arith.constant 80 : index
      %swap3A_70 = tpu.vector_load %arg5[%swap3A_68, %swap3A_69] {strides = array<i32>} : memref<128x128xf32, #tpu.memory_space<vmem>>, vector<1x16xf32>,
      %swap3A_71 = vector.shape_cast %swap3A_70 : vector<1x16xf32> to vector<16xf32>
      %swap3A_72 = vector.shape_cast %broadcast_in_dim3A_67 : vector<16xf32> to vector<1x16xf32>
      tpu.vector_store %arg5[%swap3A_68, %swap3A_69], %swap3A_72 {strides = array<i32>} : memref<128x128xf32, #tpu.memory_space<vmem>>, vector<1x16xf32>,
      %broadcast_in_dim3A_73 = arith.constant 0.000000e+00 : f32
      %broadcast_in_dim3A_74 = vector.broadcast %broadcast_in_dim3A_73 : f32 to vector<16xf32>
      %swap3A_75 = arith.index_cast %add3A_32 : i32 to index
      %swap3A_76 = arith.constant 96 : index
      %swap3A_77 = tpu.vector_load %arg5[%swap3A_75, %swap3A_76] {strides = array<i32>} : memref<128x128xf32, #tpu.memory_space<vmem>>, vector<1x16xf32>,
      %swap3A_78 = vector.shape_cast %swap3A_77 : vector<1x16xf32> to vector<16xf32>
      %swap3A_79 = vector.shape_cast %broadcast_in_dim3A_74 : vector<16xf32> to vector<1x16xf32>
      tpu.vector_store %arg5[%swap3A_75, %swap3A_76], %swap3A_79 {strides = array<i32>} : memref<128x128xf32, #tpu.memory_space<vmem>>, vector<1x16xf32>,
      %broadcast_in_dim3A_80 = arith.constant 0.000000e+00 : f32
      %broadcast_in_dim3A_81 = vector.broadcast %broadcast_in_dim3A_80 : f32 to vector<16xf32>
      %swap3A_82 = arith.index_cast %add3A_32 : i32 to index
      %swap3A_83 = arith.constant 112 : index
      %swap3A_84 = tpu.vector_load %arg5[%swap3A_82, %swap3A_83] {strides = array<i32>} : memref<128x128xf32, #tpu.memory_space<vmem>>, vector<1x16xf32>,
      %swap3A_85 = vector.shape_cast %swap3A_84 : vector<1x16xf32> to vector<16xf32>
      %swap3A_86 = vector.shape_cast %broadcast_in_dim3A_81 : vector<16xf32> to vector<1x16xf32>
      tpu.vector_store %arg5[%swap3A_82, %swap3A_83], %swap3A_86 {strides = array<i32>} : memref<128x128xf32, #tpu.memory_space<vmem>>, vector<1x16xf32>,
    }
    %scan3A_6 = arith.constant 128 : i32
    %add3A_7 = arith.constant 0 : i32
    %add3A_8 = arith.addi %mul3A_2, %add3A_7 : i32
    "tpu.region"() ({
      %run_scoped3A = tpu.sem_alloc : memref<!tpu.dma_semaphore, #tpu.memory_space<semaphore_mem>>
      %dma_start3A = arith.constant 0 : i32
      %dma_start3A_28 = tpu.memref_slice %arg6[%add3A_8, %dma_start3A] : memref<10240x128xf32, #tpu.memory_space<vmem_shared>> -> memref<128x128xf32, #tpu.memory_space<vmem_shared>>
      %dma_start3A_29 = arith.constant 0 : i32
      %dma_start3A_30 = tpu.memref_slice %arg6[%add3A_8, %dma_start3A_29] : memref<10240x128xf32, #tpu.memory_space<vmem_shared>> -> memref<128x128xf32, #tpu.memory_space<vmem_shared>>
      tpu.enqueue_dma source(%arg5 : memref<128x128xf32, #tpu.memory_space<vmem>>) target(%dma_start3A_30 : memref<128x128xf32, #tpu.memory_space<vmem_shared>>) target_semaphore(%run_scoped3A : memref<!tpu.dma_semaphore, #tpu.memory_space<semaphore_mem>>)
      %dma_wait3A = arith.constant 0 : i32
      %dma_wait3A_31 = tpu.memref_slice %arg6[%add3A_8, %dma_wait3A] : memref<10240x128xf32, #tpu.memory_space<vmem_shared>> -> memref<128x128xf32, #tpu.memory_space<vmem_shared>>
      %dma_wait3A_32 = arith.constant 0 : i32
      %dma_wait3A_33 = tpu.memref_slice %arg6[%add3A_8, %dma_wait3A_32] : memref<10240x128xf32, #tpu.memory_space<vmem_shared>> -> memref<128x128xf32, #tpu.memory_space<vmem_shared>>
      tpu.wait_dma2 semaphore(%run_scoped3A : memref<!tpu.dma_semaphore, #tpu.memory_space<semaphore_mem>>) src(%arg5 : memref<128x128xf32, #tpu.memory_space<vmem>>) dst(%dma_wait3A_33 : memref<128x128xf32, #tpu.memory_space<vmem_shared>>)
      tpu.yield
    }) : () -> ()
    %add3A_9 = arith.constant 128 : i32
    %add3A_10 = arith.addi %mul3A_2, %add3A_9 : i32
    "tpu.region"() ({
      %run_scoped3A = tpu.sem_alloc : memref<!tpu.dma_semaphore, #tpu.memory_space<semaphore_mem>>
      %dma_start3A = arith.constant 0 : i32
      %dma_start3A_28 = tpu.memref_slice %arg6[%add3A_10, %dma_start3A] : memref<10240x128xf32, #tpu.memory_space<vmem_shared>> -> memref<128x128xf32, #tpu.memory_space<vmem_shared>>
      %dma_start3A_29 = arith.constant 0 : i32
      %dma_start3A_30 = tpu.memref_slice %arg6[%add3A_10, %dma_start3A_29] : memref<10240x128xf32, #tpu.memory_space<vmem_shared>> -> memref<128x128xf32, #tpu.memory_space<vmem_shared>>
      tpu.enqueue_dma source(%arg5 : memref<128x128xf32, #tpu.memory_space<vmem>>) target(%dma_start3A_30 : memref<128x128xf32, #tpu.memory_space<vmem_shared>>) target_semaphore(%run_scoped3A : memref<!tpu.dma_semaphore, #tpu.memory_space<semaphore_mem>>)
      %dma_wait3A = arith.constant 0 : i32
      %dma_wait3A_31 = tpu.memref_slice %arg6[%add3A_10, %dma_wait3A] : memref<10240x128xf32, #tpu.memory_space<vmem_shared>> -> memref<128x128xf32, #tpu.memory_space<vmem_shared>>
      %dma_wait3A_32 = arith.constant 0 : i32
      %dma_wait3A_33 = tpu.memref_slice %arg6[%add3A_10, %dma_wait3A_32] : memref<10240x128xf32, #tpu.memory_space<vmem_shared>> -> memref<128x128xf32, #tpu.memory_space<vmem_shared>>
      tpu.wait_dma2 semaphore(%run_scoped3A : memref<!tpu.dma_semaphore, #tpu.memory_space<semaphore_mem>>) src(%arg5 : memref<128x128xf32, #tpu.memory_space<vmem>>) dst(%dma_wait3A_33 : memref<128x128xf32, #tpu.memory_space<vmem_shared>>)
      tpu.yield
    }) : () -> ()
    %add3A_11 = arith.constant 256 : i32
    %add3A_12 = arith.addi %mul3A_2, %add3A_11 : i32
    "tpu.region"() ({
      %run_scoped3A = tpu.sem_alloc : memref<!tpu.dma_semaphore, #tpu.memory_space<semaphore_mem>>
      %dma_start3A = arith.constant 0 : i32
      %dma_start3A_28 = tpu.memref_slice %arg6[%add3A_12, %dma_start3A] : memref<10240x128xf32, #tpu.memory_space<vmem_shared>> -> memref<128x128xf32, #tpu.memory_space<vmem_shared>>
      %dma_start3A_29 = arith.constant 0 : i32
      %dma_start3A_30 = tpu.memref_slice %arg6[%add3A_12, %dma_start3A_29] : memref<10240x128xf32, #tpu.memory_space<vmem_shared>> -> memref<128x128xf32, #tpu.memory_space<vmem_shared>>
      tpu.enqueue_dma source(%arg5 : memref<128x128xf32, #tpu.memory_space<vmem>>) target(%dma_start3A_30 : memref<128x128xf32, #tpu.memory_space<vmem_shared>>) target_semaphore(%run_scoped3A : memref<!tpu.dma_semaphore, #tpu.memory_space<semaphore_mem>>)
      %dma_wait3A = arith.constant 0 : i32
      %dma_wait3A_31 = tpu.memref_slice %arg6[%add3A_12, %dma_wait3A] : memref<10240x128xf32, #tpu.memory_space<vmem_shared>> -> memref<128x128xf32, #tpu.memory_space<vmem_shared>>
      %dma_wait3A_32 = arith.constant 0 : i32
      %dma_wait3A_33 = tpu.memref_slice %arg6[%add3A_12, %dma_wait3A_32] : memref<10240x128xf32, #tpu.memory_space<vmem_shared>> -> memref<128x128xf32, #tpu.memory_space<vmem_shared>>
      tpu.wait_dma2 semaphore(%run_scoped3A : memref<!tpu.dma_semaphore, #tpu.memory_space<semaphore_mem>>) src(%arg5 : memref<128x128xf32, #tpu.memory_space<vmem>>) dst(%dma_wait3A_33 : memref<128x128xf32, #tpu.memory_space<vmem_shared>>)
      tpu.yield
    }) : () -> ()
    %add3A_13 = arith.constant 384 : i32
    %add3A_14 = arith.addi %mul3A_2, %add3A_13 : i32
    "tpu.region"() ({
      %run_scoped3A = tpu.sem_alloc : memref<!tpu.dma_semaphore, #tpu.memory_space<semaphore_mem>>
      %dma_start3A = arith.constant 0 : i32
      %dma_start3A_28 = tpu.memref_slice %arg6[%add3A_14, %dma_start3A] : memref<10240x128xf32, #tpu.memory_space<vmem_shared>> -> memref<128x128xf32, #tpu.memory_space<vmem_shared>>
      %dma_start3A_29 = arith.constant 0 : i32
      %dma_start3A_30 = tpu.memref_slice %arg6[%add3A_14, %dma_start3A_29] : memref<10240x128xf32, #tpu.memory_space<vmem_shared>> -> memref<128x128xf32, #tpu.memory_space<vmem_shared>>
      tpu.enqueue_dma source(%arg5 : memref<128x128xf32, #tpu.memory_space<vmem>>) target(%dma_start3A_30 : memref<128x128xf32, #tpu.memory_space<vmem_shared>>) target_semaphore(%run_scoped3A : memref<!tpu.dma_semaphore, #tpu.memory_space<semaphore_mem>>)
      %dma_wait3A = arith.constant 0 : i32
      %dma_wait3A_31 = tpu.memref_slice %arg6[%add3A_14, %dma_wait3A] : memref<10240x128xf32, #tpu.memory_space<vmem_shared>> -> memref<128x128xf32, #tpu.memory_space<vmem_shared>>
      %dma_wait3A_32 = arith.constant 0 : i32
      %dma_wait3A_33 = tpu.memref_slice %arg6[%add3A_14, %dma_wait3A_32] : memref<10240x128xf32, #tpu.memory_space<vmem_shared>> -> memref<128x128xf32, #tpu.memory_space<vmem_shared>>
      tpu.wait_dma2 semaphore(%run_scoped3A : memref<!tpu.dma_semaphore, #tpu.memory_space<semaphore_mem>>) src(%arg5 : memref<128x128xf32, #tpu.memory_space<vmem>>) dst(%dma_wait3A_33 : memref<128x128xf32, #tpu.memory_space<vmem_shared>>)
      tpu.yield
    }) : () -> ()
    %add3A_15 = arith.constant 512 : i32
    %add3A_16 = arith.addi %mul3A_2, %add3A_15 : i32
    "tpu.region"() ({
      %run_scoped3A = tpu.sem_alloc : memref<!tpu.dma_semaphore, #tpu.memory_space<semaphore_mem>>
      %dma_start3A = arith.constant 0 : i32
      %dma_start3A_28 = tpu.memref_slice %arg6[%add3A_16, %dma_start3A] : memref<10240x128xf32, #tpu.memory_space<vmem_shared>> -> memref<128x128xf32, #tpu.memory_space<vmem_shared>>
      %dma_start3A_29 = arith.constant 0 : i32
      %dma_start3A_30 = tpu.memref_slice %arg6[%add3A_16, %dma_start3A_29] : memref<10240x128xf32, #tpu.memory_space<vmem_shared>> -> memref<128x128xf32, #tpu.memory_space<vmem_shared>>
      tpu.enqueue_dma source(%arg5 : memref<128x128xf32, #tpu.memory_space<vmem>>) target(%dma_start3A_30 : memref<128x128xf32, #tpu.memory_space<vmem_shared>>) target_semaphore(%run_scoped3A : memref<!tpu.dma_semaphore, #tpu.memory_space<semaphore_mem>>)
      %dma_wait3A = arith.constant 0 : i32
      %dma_wait3A_31 = tpu.memref_slice %arg6[%add3A_16, %dma_wait3A] : memref<10240x128xf32, #tpu.memory_space<vmem_shared>> -> memref<128x128xf32, #tpu.memory_space<vmem_shared>>
      %dma_wait3A_32 = arith.constant 0 : i32
      %dma_wait3A_33 = tpu.memref_slice %arg6[%add3A_16, %dma_wait3A_32] : memref<10240x128xf32, #tpu.memory_space<vmem_shared>> -> memref<128x128xf32, #tpu.memory_space<vmem_shared>>
      tpu.wait_dma2 semaphore(%run_scoped3A : memref<!tpu.dma_semaphore, #tpu.memory_space<semaphore_mem>>) src(%arg5 : memref<128x128xf32, #tpu.memory_space<vmem>>) dst(%dma_wait3A_33 : memref<128x128xf32, #tpu.memory_space<vmem_shared>>)
      tpu.yield
    }) : () -> ()
    %barrier3A = arith.constant 0 : index
    tpu.barrier barrier_id(%barrier3A)
    %scan3A_17 = arith.constant 0 : i32
    %scan3A_18 = arith.constant 128 : i32
    %scan3A_19 = arith.addi %scan3A_17, %scan3A_18 : i32
    %scan3A_20 = arith.constant 1 : i32
    scf.for %scan3A_28 = %scan3A_17 to %scan3A_19 step %scan3A_20  : i32 {
      %mul3A_29 = arith.constant 1 : i32
      %mul3A_30 = arith.muli %scan3A_28, %mul3A_29 : i32
      %add3A_31 = arith.constant 0 : i32
      %add3A_32 = arith.addi %add3A_31, %mul3A_30 : i32
      %broadcast_in_dim3A = arith.constant 1.000000e+00 : f32
      %broadcast_in_dim3A_33 = vector.broadcast %broadcast_in_dim3A : f32 to vector<16xf32>
      %swap3A = arith.index_cast %add3A_32 : i32 to index
      %swap3A_34 = arith.constant 0 : index
      %swap3A_35 = tpu.vector_load %arg5[%swap3A, %swap3A_34] {strides = array<i32>} : memref<128x128xf32, #tpu.memory_space<vmem>>, vector<1x16xf32>,
      %swap3A_36 = vector.shape_cast %swap3A_35 : vector<1x16xf32> to vector<16xf32>
      %swap3A_37 = vector.shape_cast %broadcast_in_dim3A_33 : vector<16xf32> to vector<1x16xf32>
      tpu.vector_store %arg5[%swap3A, %swap3A_34], %swap3A_37 {strides = array<i32>} : memref<128x128xf32, #tpu.memory_space<vmem>>, vector<1x16xf32>,
      %broadcast_in_dim3A_38 = arith.constant 1.000000e+00 : f32
      %broadcast_in_dim3A_39 = vector.broadcast %broadcast_in_dim3A_38 : f32 to vector<16xf32>
      %swap3A_40 = arith.index_cast %add3A_32 : i32 to index
      %swap3A_41 = arith.constant 16 : index
      %swap3A_42 = tpu.vector_load %arg5[%swap3A_40, %swap3A_41] {strides = array<i32>} : memref<128x128xf32, #tpu.memory_space<vmem>>, vector<1x16xf32>,
      %swap3A_43 = vector.shape_cast %swap3A_42 : vector<1x16xf32> to vector<16xf32>
      %swap3A_44 = vector.shape_cast %broadcast_in_dim3A_39 : vector<16xf32> to vector<1x16xf32>
      tpu.vector_store %arg5[%swap3A_40, %swap3A_41], %swap3A_44 {strides = array<i32>} : memref<128x128xf32, #tpu.memory_space<vmem>>, vector<1x16xf32>,
      %broadcast_in_dim3A_45 = arith.constant 1.000000e+00 : f32
      %broadcast_in_dim3A_46 = vector.broadcast %broadcast_in_dim3A_45 : f32 to vector<16xf32>
      %swap3A_47 = arith.index_cast %add3A_32 : i32 to index
      %swap3A_48 = arith.constant 32 : index
      %swap3A_49 = tpu.vector_load %arg5[%swap3A_47, %swap3A_48] {strides = array<i32>} : memref<128x128xf32, #tpu.memory_space<vmem>>, vector<1x16xf32>,
      %swap3A_50 = vector.shape_cast %swap3A_49 : vector<1x16xf32> to vector<16xf32>
      %swap3A_51 = vector.shape_cast %broadcast_in_dim3A_46 : vector<16xf32> to vector<1x16xf32>
      tpu.vector_store %arg5[%swap3A_47, %swap3A_48], %swap3A_51 {strides = array<i32>} : memref<128x128xf32, #tpu.memory_space<vmem>>, vector<1x16xf32>,
      %broadcast_in_dim3A_52 = arith.constant 1.000000e+00 : f32
      %broadcast_in_dim3A_53 = vector.broadcast %broadcast_in_dim3A_52 : f32 to vector<16xf32>
      %swap3A_54 = arith.index_cast %add3A_32 : i32 to index
      %swap3A_55 = arith.constant 48 : index
      %swap3A_56 = tpu.vector_load %arg5[%swap3A_54, %swap3A_55] {strides = array<i32>} : memref<128x128xf32, #tpu.memory_space<vmem>>, vector<1x16xf32>,
      %swap3A_57 = vector.shape_cast %swap3A_56 : vector<1x16xf32> to vector<16xf32>
      %swap3A_58 = vector.shape_cast %broadcast_in_dim3A_53 : vector<16xf32> to vector<1x16xf32>
      tpu.vector_store %arg5[%swap3A_54, %swap3A_55], %swap3A_58 {strides = array<i32>} : memref<128x128xf32, #tpu.memory_space<vmem>>, vector<1x16xf32>,
      %broadcast_in_dim3A_59 = arith.constant 1.000000e+00 : f32
      %broadcast_in_dim3A_60 = vector.broadcast %broadcast_in_dim3A_59 : f32 to vector<16xf32>
      %swap3A_61 = arith.index_cast %add3A_32 : i32 to index
      %swap3A_62 = arith.constant 64 : index
      %swap3A_63 = tpu.vector_load %arg5[%swap3A_61, %swap3A_62] {strides = array<i32>} : memref<128x128xf32, #tpu.memory_space<vmem>>, vector<1x16xf32>,
      %swap3A_64 = vector.shape_cast %swap3A_63 : vector<1x16xf32> to vector<16xf32>
      %swap3A_65 = vector.shape_cast %broadcast_in_dim3A_60 : vector<16xf32> to vector<1x16xf32>
      tpu.vector_store %arg5[%swap3A_61, %swap3A_62], %swap3A_65 {strides = array<i32>} : memref<128x128xf32, #tpu.memory_space<vmem>>, vector<1x16xf32>,
      %broadcast_in_dim3A_66 = arith.constant 1.000000e+00 : f32
      %broadcast_in_dim3A_67 = vector.broadcast %broadcast_in_dim3A_66 : f32 to vector<16xf32>
      %swap3A_68 = arith.index_cast %add3A_32 : i32 to index
      %swap3A_69 = arith.constant 80 : index
      %swap3A_70 = tpu.vector_load %arg5[%swap3A_68, %swap3A_69] {strides = array<i32>} : memref<128x128xf32, #tpu.memory_space<vmem>>, vector<1x16xf32>,
      %swap3A_71 = vector.shape_cast %swap3A_70 : vector<1x16xf32> to vector<16xf32>
      %swap3A_72 = vector.shape_cast %broadcast_in_dim3A_67 : vector<16xf32> to vector<1x16xf32>
      tpu.vector_store %arg5[%swap3A_68, %swap3A_69], %swap3A_72 {strides = array<i32>} : memref<128x128xf32, #tpu.memory_space<vmem>>, vector<1x16xf32>,
      %broadcast_in_dim3A_73 = arith.constant 1.000000e+00 : f32
      %broadcast_in_dim3A_74 = vector.broadcast %broadcast_in_dim3A_73 : f32 to vector<16xf32>
      %swap3A_75 = arith.index_cast %add3A_32 : i32 to index
      %swap3A_76 = arith.constant 96 : index
      %swap3A_77 = tpu.vector_load %arg5[%swap3A_75, %swap3A_76] {strides = array<i32>} : memref<128x128xf32, #tpu.memory_space<vmem>>, vector<1x16xf32>,
      %swap3A_78 = vector.shape_cast %swap3A_77 : vector<1x16xf32> to vector<16xf32>
      %swap3A_79 = vector.shape_cast %broadcast_in_dim3A_74 : vector<16xf32> to vector<1x16xf32>
      tpu.vector_store %arg5[%swap3A_75, %swap3A_76], %swap3A_79 {strides = array<i32>} : memref<128x128xf32, #tpu.memory_space<vmem>>, vector<1x16xf32>,
      %broadcast_in_dim3A_80 = arith.constant 1.000000e+00 : f32
      %broadcast_in_dim3A_81 = vector.broadcast %broadcast_in_dim3A_80 : f32 to vector<16xf32>
      %swap3A_82 = arith.index_cast %add3A_32 : i32 to index
      %swap3A_83 = arith.constant 112 : index
      %swap3A_84 = tpu.vector_load %arg5[%swap3A_82, %swap3A_83] {strides = array<i32>} : memref<128x128xf32, #tpu.memory_space<vmem>>, vector<1x16xf32>,
      %swap3A_85 = vector.shape_cast %swap3A_84 : vector<1x16xf32> to vector<16xf32>
      %swap3A_86 = vector.shape_cast %broadcast_in_dim3A_81 : vector<16xf32> to vector<1x16xf32>
      tpu.vector_store %arg5[%swap3A_82, %swap3A_83], %swap3A_86 {strides = array<i32>} : memref<128x128xf32, #tpu.memory_space<vmem>>, vector<1x16xf32>,
    }
    %scan3A_21 = arith.constant 128 : i32
    "tpu.region"() ({
      %run_scoped3A = tpu.sem_alloc : memref<!tpu.dma_semaphore, #tpu.memory_space<semaphore_mem>>
      %dma_start3A = arith.constant 0 : i32
      %dma_start3A_28 = arith.constant 0 : i32
      %dma_start3A_29 = tpu.memref_slice %arg2[%add3A, %dma_start3A, %dma_start3A_28] : memref<32x79x128xi32, #tpu.memory_space<hbm>> -> memref<1x79x128xi32, #tpu.memory_space<hbm>>
      %dma_start3A_30 = tpu.memref_squeeze %dma_start3A_29 : memref<1x79x128xi32, #tpu.memory_space<hbm>> -> memref<79x128xi32, #tpu.memory_space<hbm>>
      %dma_start3A_31 = arith.constant 0 : i32
      %dma_start3A_32 = arith.constant 0 : i32
      %dma_start3A_33 = tpu.memref_slice %arg2[%add3A, %dma_start3A_31, %dma_start3A_32] : memref<32x79x128xi32, #tpu.memory_space<hbm>> -> memref<1x79x128xi32, #tpu.memory_space<hbm>>
      %dma_start3A_34 = tpu.memref_squeeze %dma_start3A_33 : memref<1x79x128xi32, #tpu.memory_space<hbm>> -> memref<79x128xi32, #tpu.memory_space<hbm>>
      tpu.enqueue_dma source(%dma_start3A_34 : memref<79x128xi32, #tpu.memory_space<hbm>>) target(%arg4 : memref<79x128xi32, #tpu.memory_space<vmem>>) target_semaphore(%run_scoped3A : memref<!tpu.dma_semaphore, #tpu.memory_space<semaphore_mem>>)
      %dma_wait3A = arith.constant 0 : i32
      %dma_wait3A_35 = arith.constant 0 : i32
      %dma_wait3A_36 = tpu.memref_slice %arg2[%add3A, %dma_wait3A, %dma_wait3A_35] : memref<32x79x128xi32, #tpu.memory_space<hbm>> -> memref<1x79x128xi32, #tpu.memory_space<hbm>>
      %dma_wait3A_37 = tpu.memref_squeeze %dma_wait3A_36 : memref<1x79x128xi32, #tpu.memory_space<hbm>> -> memref<79x128xi32, #tpu.memory_space<hbm>>
      %dma_wait3A_38 = arith.constant 0 : i32
      %dma_wait3A_39 = arith.constant 0 : i32
      %dma_wait3A_40 = tpu.memref_slice %arg2[%add3A, %dma_wait3A_38, %dma_wait3A_39] : memref<32x79x128xi32, #tpu.memory_space<hbm>> -> memref<1x79x128xi32, #tpu.memory_space<hbm>>
      %dma_wait3A_41 = tpu.memref_squeeze %dma_wait3A_40 : memref<1x79x128xi32, #tpu.memory_space<hbm>> -> memref<79x128xi32, #tpu.memory_space<hbm>>
      tpu.wait_dma2 semaphore(%run_scoped3A : memref<!tpu.dma_semaphore, #tpu.memory_space<semaphore_mem>>) src(%dma_wait3A_41 : memref<79x128xi32, #tpu.memory_space<hbm>>) dst(%arg4 : memref<79x128xi32, #tpu.memory_space<vmem>>)
      tpu.yield
    }) : () -> ()
    %scan3A_22 = arith.constant 0 : i32
    %scan3A_23 = arith.constant 79 : i32
    %scan3A_24 = arith.addi %scan3A_22, %scan3A_23 : i32
    %scan3A_25 = arith.constant 1 : i32
    scf.for %scan3A_28 = %scan3A_22 to %scan3A_24 step %scan3A_25  : i32 {
      %mul3A_29 = arith.constant 1 : i32
      %mul3A_30 = arith.muli %scan3A_28, %mul3A_29 : i32
      %add3A_31 = arith.constant 0 : i32
      %add3A_32 = arith.addi %add3A_31, %mul3A_30 : i32
      "tpu.region"() ({
        %run_scoped3A = tpu.sem_alloc : memref<!tpu.dma_semaphore, #tpu.memory_space<semaphore_mem>>
        %dma_start3A = arith.constant 0 : i32
        %dma_start3A_33 = tpu.memref_slice %arg4[%add3A_32, %dma_start3A] : memref<79x128xi32, #tpu.memory_space<vmem>> -> memref<1x128xi32, #tpu.memory_space<vmem>>
        %dma_start3A_34 = tpu.memref_squeeze %dma_start3A_33 : memref<1x128xi32, #tpu.memory_space<vmem>> -> memref<128xi32, #tpu.memory_space<vmem>>
        %dma_start3A_35 = arith.constant 0 : i32
        %dma_start3A_36 = arith.constant 0 : i32
        %dma_start3A_37 = tpu.memref_slice %arg6[%dma_start3A_35, %dma_start3A_36] : memref<10240x128xf32, #tpu.memory_space<vmem_shared>> -> memref<10240x128xf32, #tpu.memory_space<vmem_shared>>
        tpu.enqueue_indirect_dma source(%arg5 : memref<128x128xf32, #tpu.memory_space<vmem>>) target(%dma_start3A_37 : memref<10240x128xf32, #tpu.memory_space<vmem_shared>>) offsets(%dma_start3A_34 : memref<128xi32, #tpu.memory_space<vmem>>) semaphore(%run_scoped3A : memref<!tpu.dma_semaphore, #tpu.memory_space<semaphore_mem>>) {add = true}
        %dma_wait3A = arith.constant 0 : i32
        %dma_wait3A_38 = tpu.memref_slice %arg4[%add3A_32, %dma_wait3A] : memref<79x128xi32, #tpu.memory_space<vmem>> -> memref<1x128xi32, #tpu.memory_space<vmem>>
        %dma_wait3A_39 = tpu.memref_squeeze %dma_wait3A_38 : memref<1x128xi32, #tpu.memory_space<vmem>> -> memref<128xi32, #tpu.memory_space<vmem>>
        %dma_wait3A_40 = arith.constant 0 : i32
        %dma_wait3A_41 = arith.constant 0 : i32
        %dma_wait3A_42 = tpu.memref_slice %arg6[%dma_wait3A_40, %dma_wait3A_41] : memref<10240x128xf32, #tpu.memory_space<vmem_shared>> -> memref<10240x128xf32, #tpu.memory_space<vmem_shared>>
        tpu.wait_indirect_dma semaphore(%run_scoped3A : memref<!tpu.dma_semaphore, #tpu.memory_space<semaphore_mem>>) src(%arg5 : memref<128x128xf32, #tpu.memory_space<vmem>>) dst(%dma_wait3A_42 : memref<10240x128xf32, #tpu.memory_space<vmem_shared>>)
        tpu.yield
      }) : () -> ()
    }
    %scan3A_26 = arith.constant 79 : i32
    %barrier3A_27 = arith.constant 0 : index
    tpu.barrier barrier_id(%barrier3A_27)
    "tpu.region"() ({
      %run_scoped3A = tpu.sem_alloc : memref<!tpu.dma_semaphore, #tpu.memory_space<semaphore_mem>>
      %dma_start3A = arith.constant 0 : i32
      %dma_start3A_28 = tpu.memref_slice %arg3[%arg0, %mul3A_2, %dma_start3A] : memref<2x10240x128xf32, #tpu.memory_space<hbm>> -> memref<1x640x128xf32, #tpu.memory_space<hbm>>
      %dma_start3A_29 = tpu.memref_squeeze %dma_start3A_28 : memref<1x640x128xf32, #tpu.memory_space<hbm>> -> memref<640x128xf32, #tpu.memory_space<hbm>>
      %dma_start3A_30 = arith.constant 0 : i32
      %dma_start3A_31 = tpu.memref_slice %arg6[%mul3A_2, %dma_start3A_30] : memref<10240x128xf32, #tpu.memory_space<vmem_shared>> -> memref<640x128xf32, #tpu.memory_space<vmem_shared>>
      tpu.enqueue_dma source(%dma_start3A_31 : memref<640x128xf32, #tpu.memory_space<vmem_shared>>) target(%dma_start3A_29 : memref<640x128xf32, #tpu.memory_space<hbm>>) target_semaphore(%run_scoped3A : memref<!tpu.dma_semaphore, #tpu.memory_space<semaphore_mem>>)
      %dma_wait3A = arith.constant 0 : i32
      %dma_wait3A_32 = tpu.memref_slice %arg3[%arg0, %mul3A_2, %dma_wait3A] : memref<2x10240x128xf32, #tpu.memory_space<hbm>> -> memref<1x640x128xf32, #tpu.memory_space<hbm>>
      %dma_wait3A_33 = tpu.memref_squeeze %dma_wait3A_32 : memref<1x640x128xf32, #tpu.memory_space<hbm>> -> memref<640x128xf32, #tpu.memory_space<hbm>>
      %dma_wait3A_34 = arith.constant 0 : i32
      %dma_wait3A_35 = tpu.memref_slice %arg6[%mul3A_2, %dma_wait3A_34] : memref<10240x128xf32, #tpu.memory_space<vmem_shared>> -> memref<640x128xf32, #tpu.memory_space<vmem_shared>>
      tpu.wait_dma2 semaphore(%run_scoped3A : memref<!tpu.dma_semaphore, #tpu.memory_space<semaphore_mem>>) src(%dma_wait3A_35 : memref<640x128xf32, #tpu.memory_space<vmem_shared>>) dst(%dma_wait3A_33 : memref<640x128xf32, #tpu.memory_space<hbm>>)
      tpu.yield
    }) : () -> ()
    return
  }
}

module attributes {stable_mosaic.version = 14 : i64} {
  func.func @_tc_layer_body(%arg0: i32, %arg1: memref<1024x128xf32, #tpu.memory_space<vmem>>, %arg2: memref<1024x128xf32, #tpu.memory_space<vmem>>, %arg3: memref<1024x8xf32, #tpu.memory_space<vmem>>, %arg4: memref<1024x8xf32, #tpu.memory_space<vmem>>, %arg5: memref<1024x128xf32, #tpu.memory_space<vmem>>, %arg6: memref<128x128xf32, #tpu.memory_space<vmem>>, %arg7: memref<1x128xf32, #tpu.memory_space<vmem>>, %arg8: memref<128x128xf32, #tpu.memory_space<vmem>>, %arg9: memref<1x128xf32, #tpu.memory_space<vmem>>, %arg10: memref<1x128xf32, #tpu.memory_space<vmem>>, %arg11: memref<1024x128xf32, #tpu.memory_space<vmem>>) attributes {dimension_semantics = [#tpu.dimension_semantics<arbitrary>], iteration_bounds = array<i64: 10>, scalar_prefetch = 0 : i64, scratch_operands = 0 : i64, tpu.core_type = #tpu.core_type<tc>, window_params = [{transform_indices = @transform_0, window_bounds = array<i64: 1024, 128>}, {transform_indices = @transform_1, window_bounds = array<i64: 1024, 128>}, {transform_indices = @transform_2, window_bounds = array<i64: 1024, 8>}, {transform_indices = @transform_3, window_bounds = array<i64: 1024, 8>}, {transform_indices = @transform_4, window_bounds = array<i64: 1024, 128>}, {pipeline_mode = #tpu.pipeline_mode<synchronous>, transform_indices = @transform_5, window_bounds = array<i64: 128, 128>}, {pipeline_mode = #tpu.pipeline_mode<synchronous>, transform_indices = @transform_6, window_bounds = array<i64: 1, 128>}, {pipeline_mode = #tpu.pipeline_mode<synchronous>, transform_indices = @transform_7, window_bounds = array<i64: 128, 128>}, {pipeline_mode = #tpu.pipeline_mode<synchronous>, transform_indices = @transform_8, window_bounds = array<i64: 1, 128>}, {pipeline_mode = #tpu.pipeline_mode<synchronous>, transform_indices = @transform_9, window_bounds = array<i64: 1, 128>}, {transform_indices = @transform_10, window_bounds = array<i64: 1024, 128>}]} {
    %get3A = arith.constant 0 : index
    %get3A_0 = arith.constant 0 : index
    %get3A_1 = vector.load %arg3[%get3A, %get3A_0] : memref<1024x8xf32, #tpu.memory_space<vmem>>, vector<1024x8xf32>
    %slice3A = vector.extract_strided_slice %get3A_1 {offsets = [0, 0], sizes = [1024, 1], strides = [1, 1]} : vector<1024x8xf32> to vector<1024x1xf32>
    %get3A_2 = arith.constant 0 : index
    %get3A_3 = arith.constant 0 : index
    %get3A_4 = vector.load %arg4[%get3A_2, %get3A_3] : memref<1024x8xf32, #tpu.memory_space<vmem>>, vector<1024x8xf32>
    %slice3A_5 = vector.extract_strided_slice %get3A_4 {offsets = [0, 0], sizes = [1024, 1], strides = [1, 1]} : vector<1024x8xf32> to vector<1024x1xf32>
    %add3A = arith.addf %slice3A, %slice3A_5 : vector<1024x1xf32>
    %max3A = arith.constant 1.000000e+00 : f32
    %max3A_6 = vector.broadcast %max3A : f32 to vector<1024x1xf32>
    %max3A_7 = arith.maximumf %add3A, %max3A_6 : vector<1024x1xf32>
    %div3A = arith.constant 1.000000e+00 : f32
    %div3A_8 = vector.broadcast %div3A : f32 to vector<1024x1xf32>
    %div3A_9 = arith.divf %div3A_8, %max3A_7 : vector<1024x1xf32>
    %get3A_10 = arith.constant 0 : index
    %get3A_11 = arith.constant 0 : index
    %get3A_12 = vector.load %arg1[%get3A_10, %get3A_11] : memref<1024x128xf32, #tpu.memory_space<vmem>>, vector<1024x128xf32>
    %get3A_13 = arith.constant 0 : index
    %get3A_14 = arith.constant 0 : index
    %get3A_15 = vector.load %arg2[%get3A_13, %get3A_14] : memref<1024x128xf32, #tpu.memory_space<vmem>>, vector<1024x128xf32>
    %add3A_16 = arith.addf %get3A_12, %get3A_15 : vector<1024x128xf32>
    %mul3A = vector.broadcast %div3A_9 : vector<1024x1xf32> to vector<1024x128xf32>
    %mul3A_17 = arith.mulf %add3A_16, %mul3A : vector<1024x128xf32>
    %get3A_18 = arith.constant 0 : index
    %get3A_19 = arith.constant 0 : index
    %get3A_20 = vector.load %arg6[%get3A_18, %get3A_19] : memref<128x128xf32, #tpu.memory_space<vmem>>, vector<128x128xf32>
    %dot_general3A = arith.constant dense<0.000000e+00> : vector<1024x128xf32>
    %dot_general3A_21 = tpu.matmul %mul3A_17, %get3A_20, %dot_general3A {dimension_numbers = #tpu.dot_dimension_numbers<[1], [0], [0], [1], [0, 0, 1, 1], [], []>, transpose_lhs_hint = false} : vector<1024x128xf32>, vector<128x128xf32>, vector<1024x128xf32> -> vector<1024x128xf32>
    %get3A_22 = arith.constant 0 : index
    %get3A_23 = arith.constant 0 : index
    %get3A_24 = vector.load %arg7[%get3A_22, %get3A_23] : memref<1x128xf32, #tpu.memory_space<vmem>>, vector<1x128xf32>
    %add3A_25 = vector.broadcast %get3A_24 : vector<1x128xf32> to vector<1024x128xf32>
    %add3A_26 = arith.addf %dot_general3A_21, %add3A_25 : vector<1024x128xf32>
    %get3A_27 = arith.constant 0 : index
    %get3A_28 = arith.constant 0 : index
    %get3A_29 = vector.load %arg5[%get3A_27, %get3A_28] : memref<1024x128xf32, #tpu.memory_space<vmem>>, vector<1024x128xf32>
    %get3A_30 = arith.constant 0 : index
    %get3A_31 = arith.constant 0 : index
    %get3A_32 = vector.load %arg8[%get3A_30, %get3A_31] : memref<128x128xf32, #tpu.memory_space<vmem>>, vector<128x128xf32>
    %dot_general3A_33 = arith.constant dense<0.000000e+00> : vector<1024x128xf32>
    %dot_general3A_34 = tpu.matmul %get3A_29, %get3A_32, %dot_general3A_33 {dimension_numbers = #tpu.dot_dimension_numbers<[1], [0], [0], [1], [0, 0, 1, 1], [], []>, transpose_lhs_hint = false} : vector<1024x128xf32>, vector<128x128xf32>, vector<1024x128xf32> -> vector<1024x128xf32>
    %add3A_35 = arith.addf %add3A_26, %dot_general3A_34 : vector<1024x128xf32>
    %get3A_36 = arith.constant 0 : index
    %get3A_37 = arith.constant 0 : index
    %get3A_38 = vector.load %arg9[%get3A_36, %get3A_37] : memref<1x128xf32, #tpu.memory_space<vmem>>, vector<1x128xf32>
    %rsqrt3A = arith.constant 1.000010e+00 : f32
    %rsqrt3A_39 = math.rsqrt %rsqrt3A : f32
    %mul3A_40 = vector.broadcast %rsqrt3A_39 : f32 to vector<1x128xf32>
    %mul3A_41 = arith.mulf %get3A_38, %mul3A_40 : vector<1x128xf32>
    %mul3A_42 = vector.broadcast %mul3A_41 : vector<1x128xf32> to vector<1024x128xf32>
    %mul3A_43 = arith.mulf %add3A_35, %mul3A_42 : vector<1024x128xf32>
    %get3A_44 = arith.constant 0 : index
    %get3A_45 = arith.constant 0 : index
    %get3A_46 = vector.load %arg10[%get3A_44, %get3A_45] : memref<1x128xf32, #tpu.memory_space<vmem>>, vector<1x128xf32>
    %add3A_47 = vector.broadcast %get3A_46 : vector<1x128xf32> to vector<1024x128xf32>
    %add3A_48 = arith.addf %mul3A_43, %add3A_47 : vector<1024x128xf32>
    %max3A_49 = arith.constant 0.000000e+00 : f32
    %max3A_50 = vector.broadcast %max3A_49 : f32 to vector<1024x128xf32>
    %max3A_51 = arith.maximumf %add3A_48, %max3A_50 : vector<1024x128xf32>
    %get3A_52 = arith.constant 0 : index
    %get3A_53 = arith.constant 0 : index
    %get3A_54 = vector.load %arg5[%get3A_52, %get3A_53] : memref<1024x128xf32, #tpu.memory_space<vmem>>, vector<1024x128xf32>
    %add3A_55 = arith.addf %max3A_51, %get3A_54 : vector<1024x128xf32>
    %swap3A = arith.constant 0 : index
    %swap3A_56 = arith.constant 0 : index
    %swap3A_57 = vector.load %arg11[%swap3A, %swap3A_56] : memref<1024x128xf32, #tpu.memory_space<vmem>>, vector<1024x128xf32>
    tpu.vector_store %arg11[%swap3A, %swap3A_56], %add3A_55 {strides = array<i32>} : memref<1024x128xf32, #tpu.memory_space<vmem>>, vector<1024x128xf32>,
    return
  }
  func.func @transform_0(%arg0: i32) -> (i32, i32) {
    %c0_i32 = arith.constant 0 : i32
    %c0_i32_0 = arith.constant 0 : i32
    return %arg0, %c0_i32 : i32, i32
  }
  func.func @transform_1(%arg0: i32) -> (i32, i32) {
    %c0_i32 = arith.constant 0 : i32
    %c0_i32_0 = arith.constant 0 : i32
    return %arg0, %c0_i32 : i32, i32
  }
  func.func @transform_2(%arg0: i32) -> (i32, i32) {
    %c0_i32 = arith.constant 0 : i32
    %c0_i32_0 = arith.constant 0 : i32
    return %arg0, %c0_i32 : i32, i32
  }
  func.func @transform_3(%arg0: i32) -> (i32, i32) {
    %c0_i32 = arith.constant 0 : i32
    %c0_i32_0 = arith.constant 0 : i32
    return %arg0, %c0_i32 : i32, i32
  }
  func.func @transform_4(%arg0: i32) -> (i32, i32) {
    %c0_i32 = arith.constant 0 : i32
    %c0_i32_0 = arith.constant 0 : i32
    return %arg0, %c0_i32 : i32, i32
  }
  func.func @transform_5(%arg0: i32) -> (i32, i32) {
    %c0_i32 = arith.constant 0 : i32
    %c0_i32_0 = arith.constant 0 : i32
    %c0_i32_1 = arith.constant 0 : i32
    return %c0_i32, %c0_i32_0 : i32, i32
  }
  func.func @transform_6(%arg0: i32) -> (i32, i32) {
    %c0_i32 = arith.constant 0 : i32
    %c0_i32_0 = arith.constant 0 : i32
    %c0_i32_1 = arith.constant 0 : i32
    return %c0_i32, %c0_i32_0 : i32, i32
  }
  func.func @transform_7(%arg0: i32) -> (i32, i32) {
    %c0_i32 = arith.constant 0 : i32
    %c0_i32_0 = arith.constant 0 : i32
    %c0_i32_1 = arith.constant 0 : i32
    return %c0_i32, %c0_i32_0 : i32, i32
  }
  func.func @transform_8(%arg0: i32) -> (i32, i32) {
    %c0_i32 = arith.constant 0 : i32
    %c0_i32_0 = arith.constant 0 : i32
    %c0_i32_1 = arith.constant 0 : i32
    return %c0_i32, %c0_i32_0 : i32, i32
  }
  func.func @transform_9(%arg0: i32) -> (i32, i32) {
    %c0_i32 = arith.constant 0 : i32
    %c0_i32_0 = arith.constant 0 : i32
    %c0_i32_1 = arith.constant 0 : i32
    return %c0_i32, %c0_i32_0 : i32, i32
  }
  func.func @transform_10(%arg0: i32) -> (i32, i32) {
    %c0_i32 = arith.constant 0 : i32
    %c0_i32_0 = arith.constant 0 : i32
    return %arg0, %c0_i32 : i32, i32
  }
}

module attributes {stable_mosaic.version = 14 : i64} {
  func.func @_tc_final_body(%arg0: i32, %arg1: memref<1024x128xf32, #tpu.memory_space<vmem>>, %arg2: memref<1024x128xf32, #tpu.memory_space<vmem>>, %arg3: memref<1024x8xf32, #tpu.memory_space<vmem>>, %arg4: memref<1024x8xf32, #tpu.memory_space<vmem>>, %arg5: memref<1024x128xf32, #tpu.memory_space<vmem>>, %arg6: memref<128x128xf32, #tpu.memory_space<vmem>>, %arg7: memref<1x128xf32, #tpu.memory_space<vmem>>, %arg8: memref<128x128xf32, #tpu.memory_space<vmem>>, %arg9: memref<1024x128xf32, #tpu.memory_space<vmem>>) attributes {dimension_semantics = [#tpu.dimension_semantics<arbitrary>], iteration_bounds = array<i64: 10>, scalar_prefetch = 0 : i64, scratch_operands = 0 : i64, tpu.core_type = #tpu.core_type<tc>, window_params = [{transform_indices = @transform_0, window_bounds = array<i64: 1024, 128>}, {transform_indices = @transform_1, window_bounds = array<i64: 1024, 128>}, {transform_indices = @transform_2, window_bounds = array<i64: 1024, 8>}, {transform_indices = @transform_3, window_bounds = array<i64: 1024, 8>}, {transform_indices = @transform_4, window_bounds = array<i64: 1024, 128>}, {pipeline_mode = #tpu.pipeline_mode<synchronous>, transform_indices = @transform_5, window_bounds = array<i64: 128, 128>}, {pipeline_mode = #tpu.pipeline_mode<synchronous>, transform_indices = @transform_6, window_bounds = array<i64: 1, 128>}, {pipeline_mode = #tpu.pipeline_mode<synchronous>, transform_indices = @transform_7, window_bounds = array<i64: 128, 128>}, {transform_indices = @transform_8, window_bounds = array<i64: 1024, 128>}]} {
    %get3A = arith.constant 0 : index
    %get3A_0 = arith.constant 0 : index
    %get3A_1 = vector.load %arg3[%get3A, %get3A_0] : memref<1024x8xf32, #tpu.memory_space<vmem>>, vector<1024x8xf32>
    %slice3A = vector.extract_strided_slice %get3A_1 {offsets = [0, 0], sizes = [1024, 1], strides = [1, 1]} : vector<1024x8xf32> to vector<1024x1xf32>
    %get3A_2 = arith.constant 0 : index
    %get3A_3 = arith.constant 0 : index
    %get3A_4 = vector.load %arg4[%get3A_2, %get3A_3] : memref<1024x8xf32, #tpu.memory_space<vmem>>, vector<1024x8xf32>
    %slice3A_5 = vector.extract_strided_slice %get3A_4 {offsets = [0, 0], sizes = [1024, 1], strides = [1, 1]} : vector<1024x8xf32> to vector<1024x1xf32>
    %add3A = arith.addf %slice3A, %slice3A_5 : vector<1024x1xf32>
    %max3A = arith.constant 1.000000e+00 : f32
    %max3A_6 = vector.broadcast %max3A : f32 to vector<1024x1xf32>
    %max3A_7 = arith.maximumf %add3A, %max3A_6 : vector<1024x1xf32>
    %div3A = arith.constant 1.000000e+00 : f32
    %div3A_8 = vector.broadcast %div3A : f32 to vector<1024x1xf32>
    %div3A_9 = arith.divf %div3A_8, %max3A_7 : vector<1024x1xf32>
    %get3A_10 = arith.constant 0 : index
    %get3A_11 = arith.constant 0 : index
    %get3A_12 = vector.load %arg1[%get3A_10, %get3A_11] : memref<1024x128xf32, #tpu.memory_space<vmem>>, vector<1024x128xf32>
    %get3A_13 = arith.constant 0 : index
    %get3A_14 = arith.constant 0 : index
    %get3A_15 = vector.load %arg2[%get3A_13, %get3A_14] : memref<1024x128xf32, #tpu.memory_space<vmem>>, vector<1024x128xf32>
    %add3A_16 = arith.addf %get3A_12, %get3A_15 : vector<1024x128xf32>
    %mul3A = vector.broadcast %div3A_9 : vector<1024x1xf32> to vector<1024x128xf32>
    %mul3A_17 = arith.mulf %add3A_16, %mul3A : vector<1024x128xf32>
    %get3A_18 = arith.constant 0 : index
    %get3A_19 = arith.constant 0 : index
    %get3A_20 = vector.load %arg6[%get3A_18, %get3A_19] : memref<128x128xf32, #tpu.memory_space<vmem>>, vector<128x128xf32>
    %dot_general3A = arith.constant dense<0.000000e+00> : vector<1024x128xf32>
    %dot_general3A_21 = tpu.matmul %mul3A_17, %get3A_20, %dot_general3A {dimension_numbers = #tpu.dot_dimension_numbers<[1], [0], [0], [1], [0, 0, 1, 1], [], []>, transpose_lhs_hint = false} : vector<1024x128xf32>, vector<128x128xf32>, vector<1024x128xf32> -> vector<1024x128xf32>
    %get3A_22 = arith.constant 0 : index
    %get3A_23 = arith.constant 0 : index
    %get3A_24 = vector.load %arg7[%get3A_22, %get3A_23] : memref<1x128xf32, #tpu.memory_space<vmem>>, vector<1x128xf32>
    %add3A_25 = vector.broadcast %get3A_24 : vector<1x128xf32> to vector<1024x128xf32>
    %add3A_26 = arith.addf %dot_general3A_21, %add3A_25 : vector<1024x128xf32>
    %get3A_27 = arith.constant 0 : index
    %get3A_28 = arith.constant 0 : index
    %get3A_29 = vector.load %arg5[%get3A_27, %get3A_28] : memref<1024x128xf32, #tpu.memory_space<vmem>>, vector<1024x128xf32>
    %get3A_30 = arith.constant 0 : index
    %get3A_31 = arith.constant 0 : index
    %get3A_32 = vector.load %arg8[%get3A_30, %get3A_31] : memref<128x128xf32, #tpu.memory_space<vmem>>, vector<128x128xf32>
    %dot_general3A_33 = arith.constant dense<0.000000e+00> : vector<1024x128xf32>
    %dot_general3A_34 = tpu.matmul %get3A_29, %get3A_32, %dot_general3A_33 {dimension_numbers = #tpu.dot_dimension_numbers<[1], [0], [0], [1], [0, 0, 1, 1], [], []>, transpose_lhs_hint = false} : vector<1024x128xf32>, vector<128x128xf32>, vector<1024x128xf32> -> vector<1024x128xf32>
    %add3A_35 = arith.addf %add3A_26, %dot_general3A_34 : vector<1024x128xf32>
    %swap3A = arith.constant 0 : index
    %swap3A_36 = arith.constant 0 : index
    %swap3A_37 = vector.load %arg9[%swap3A, %swap3A_36] : memref<1024x128xf32, #tpu.memory_space<vmem>>, vector<1024x128xf32>
    tpu.vector_store %arg9[%swap3A, %swap3A_36], %add3A_35 {strides = array<i32>} : memref<1024x128xf32, #tpu.memory_space<vmem>>, vector<1024x128xf32>,
    return
  }
  func.func @transform_0(%arg0: i32) -> (i32, i32) {
    %c0_i32 = arith.constant 0 : i32
    %c0_i32_0 = arith.constant 0 : i32
    return %arg0, %c0_i32 : i32, i32
  }
  func.func @transform_1(%arg0: i32) -> (i32, i32) {
    %c0_i32 = arith.constant 0 : i32
    %c0_i32_0 = arith.constant 0 : i32
    return %arg0, %c0_i32 : i32, i32
  }
  func.func @transform_2(%arg0: i32) -> (i32, i32) {
    %c0_i32 = arith.constant 0 : i32
    %c0_i32_0 = arith.constant 0 : i32
    return %arg0, %c0_i32 : i32, i32
  }
  func.func @transform_3(%arg0: i32) -> (i32, i32) {
    %c0_i32 = arith.constant 0 : i32
    %c0_i32_0 = arith.constant 0 : i32
    return %arg0, %c0_i32 : i32, i32
  }
  func.func @transform_4(%arg0: i32) -> (i32, i32) {
    %c0_i32 = arith.constant 0 : i32
    %c0_i32_0 = arith.constant 0 : i32
    return %arg0, %c0_i32 : i32, i32
  }
  func.func @transform_5(%arg0: i32) -> (i32, i32) {
    %c0_i32 = arith.constant 0 : i32
    %c0_i32_0 = arith.constant 0 : i32
    %c0_i32_1 = arith.constant 0 : i32
    return %c0_i32, %c0_i32_0 : i32, i32
  }
  func.func @transform_6(%arg0: i32) -> (i32, i32) {
    %c0_i32 = arith.constant 0 : i32
    %c0_i32_0 = arith.constant 0 : i32
    %c0_i32_1 = arith.constant 0 : i32
    return %c0_i32, %c0_i32_0 : i32, i32
  }
  func.func @transform_7(%arg0: i32) -> (i32, i32) {
    %c0_i32 = arith.constant 0 : i32
    %c0_i32_0 = arith.constant 0 : i32
    %c0_i32_1 = arith.constant 0 : i32
    return %c0_i32, %c0_i32_0 : i32, i32
  }
  func.func @transform_8(%arg0: i32) -> (i32, i32) {
    %c0_i32 = arith.constant 0 : i32
    %c0_i32_0 = arith.constant 0 : i32
    return %arg0, %c0_i32 : i32, i32
  }
}

</mosaic_0001>

<sc_bundles>
// kernel: kernel.12.cloned.1.call-start
scs
__scs_entry_jumppad:
0x0: {  	(pc) =	sbr.rel $0x88, $3  }
0x1: {  	(tag) =	ssettag $0x0;
	lr =	simm.s32 $0x1  }
0x2: {  	[smem:$0x3F92] =	sst lr;
	_ =	strace $0xD0000000  }
0x3: {  	_ = 	snop  }
0x4: {  	_ = 	snop  }
0x5: {  	_ = 	snop  }
0x6: {  	_ = 	snop  }
0x7: {  	_ = 	snop  }
__scs_overlays_trampoline_lowered:
0x8: {  	[smem:$0x3FA1] =	sst s0  }
0x9: {  	[smem:$0x3FA2] =	sst s1  }
0xa: {  	[smem:$0x3FA3] =	sst s2  }
0xb: {  	[smem:$0x3FA4] =	sst s3  }
0xc: {  	[smem:$0x3FA5] =	sst s4  }
0xd: {  	[smem:$0x3FA6] =	sst s5  }
0xe: {  	[smem:$0x3FA7] =	sst s6  }
0xf: {  	[smem:$0x3FA8] =	sst s7  }
0x10: {  	[smem:$0x3FA9] =	sst s8  }
0x11: {  	[smem:$0x3FAA] =	sst s9;
	s0 =	simm.s32 @!p0 $0x0  }
0x12: {  	s1 =	sld [smem:$0x3F90];
	s0 =	simm.s32 @p0 $0x1  }
0x13: {  	[smem:$0x3FAB] =	sst s0;
	s0 =	simm.s32 @!p1 $0x0  }
0x14: {  	s2 =	sld [smem:$0x3F8F];
	s0 =	simm.s32 @p1 $0x1  }
0x15: {  	[smem:$0x3FAC] =	sst s0;
	s0 =	simm.s32 @!p2 $0x0  }
0x16: {  	s3 =	sld [smem:$0x3FDB];
	s0 =	simm.s32 @p2 $0x1  }
0x17: {  	s4 =	simm.s32 $0x1BF5;
	[smem:$0x3FAE] =	sst s0  }
0x18: {  	s0 =	sld [smem:$0x3F91];
	_ =	swait.ge [sflag:s4], $0x0  }
0x19: {  	s7 =	sld [smem:$0x3F92]  }
0x1a: {  	s8 =	sadd.s32 $0xFFFFE003, lr  }
0x1b: {  	s9 =	sadd.s32 $0xFFFFFEF7, lr;
	s5 =	simm.s32 $0xFFFFFFFF;
	p2 =	slt.u32 s8, $0xFFFFF086  }
0x1c: {  	p1 =	slt.u32 s9, $0xF7A;
	s5 =	simm.s32 @!p2 $0x0  }
0x1d: {  	s5 =	simm.s32 @p1 $0x1;
	p0 =	seq.s32 s7, s2  }
0x1e: {  	s7 =	smul.u32 @!p0 $0xF7A, s2;
	p2 =	seq.s32 @!p0 s5, $0x0  }
0x1f: {  	s9 =	smul.u32 $0xF7A, s1;
	s8 =	simm.s32 @!p0 $0x1BF5;
	p2 =	por !p2, p0  }
0x20: {  	[sflag:s8] =	ssyncset.s32 @!p0 $0xFFFFF086;
	s6 =	sadd.s32 @!p0 s3, s7;
	s7 =	simm.s32 @!p0 $0x108  }
0x21: {  	s3 =	sadd.s32 s3, s9;
	s6 =	sadd.s32 @!p0 $0x88, s6;
	s7 =	simm.s32 @p2 $0x1082  }
0x22: {  	[simem:s7], [sflag:s8] =	dma.local @!p0 [hbm:s6], $0xF7A  }
0x23: {  	s9 =	sor.u32 $0xD0000000, s2;
	s6 =	simm.s32 $0x108;
	_ =	swait.ge @!p0 [sflag:s8], $0x0  }
0x24: {  	s3 =	sadd.s32 $0x88, s3;
	s6 =	simm.s32 @!p1 $0x1082;
	[sflag:s4] =	ssyncset.s32 $0xFFFFF086  }
0x25: {  	[simem:s6], [sflag:s4] =	dma.local [hbm:s3], $0xF7A  }
0x26: {  	[smem:$0x3F92] =	sst s1;
	(tag) =	ssettag s2;
	_ =	strace s9  }
0x27: {  	s1 =	sld [smem:$0x3FA2]  }
0x28: {  	s2 =	sld [smem:$0x3FA3]  }
0x29: {  	s4 =	sld [smem:$0x3FA5]  }
0x2a: {  	p0 =	seq.s32 s5, $0x0;
	s5 =	sld [smem:$0x3FA6]  }
0x2b: {  	s6 =	sld [smem:$0x3FA7]  }
0x2c: {  	s7 =	sld [smem:$0x3FA8]  }
0x2d: {  	s3 =	simm.s32 $0x108;
	s8 =	sld [smem:$0x3FA9]  }
0x2e: {  	s3 =	simm.s32 @!p0 $0x1082;
	s9 =	sld [smem:$0x3FAA]  }
0x2f: {  	lr =	sadd.s32 s0, s3;
	s0 =	sld [smem:$0x3FA1]  }
0x30: {  	s3 =	sld [smem:$0x3FA4]  }
0x31: {  	[smem:$0x3FAD] =	sst s10  }
0x32: {  	s10 =	sld [smem:$0x3FAB];
	_ =	sdelay $0x3  }
0x33: {  	p0 =	seq.s32 s10, $0x1;
	s10 =	sld [smem:$0x3FAD];
	_ =	sdelay $0x3  }
0x34: {  	[smem:$0x3FAD] =	sst s10  }
0x35: {  	s10 =	sld [smem:$0x3FAC];
	_ =	sdelay $0x3  }
0x36: {  	p1 =	seq.s32 s10, $0x1;
	s10 =	sld [smem:$0x3FAD];
	_ =	sdelay $0x3  }
0x37: {  	[smem:$0x3FAD] =	sst s10  }
0x38: {  	s10 =	sld [smem:$0x3FAE]  }
0x39: {  	_ = 	snop;
	(pc) =	sbr.ind lr, $3  }
0x3a: {  	_ = 	snop  }
0x3b: {  	_ = 	snop  }
0x3c: {  	p2 =	seq.s32 s10, $0x1;
	s10 =	sld [smem:$0x3FAD]  }
0x3d: {  	_ =	shalt  }
0x3e: {  	_ =	shalt  }
0x3f: {  	_ =	shalt  }
0x40: {  	_ =	shalt  }
0x41: {  	_ =	shalt  }
0x42: {  	_ =	shalt  }
0x43: {  	_ =	shalt  }
0x44: {  	_ =	shalt  }
0x45: {  	_ =	shalt  }
0x46: {  	_ =	shalt  }
0x47: {  	_ =	shalt  }
0x48: {  	_ =	shalt  }
0x49: {  	_ =	shalt  }
0x4a: {  	_ =	shalt  }
0x4b: {  	_ =	shalt  }
0x4c: {  	_ =	shalt  }
0x4d: {  	_ =	shalt  }
0x4e: {  	_ =	shalt  }
0x4f: {  	_ =	shalt  }
0x50: {  	_ =	shalt  }
0x51: {  	_ =	shalt  }
0x52: {  	_ =	shalt  }
0x53: {  	_ =	shalt  }
0x54: {  	_ =	shalt  }
0x55: {  	_ =	shalt  }
0x56: {  	_ =	shalt  }
0x57: {  	_ =	shalt  }
0x58: {  	_ =	shalt  }
0x59: {  	_ =	shalt  }
0x5a: {  	_ =	shalt  }
0x5b: {  	_ =	shalt  }
0x5c: {  	_ =	shalt  }
0x5d: {  	_ =	shalt  }
0x5e: {  	_ =	shalt  }
0x5f: {  	_ =	shalt  }
0x60: {  	_ =	shalt  }
0x61: {  	_ =	shalt  }
0x62: {  	_ =	shalt  }
0x63: {  	_ =	shalt  }
0x64: {  	_ =	shalt  }
0x65: {  	_ =	shalt  }
0x66: {  	_ =	shalt  }
0x67: {  	_ =	shalt  }
0x68: {  	_ =	shalt  }
0x69: {  	_ =	shalt  }
0x6a: {  	_ =	shalt  }
0x6b: {  	_ =	shalt  }
0x6c: {  	_ =	shalt  }
0x6d: {  	_ =	shalt  }
0x6e: {  	_ =	shalt  }
0x6f: {  	_ =	shalt  }
0x70: {  	_ =	shalt  }
0x71: {  	_ =	shalt  }
0x72: {  	_ =	shalt  }
0x73: {  	_ =	shalt  }
0x74: {  	_ =	shalt  }
0x75: {  	_ =	shalt  }
0x76: {  	_ =	shalt  }
0x77: {  	_ =	shalt  }
0x78: {  	_ =	shalt  }
0x79: {  	_ =	shalt  }
0x7a: {  	_ =	shalt  }
0x7b: {  	_ =	shalt  }
0x7c: {  	_ =	shalt  }
0x7d: {  	_ =	shalt  }
0x7e: {  	_ =	shalt  }
0x7f: {  	_ =	shalt  }
0x80: {  	_ =	shalt  }
0x81: {  	_ =	shalt  }
0x82: {  	_ =	shalt  }
0x83: {  	_ =	shalt  }
0x84: {  	_ =	shalt  }
0x85: {  	_ =	shalt  }
0x86: {  	_ =	shalt  }
0x87: {  	_ =	shalt  }
.Lfunc_end0:
.L_simem_size_0:
called_computation.1_lowered:
.L_overlay_start_0:
0x88: {  	s2 =	sld [smem:$0x3FD9]  }
0x89: {  	s3 =	sld [smem:$0x3FFE];
	_ =	sdelay $0x1  }
0x8a: {  	s1 =	srdreg.scid  }
0x8b: {  	s0 =	sand.u32 $0x1, s1  }
0x8c: {  	s16 =	sshll.u32 s0, $0xA;
	s2 =	sadd.s32 s3, s2  }
0x8d: {  	s2 =	sadd.s32 s2, s16  }
0x8e: {  	[smem:$0x3FB9] =	sst s2  }
0x8f: {  	_ = 	snop  }
0x90: {  	(tm) =	ssettm $0x1  }
0x91: {  	s17 =	sld [smem:$0x3FFB];
	_ =	sdelay $0x3  }
0x92: {  	_ =	strace s17  }
0x93: {  	s2 =	sld [smem:$0x3FFC];
	_ =	sdelay $0x3  }
0x94: {  	_ =	strace s2  }
0x95: {  	s2 =	sld [smem:$0x3FFD];
	_ =	sdelay $0x3  }
0x96: {  	_ =	strace s2  }
0x97: {  	_ =	strace $0x8FFFFFFF  }
0x98: {  	s18 =	sld [smem:$0x3FDB];
	_ =	sdelay $0x1  }
0x99: {  	s19 =	simm.s32 $_scs_section_size  }
0x9a: {  	s4 =	simm.s32 $_size__tile_overlayer_lowered;
	s5 =	simm.s32 $_tile_overlayer_lowered  }
0x9b: {  	s22 =	simm.s32 $0x1BFF;
	s21 =	sshll.u32 s5, $0x1;
	s2 =	sadd.s32 s19, s18  }
0x9c: {  	s6 =	simm.s32 $0x0;
	s20 =	sshll.u32 s4, $0x1;
	s4 =	sadd.s32 s21, s2  }
0x9d: {  	[timem:s6], [sflag:s22] =	dma.local [hbm:s4], s20  }
0x9e: {  	_ =	swait.ge [sflag:s22], s20  }
0x9f: {  	s3 =	ssub.s32 $0x0, s20;
	[sflag:s22] =	ssyncset.done $0x0  }
0xa0: {  	[sflag:s22] =	ssyncadd.s32 s3;
	_ =	sdelay $0x1  }
0xa1: {  	s23 =	simm.s32 $0x1B8B  }
0xa2: {  	_ =	swait.ge [sflag:s23], $0x1  }
0xa3: {  	[sflag:s23] =	ssyncset.done $0x0  }
0xa4: {  	s25 =	simm.s32 $0x1B8E;
	s24 =	sld [smem:$0x3FFE];
	[sflag:s23] =	ssyncadd.s32 $0xFFFFFFFF  }
0xa5: {  	s26 =	simm.s32 $execute0_lowered;
	[smem:$0x3FD2] =	sst s25  }
0xa6: {  	s4 =	sshll.u32 s26, $0x1;
	_ =	strace $0x80000046;
	[dreg:$0x1] =	wrdreg $0xFFFFFFFF  }
0xa7: {  	s28 =	simm.s32 $_size_execute0_lowered;
	s2 =	sadd.s32 s2, s4;
	[dreg:$0x0] =	wrdreg $0x0  }
0xa8: {  	s4 =	sshll.u32 s28, $0x1;
	[dreg:$0x2] =	wrdreg s2  }
0xa9: {  	[dreg:$0x3] =	wrdreg s4  }
0xaa: {  	[dreg:$0x4] =	wrdreg $0xC0  }
0xab: {  	_ =	task [dreg:s6], $0x5FFFF  }
0xac: {  	[dreg:$0x1] =	wrdreg $0xFFFFFFFF  }
0xad: {  	[dreg:$0x0] =	wrdreg $0x60  }
0xae: {  	[dreg:$0x2] =	wrdreg s24  }
0xaf: {  	[dreg:$0x3] =	wrdreg $0xA9000  }
0xb0: {  	[dreg:$0x4] =	wrdreg $0xA  }
0xb1: {  	_ =	task.clear_ibuf [dreg:s6], $0x5FFFF;
	_ =	strace $0x90000046  }
0xb2: {  	s29 =	simm.s32 $0xA;
	_ =	strace $0x80000048  }
0xb3: {  	_ =	swait.ge [sflag:s29], $0x1  }
0xb4: {  	[sflag:s29] =	ssyncadd.s32 $0xFFFFFFFF  }
0xb5: {  	_ =	strace $0x90000048  }
0xb6: {  	_ =	sfence  }
0xb7: {  	s30 =	sld [smem:$0x0];
	_ =	sdelay $0x2  }
0xb8: {  	s31 =	sshll.u32 s1, $0xD;
	s1 =	sshrl.u32 s1, $0x2  }
0xb9: {  	s3 =	sand.u32 $0x4000, s31;
	s1 =	sadd.s32 s1, s30  }
0xba: {  	s0 =	sor.u32 s3, s0;
	s1 =	sshll.u32 s1, $0x11  }
0xbb: {  	s0 =	sor.u32 s1, s0  }
0xbc: {  	s0 =	sadd.s32 $0x8F2B, s0  }
0xbd: {  	[sflag:s0] =	ssyncadd.remote.s32 $0x1  }
0xbe: {  	_ =	sfence.sel $0xFFFF  }
0xbf: {  	[dreg:$0x0] =	wrdreg $0xFFFFFFFF;
	(pc) =	sbr.abs _section_cstart, $3  }
0xc0: {  	[dreg:$0x1] =	wrdreg $0xFFFFFFFF  }
0xc1: {  	_ =	task.clear_ibuf [dreg:s6], $0x2FFFF;
	_ =	strace $0x9FFFFFFF  }
0xc2: {  	(tm) =	ssettm $0x7FFFFFFF  }
0xc3: {  	_ =	shalt  }
tec
execute0_lowered:
.L_overlay_start_1:
0x0: {  	(tag) =	ssettag $0x1  }
0x1: {  	s0 =	srdreg.scid;
	s7 =	rddreg [dreg:$0x0]  }
0x2: {  	s30 =	stileid.u32;
	s2 =	rddreg [dreg:$0x1];
	s17 =	simm.s32 $0x2900  }
0x3: {  	s18 =	simm.s32 $0x3;
	s19 =	simm.s32 $0x80;
	s20 =	simm.s32 $0x1  }
0x4: {  	s21 =	simm.s32 $0x2;
	s25 =	simm.s32 $0x0;
	s9 =	smul.u32 $0x14000, s30  }
0x5: {  	s1 =	sand.u32 $0x1, s0;
	s5 =	sadd.s32 $0x17600, s7;
	s10 =	smul.u32 $0x50000, s30  }
0x6: {  	s6 =	sadd.s32 $0xD600, s7;
	s3 =	sshll.u32 s1, $0x4;
	s8 =	smul.u32 $0x140000, s1  }
0x7: {  	s1 =	ssub.s32 $0x2, s1;
	s4 =	sor.u32 s30, s3;
	s3 =	simm.s32 $0x0  }
0x8: {  	s31 =	sshrl.u32 s1, $0x1;
	s10 =	sshrl.u32 s10, $0x2;
	s4 =	smul.u32 $0x2800, s4  }
0x9: {  	[smem:$0x7FF] =	sst s3;
	s8 =	sadd.s32 s9, s8;
	s1 =	ssub.s32 s1, s31  }
0xa: {  	_ =	strace $0x80000047;
	s8 =	sshrl.u32 s8, $0x3;
	s13 =	sshrl.u32 s4, $0x3  }
0xb: {  	s16 =	smax.u32 s1, $0x1;
	s15 =	sadd.s32 s8, s7;
	s12 =	sadd.s32 s13, s7  }
0xc: {  	s7 =	sadd.s32 s10, s2;
	s13 =	sadd.s32 s6, s13;
	s15 =	sadd.s32 $0x3F600, s15  }
0xd: {  	s8 =	sadd.s32 $0x4000, s7;
	s9 =	sadd.s32 $0x8000, s7;
	s10 =	sadd.s32 $0xC000, s7  }
0xe: {  	v0 =	vimm.f32 $0.0e+00;
	s11 =	sadd.s32 $0x10000, s7;
	s12 =	sadd.s32 $0x3600, s12;
	s14 =	sadd.s32 $0x10, s13  }
.LBB2_1:
0xf: {  	s26 =	simm.s32 $0x0;
	s1 =	simm.s32 $0x200  }
.LBB2_2:
0x10: {  	p0 =	sne.s32 s1, $0xFE00;
	[tilespmem:s26+$0x2970] =	vst v0  }
0x11: {  	[tilespmem:s26+$0x2900] =	vst v0  }
0x12: {  	[tilespmem:s26+$0x2910] =	vst v0  }
.Ltmp0:
0x13: {  	[tilespmem:s26+$0x2920] =	vst v0;
	(pc) =	sbr.rel @p0 .LBB2_2-.Ltmp0, $4  }
0x14: {  	[tilespmem:s26+$0x2930] =	vst v0  }
0x15: {  	[tilespmem:s26+$0x2940] =	vst v0  }
0x16: {  	[tilespmem:s26+$0x2950] =	vst v0  }
0x17: {  	[tilespmem:s26+$0x2960] =	vst v0;
	s26 =	sshra.s32 s1, $0x2;
	s1 =	sadd.s32 $0x200, s1  }
0x18: {  	[tilespmem:s26+$0x2970] =	vst v0  }
0x19: {  	[tilespmem:s26+$0x2900] =	vst v0  }
0x1a: {  	[tilespmem:s26+$0x2910] =	vst v0  }
0x1b: {  	[tilespmem:s26+$0x2920] =	vst v0  }
0x1c: {  	[tilespmem:s26+$0x2930] =	vst v0  }
0x1d: {  	[tilespmem:s26+$0x2940] =	vst v0  }
0x1e: {  	[tilespmem:s26+$0x2950] =	vst v0  }
0x1f: {  	[tilespmem:s26+$0x2960] =	vst v0  }
0x20: {  	[spmem:s7] =	stream.linear.scatter [tilespmem:s17], [sflag:$0x1], $0x4000, $0x38;
	[tilespmem:$0x1E900] =	vst v63  }
0x21: {  	_ = 	snop  }
0x22: {  	[spmem:s8] =	stream.linear.scatter [tilespmem:s17], [sflag:$0x1], $0x4000, $0x38;
	[tilespmem:$0x1E900] =	vst v63  }
0x23: {  	_ = 	snop  }
0x24: {  	[spmem:s9] =	stream.linear.scatter [tilespmem:s17], [sflag:$0x1], $0x4000, $0x38;
	[tilespmem:$0x1E900] =	vst v63  }
0x25: {  	_ = 	snop  }
0x26: {  	[spmem:s10] =	stream.linear.scatter [tilespmem:s17], [sflag:$0x1], $0x4000, $0x38;
	[tilespmem:$0x1E900] =	vst v63  }
0x27: {  	_ = 	snop  }
0x28: {  	[spmem:s11] =	stream.linear.scatter [tilespmem:s17], [sflag:$0x1], $0x4000, $0x38;
	[tilespmem:$0x1E900] =	vst v63  }
0x29: {  	s26 =	simm.s32 $0x100  }
0x2a: {  	[tilespmem:s26], [sflag:$0x3] =	stream.linear.gather [hbm4b:s12+s3], $0x2780, $0x38;
	[tilespmem:$0x1E900] =	vst v63  }
0x2b: {  	_ =	swait.ge [sflag:s18], $0x2780  }
0x2c: {  	[sflag:s18] =	ssyncset.done $0x0  }
0x2d: {  	s1 =	simm.s32 $0x1;
	[sflag:s18] =	ssyncadd.s32 $0xFFFFD880  }
0x2e: {  	_ =	swait.ge [sflag:s1], $0x4000  }
0x2f: {  	[sflag:s1] =	ssyncset.done $0x0  }
0x30: {  	[sflag:s1] =	ssyncadd.s32 $0xFFFFC000  }
0x31: {  	_ =	swait.ge [sflag:s1], $0x4000  }
0x32: {  	[sflag:s1] =	ssyncset.done $0x0  }
0x33: {  	[sflag:s1] =	ssyncadd.s32 $0xFFFFC000  }
0x34: {  	_ =	swait.ge [sflag:s1], $0x4000  }
0x35: {  	[sflag:s1] =	ssyncset.done $0x0  }
0x36: {  	[sflag:s1] =	ssyncadd.s32 $0xFFFFC000  }
0x37: {  	_ =	swait.ge [sflag:s1], $0x4000  }
0x38: {  	[sflag:s1] =	ssyncset.done $0x0  }
0x39: {  	[sflag:s1] =	ssyncadd.s32 $0xFFFFC000  }
0x3a: {  	_ =	swait.ge [sflag:s1], $0x4000  }
0x3b: {  	[sflag:s1] =	ssyncset.done $0x0  }
0x3c: {  	[sflag:s1] =	ssyncadd.s32 $0xFFFFC000  }
0x3d: {  	[bflag:$0x0] =	sbarrier.arrive $0xFFFF  }
0x3e: {  	[tilespmem:s3], [sflag:$0x3] =	stream.linear.gather [hbm4b:s13+s3], $0x80, $0x38;
	[tilespmem:$0x1E900] =	vst v63  }
0x3f: {  	_ =	swait.ge [sflag:s18], $0x80  }
0x40: {  	[sflag:s18] =	ssyncset.done $0x0  }
0x41: {  	[sflag:s18] =	ssyncadd.s32 $0xFFFFFF80  }
0x42: {  	[tilespmem:s17], [sflag:$0x1] =	stream.indirect.gather [hbm4b:s5+s19], $0x80, s3, s19, $0xb8;
	[tilespmem:$0x1E900] =	vst v63  }
0x43: {  	_ = 	snop  }
0x44: {  	[tilespmem:s19], [sflag:$0x2] =	stream.linear.gather [hbm4b:s14+s3], $0x80, $0x38;
	[tilespmem:$0x1E900] =	vst v63  }
0x45: {  	s28 =	simm.s32 $0x0;
	s30 =	sand.u32 $0x7C00, s26;
	_ =	swait.ge [sflag:s20], $0x4000  }
0x46: {  	s29 =	sand.u32 $0x380, s26;
	s30 =	sadd.s32 s4, s30;
	[sflag:s20] =	ssyncset.done $0x0  }
0x47: {  	s29 =	sor.u32 s29, s30;
	s30 =	sand.u32 $0x1, s28;
	[sflag:s20] =	ssyncadd.s32 $0xFFFFC000  }
0x48: {  	s29 =	sshrl.u32 s29, $0x3;
	s1 =	sand.u32 $0x1, s1;
	_ =	swait.ge [sflag:s21], $0x80  }
0x49: {  	s24 =	sshll.u32 s30, $0x7;
	s31 =	sshll.u32 s1, $0xE;
	[sflag:s21] =	ssyncset.done $0x0  }
0x4a: {  	s1 =	sshll.u32 s1, $0x7;
	s31 =	sor.u32 $0x2900, s31;
	[sflag:s21] =	ssyncadd.s32 $0xFFFFFF80  }
0x4b: {  	[tilespmem:s31], [sflag:$0x1] =	stream.indirect.gather [hbm4b:s5+s19], $0x80, s1, s19, $0xb8;
	[tilespmem:$0x1E900] =	vst v63  }
0x4c: {  	s28 =	sadd.s32 s6, s29;
	s29 =	simm.s32 $0x180;
	s31 =	sshll.u32 s30, $0xE  }
0x4d: {  	[tilespmem:s24], [sflag:$0x2] =	stream.linear.gather [hbm4b:s28+s3], $0x80, $0x38;
	[tilespmem:$0x1E900] =	vst v63  }
0x4e: {  	s30 =	simm.s32 $0x2;
	s1 =	sor.u32 $0x2900, s31;
	s28 =	simm.s32 $0x180  }
.LBB2_4:
0x4f: {  	[spmem:s2] =	stream.indirect.scatter.add.f32 [tilespmem:s1], [sflag:$0x3], $0x80, s26, s19, $0xb8;
	[tilespmem:$0x1E900] =	vst v63  }
0x50: {  	s1 =	smov.u32 s28;
	s26 =	smov.u32 s29  }
0x51: {  	p0 =	sne.s32 s28, $0x2700;
	s28 =	sadd.s32 $0x80, s28;
	_ =	swait.ge [sflag:s18], $0x4000  }
0x52: {  	[sflag:s18] =	ssyncset.done $0x0  }
0x53: {  	s31 =	sadd.s32 $0xFFFFFFFF, s30;
	[sflag:s18] =	ssyncadd.s32 $0xFFFFC000  }
0x54: {  	s22 =	sand.u32 $0x1, s30;
	s0 =	sand.u32 $0x380, s1;
	_ =	swait.ge [sflag:s20], $0x4000  }
0x55: {  	s1 =	sand.u32 $0x7C00, s1;
	s23 =	sshll.u32 s22, $0xE;
	[sflag:s20] =	ssyncset.done $0x0  }
0x56: {  	s1 =	sadd.s32 s4, s1;
	s23 =	sor.u32 $0x2900, s23;
	[sflag:s20] =	ssyncadd.s32 $0xFFFFC000  }
0x57: {  	s0 =	sor.u32 s0, s1;
	s1 =	sshll.u32 s22, $0x7;
	_ =	swait.ge [sflag:s21], $0x80  }
0x58: {  	s22 =	sand.u32 $0x1, s31;
	s0 =	sshrl.u32 s0, $0x3;
	[sflag:s21] =	ssyncset.done $0x0  }
0x59: {  	s24 =	sshll.u32 s22, $0xE;
	[sflag:s21] =	ssyncadd.s32 $0xFFFFFF80  }
.Ltmp1:
0x5a: {  	s31 =	sshll.u32 s22, $0x7;
	s0 =	sadd.s32 s6, s0;
	(pc) =	sbr.rel @p0 .LBB2_4-.Ltmp1, $4  }
0x5b: {  	[tilespmem:s23], [sflag:$0x1] =	stream.indirect.gather [hbm4b:s5+s19], $0x80, s1, s19, $0xb8;
	[tilespmem:$0x1E900] =	vst v63  }
0x5c: {  	s1 =	sor.u32 $0x2900, s24  }
0x5d: {  	[tilespmem:s31], [sflag:$0x2] =	stream.linear.gather [hbm4b:s0+s3], $0x80, $0x38;
	[tilespmem:$0x1E900] =	vst v63  }
0x5e: {  	s29 =	sadd.s32 $0x80, s29;
	s30 =	sadd.s32 $0x1, s30  }
0x5f: {  	[spmem:s2] =	stream.indirect.scatter.add.f32 [tilespmem:s1], [sflag:$0x3], $0x80, s26, s19, $0xb8;
	[tilespmem:$0x1E900] =	vst v63  }
0x60: {  	_ =	swait.ge [sflag:s18], $0x4000  }
0x61: {  	[sflag:s18] =	ssyncset.done $0x0  }
0x62: {  	[sflag:s18] =	ssyncadd.s32 $0xFFFFC000  }
0x63: {  	_ =	swait.ge [sflag:s20], $0x4000  }
0x64: {  	[sflag:s20] =	ssyncset.done $0x0  }
0x65: {  	[sflag:s20] =	ssyncadd.s32 $0xFFFFC000  }
0x66: {  	_ =	swait.ge [sflag:s21], $0x80  }
0x67: {  	[sflag:s21] =	ssyncset.done $0x0  }
0x68: {  	[sflag:s21] =	ssyncadd.s32 $0xFFFFFF80  }
0x69: {  	[tilespmem:s1], [sflag:$0x1] =	stream.indirect.gather [hbm4b:s5+s19], $0x80, s31, s19, $0xb8;
	[tilespmem:$0x1E900] =	vst v63  }
0x6a: {  	s0 =	simm.s32 $0x2780;
	s28 =	simm.s32 $0x6900  }
0x6b: {  	[spmem:s2] =	stream.indirect.scatter.add.f32 [tilespmem:s28], [sflag:$0x3], $0x80, s0, s19, $0xb8;
	[tilespmem:$0x1E900] =	vst v63  }
0x6c: {  	_ =	swait.ge [sflag:s18], $0x4000  }
0x6d: {  	[sflag:s18] =	ssyncset.done $0x0  }
0x6e: {  	[sflag:s18] =	ssyncadd.s32 $0xFFFFC000  }
0x6f: {  	_ =	swait.ge [sflag:s20], $0x4000  }
0x70: {  	[sflag:s20] =	ssyncset.done $0x0  }
0x71: {  	s29 =	simm.s32 $0x2800;
	[sflag:s20] =	ssyncadd.s32 $0xFFFFC000  }
0x72: {  	[spmem:s2] =	stream.indirect.scatter.add.f32 [tilespmem:s17], [sflag:$0x3], $0x80, s29, s19, $0xb8;
	[tilespmem:$0x1E900] =	vst v63  }
0x73: {  	s25 =	sadd.s32 $0x1, s25;
	_ =	swait.ge [sflag:s18], $0x4000  }
0x74: {  	s30 =	stileid.u32;
	p0 =	sne.s32 s25, s16;
	[sflag:s18] =	ssyncset.done $0x0  }
0x75: {  	s31 =	sshrl.u32 s7, $0x3;
	s0 =	sshll.u32 s30, $0x6;
	[sflag:s18] =	ssyncadd.s32 $0xFFFFC000  }
.Ltmp2:
0x76: {  	s0 =	sor.u32 $0x1C03, s0;
	[bflag:$0x0] =	sbarrier.arrive $0xFFFF;
	(pc) =	sbr.rel @p0 .LBB2_1-.Ltmp2, $4  }
0x77: {  	[hbm:s15], [sflag:s0] =	dma.local [spmem:s31], $0x2800  }
0x78: {  	_ =	swait.ge [sflag:s18], $0x2800  }
0x79: {  	[sflag:s18] =	ssyncset.done $0x0  }
0x7a: {  	[sflag:s18] =	ssyncadd.s32 $0xFFFFD800  }
0x7b: {  	_ =	sfence.sel $0x180000  }
0x7c: {  	[bflag:$0x0] =	sbarrier.arrive $0xFFFF  }
0x7d: {  	_ =	strace $0x90000047  }
0x7e: {  	s0 =	stileid.u32;
	[bflag:$0x2] =	sbarrier.arrive $0xFFFF  }
0x7f: {  	p0 =	sne.s32 s0, $0x0;
	s0 =	rddreg [dreg:$0x2]  }
0x80: {  	s0 =	sadd.s32 @!p0 $0x100000, s0  }
0x81: {  	[sflag:s0] =	ssyncadd.tile.s32 @!p0 $0x1;
	_ =	shalt  }
.Lfunc_end2:
_tile_overlayer_lowered:
.L_overlay_start_2:
0x82: {  	(tag) =	ssettag $0x2  }
0x83: {  	s0 =	rddreg [dreg:$0x0];
	s2 =	stileid.u32  }
0x84: {  	s1 =	rddreg [dreg:$0x1];
	p0 =	sne.s32 s2, $0x0  }
0x85: {  	s3 =	rddreg [dreg:$0x2];
	[bflag:$0x3] =	sbarrier.arrive $0xFFFF;
	s2 =	simm.s32 @!p0 $0x1C03  }
0x86: {  	[timem:s3], [sflag:s2] =	dma.local @!p0 [hbm:s0], s1  }
0x87: {  	s0 =	simm.s32 @!p0 $0x3  }
0x88: {  	_ =	swait.ge @!p0 [sflag:s0], s1  }
0x89: {  	s1 =	ssub.s32 @!p0 $0x0, s1;
	[sflag:s0] =	ssyncset.done @!p0 $0x0  }
0x8a: {  	[sflag:s0] =	ssyncadd.s32 @!p0 s1  }
0x8b: {  	[bflag:$0x3] =	sbarrier.arrive $0xFFFF  }
0x8c: {  	_ =	shalt  }

// kernel: kernel.15.cloned.1.call-start
scs
__scs_entry_jumppad:
0x0: {  	(pc) =	sbr.rel $0x88, $3  }
0x1: {  	(tag) =	ssettag $0x0;
	lr =	simm.s32 $0x1  }
0x2: {  	[smem:$0x3F92] =	sst lr;
	_ =	strace $0xD0000000  }
0x3: {  	_ = 	snop  }
0x4: {  	_ = 	snop  }
0x5: {  	_ = 	snop  }
0x6: {  	_ = 	snop  }
0x7: {  	_ = 	snop  }
__scs_overlays_trampoline_lowered:
0x8: {  	[smem:$0x3FA1] =	sst s0  }
0x9: {  	[smem:$0x3FA2] =	sst s1  }
0xa: {  	[smem:$0x3FA3] =	sst s2  }
0xb: {  	[smem:$0x3FA4] =	sst s3  }
0xc: {  	[smem:$0x3FA5] =	sst s4  }
0xd: {  	[smem:$0x3FA6] =	sst s5  }
0xe: {  	[smem:$0x3FA7] =	sst s6  }
0xf: {  	[smem:$0x3FA8] =	sst s7  }
0x10: {  	[smem:$0x3FA9] =	sst s8  }
0x11: {  	[smem:$0x3FAA] =	sst s9;
	s0 =	simm.s32 @!p0 $0x0  }
0x12: {  	s1 =	sld [smem:$0x3F90];
	s0 =	simm.s32 @p0 $0x1  }
0x13: {  	[smem:$0x3FAB] =	sst s0;
	s0 =	simm.s32 @!p1 $0x0  }
0x14: {  	s2 =	sld [smem:$0x3F8F];
	s0 =	simm.s32 @p1 $0x1  }
0x15: {  	[smem:$0x3FAC] =	sst s0;
	s0 =	simm.s32 @!p2 $0x0  }
0x16: {  	s3 =	sld [smem:$0x3FDB];
	s0 =	simm.s32 @p2 $0x1  }
0x17: {  	s4 =	simm.s32 $0x1BF5;
	[smem:$0x3FAE] =	sst s0  }
0x18: {  	s0 =	sld [smem:$0x3F91];
	_ =	swait.ge [sflag:s4], $0x0  }
0x19: {  	s7 =	sld [smem:$0x3F92]  }
0x1a: {  	s8 =	sadd.s32 $0xFFFFE003, lr  }
0x1b: {  	s9 =	sadd.s32 $0xFFFFFEF7, lr;
	s5 =	simm.s32 $0xFFFFFFFF;
	p2 =	slt.u32 s8, $0xFFFFF086  }
0x1c: {  	p1 =	slt.u32 s9, $0xF7A;
	s5 =	simm.s32 @!p2 $0x0  }
0x1d: {  	s5 =	simm.s32 @p1 $0x1;
	p0 =	seq.s32 s7, s2  }
0x1e: {  	s7 =	smul.u32 @!p0 $0xF7A, s2;
	p2 =	seq.s32 @!p0 s5, $0x0  }
0x1f: {  	s9 =	smul.u32 $0xF7A, s1;
	s8 =	simm.s32 @!p0 $0x1BF5;
	p2 =	por !p2, p0  }
0x20: {  	[sflag:s8] =	ssyncset.s32 @!p0 $0xFFFFF086;
	s6 =	sadd.s32 @!p0 s3, s7;
	s7 =	simm.s32 @!p0 $0x108  }
0x21: {  	s3 =	sadd.s32 s3, s9;
	s6 =	sadd.s32 @!p0 $0x88, s6;
	s7 =	simm.s32 @p2 $0x1082  }
0x22: {  	[simem:s7], [sflag:s8] =	dma.local @!p0 [hbm:s6], $0xF7A  }
0x23: {  	s9 =	sor.u32 $0xD0000000, s2;
	s6 =	simm.s32 $0x108;
	_ =	swait.ge @!p0 [sflag:s8], $0x0  }
0x24: {  	s3 =	sadd.s32 $0x88, s3;
	s6 =	simm.s32 @!p1 $0x1082;
	[sflag:s4] =	ssyncset.s32 $0xFFFFF086  }
0x25: {  	[simem:s6], [sflag:s4] =	dma.local [hbm:s3], $0xF7A  }
0x26: {  	[smem:$0x3F92] =	sst s1;
	(tag) =	ssettag s2;
	_ =	strace s9  }
0x27: {  	s1 =	sld [smem:$0x3FA2]  }
0x28: {  	s2 =	sld [smem:$0x3FA3]  }
0x29: {  	s4 =	sld [smem:$0x3FA5]  }
0x2a: {  	p0 =	seq.s32 s5, $0x0;
	s5 =	sld [smem:$0x3FA6]  }
0x2b: {  	s6 =	sld [smem:$0x3FA7]  }
0x2c: {  	s7 =	sld [smem:$0x3FA8]  }
0x2d: {  	s3 =	simm.s32 $0x108;
	s8 =	sld [smem:$0x3FA9]  }
0x2e: {  	s3 =	simm.s32 @!p0 $0x1082;
	s9 =	sld [smem:$0x3FAA]  }
0x2f: {  	lr =	sadd.s32 s0, s3;
	s0 =	sld [smem:$0x3FA1]  }
0x30: {  	s3 =	sld [smem:$0x3FA4]  }
0x31: {  	[smem:$0x3FAD] =	sst s10  }
0x32: {  	s10 =	sld [smem:$0x3FAB];
	_ =	sdelay $0x3  }
0x33: {  	p0 =	seq.s32 s10, $0x1;
	s10 =	sld [smem:$0x3FAD];
	_ =	sdelay $0x3  }
0x34: {  	[smem:$0x3FAD] =	sst s10  }
0x35: {  	s10 =	sld [smem:$0x3FAC];
	_ =	sdelay $0x3  }
0x36: {  	p1 =	seq.s32 s10, $0x1;
	s10 =	sld [smem:$0x3FAD];
	_ =	sdelay $0x3  }
0x37: {  	[smem:$0x3FAD] =	sst s10  }
0x38: {  	s10 =	sld [smem:$0x3FAE]  }
0x39: {  	_ = 	snop;
	(pc) =	sbr.ind lr, $3  }
0x3a: {  	_ = 	snop  }
0x3b: {  	_ = 	snop  }
0x3c: {  	p2 =	seq.s32 s10, $0x1;
	s10 =	sld [smem:$0x3FAD]  }
0x3d: {  	_ =	shalt  }
0x3e: {  	_ =	shalt  }
0x3f: {  	_ =	shalt  }
0x40: {  	_ =	shalt  }
0x41: {  	_ =	shalt  }
0x42: {  	_ =	shalt  }
0x43: {  	_ =	shalt  }
0x44: {  	_ =	shalt  }
0x45: {  	_ =	shalt  }
0x46: {  	_ =	shalt  }
0x47: {  	_ =	shalt  }
0x48: {  	_ =	shalt  }
0x49: {  	_ =	shalt  }
0x4a: {  	_ =	shalt  }
0x4b: {  	_ =	shalt  }
0x4c: {  	_ =	shalt  }
0x4d: {  	_ =	shalt  }
0x4e: {  	_ =	shalt  }
0x4f: {  	_ =	shalt  }
0x50: {  	_ =	shalt  }
0x51: {  	_ =	shalt  }
0x52: {  	_ =	shalt  }
0x53: {  	_ =	shalt  }
0x54: {  	_ =	shalt  }
0x55: {  	_ =	shalt  }
0x56: {  	_ =	shalt  }
0x57: {  	_ =	shalt  }
0x58: {  	_ =	shalt  }
0x59: {  	_ =	shalt  }
0x5a: {  	_ =	shalt  }
0x5b: {  	_ =	shalt  }
0x5c: {  	_ =	shalt  }
0x5d: {  	_ =	shalt  }
0x5e: {  	_ =	shalt  }
0x5f: {  	_ =	shalt  }
0x60: {  	_ =	shalt  }
0x61: {  	_ =	shalt  }
0x62: {  	_ =	shalt  }
0x63: {  	_ =	shalt  }
0x64: {  	_ =	shalt  }
0x65: {  	_ =	shalt  }
0x66: {  	_ =	shalt  }
0x67: {  	_ =	shalt  }
0x68: {  	_ =	shalt  }
0x69: {  	_ =	shalt  }
0x6a: {  	_ =	shalt  }
0x6b: {  	_ =	shalt  }
0x6c: {  	_ =	shalt  }
0x6d: {  	_ =	shalt  }
0x6e: {  	_ =	shalt  }
0x6f: {  	_ =	shalt  }
0x70: {  	_ =	shalt  }
0x71: {  	_ =	shalt  }
0x72: {  	_ =	shalt  }
0x73: {  	_ =	shalt  }
0x74: {  	_ =	shalt  }
0x75: {  	_ =	shalt  }
0x76: {  	_ =	shalt  }
0x77: {  	_ =	shalt  }
0x78: {  	_ =	shalt  }
0x79: {  	_ =	shalt  }
0x7a: {  	_ =	shalt  }
0x7b: {  	_ =	shalt  }
0x7c: {  	_ =	shalt  }
0x7d: {  	_ =	shalt  }
0x7e: {  	_ =	shalt  }
0x7f: {  	_ =	shalt  }
0x80: {  	_ =	shalt  }
0x81: {  	_ =	shalt  }
0x82: {  	_ =	shalt  }
0x83: {  	_ =	shalt  }
0x84: {  	_ =	shalt  }
0x85: {  	_ =	shalt  }
0x86: {  	_ =	shalt  }
0x87: {  	_ =	shalt  }
.Lfunc_end0:
.L_simem_size_0:
called_computation.2_lowered:
.L_overlay_start_0:
0x88: {  	s2 =	sld [smem:$0x3FD9]  }
0x89: {  	s3 =	sld [smem:$0x3FFE];
	_ =	sdelay $0x1  }
0x8a: {  	s1 =	srdreg.scid  }
0x8b: {  	s0 =	sand.u32 $0x1, s1  }
0x8c: {  	s16 =	sshll.u32 s0, $0xA;
	s2 =	sadd.s32 s3, s2  }
0x8d: {  	s2 =	sadd.s32 s2, s16  }
0x8e: {  	[smem:$0x3FB9] =	sst s2  }
0x8f: {  	_ = 	snop  }
0x90: {  	(tm) =	ssettm $0x1  }
0x91: {  	s17 =	sld [smem:$0x3FFB];
	_ =	sdelay $0x3  }
0x92: {  	_ =	strace s17  }
0x93: {  	s2 =	sld [smem:$0x3FFC];
	_ =	sdelay $0x3  }
0x94: {  	_ =	strace s2  }
0x95: {  	s2 =	sld [smem:$0x3FFD];
	_ =	sdelay $0x3  }
0x96: {  	_ =	strace s2  }
0x97: {  	_ =	strace $0x8FFFFFFF  }
0x98: {  	s18 =	sld [smem:$0x3FDB];
	_ =	sdelay $0x1  }
0x99: {  	s19 =	simm.s32 $_scs_section_size  }
0x9a: {  	s4 =	simm.s32 $_size__tile_overlayer_lowered;
	s5 =	simm.s32 $_tile_overlayer_lowered  }
0x9b: {  	s22 =	simm.s32 $0x1BFF;
	s21 =	sshll.u32 s5, $0x1;
	s2 =	sadd.s32 s19, s18  }
0x9c: {  	s6 =	simm.s32 $0x0;
	s20 =	sshll.u32 s4, $0x1;
	s4 =	sadd.s32 s21, s2  }
0x9d: {  	[timem:s6], [sflag:s22] =	dma.local [hbm:s4], s20  }
0x9e: {  	_ =	swait.ge [sflag:s22], s20  }
0x9f: {  	s3 =	ssub.s32 $0x0, s20;
	[sflag:s22] =	ssyncset.done $0x0  }
0xa0: {  	[sflag:s22] =	ssyncadd.s32 s3;
	_ =	sdelay $0x1  }
0xa1: {  	s23 =	simm.s32 $0x1B8B  }
0xa2: {  	_ =	swait.ge [sflag:s23], $0x1  }
0xa3: {  	[sflag:s23] =	ssyncset.done $0x0  }
0xa4: {  	s25 =	simm.s32 $0x1B8E;
	s24 =	sld [smem:$0x3FFE];
	[sflag:s23] =	ssyncadd.s32 $0xFFFFFFFF  }
0xa5: {  	s26 =	simm.s32 $execute0_lowered;
	[smem:$0x3FD2] =	sst s25  }
0xa6: {  	s4 =	sshll.u32 s26, $0x1;
	_ =	strace $0x8000004C;
	[dreg:$0x1] =	wrdreg $0xFFFFFFFF  }
0xa7: {  	s28 =	simm.s32 $_size_execute0_lowered;
	s2 =	sadd.s32 s2, s4;
	[dreg:$0x0] =	wrdreg $0x0  }
0xa8: {  	s4 =	sshll.u32 s28, $0x1;
	[dreg:$0x2] =	wrdreg s2  }
0xa9: {  	[dreg:$0x3] =	wrdreg s4  }
0xaa: {  	[dreg:$0x4] =	wrdreg $0xC0  }
0xab: {  	_ =	task [dreg:s6], $0x5FFFF  }
0xac: {  	[dreg:$0x1] =	wrdreg $0xFFFFFFFF  }
0xad: {  	[dreg:$0x0] =	wrdreg $0x60  }
0xae: {  	[dreg:$0x2] =	wrdreg s24  }
0xaf: {  	[dreg:$0x3] =	wrdreg $0xA9000  }
0xb0: {  	[dreg:$0x4] =	wrdreg $0x9  }
0xb1: {  	_ =	task.clear_ibuf [dreg:s6], $0x5FFFF;
	_ =	strace $0x9000004C  }
0xb2: {  	s29 =	simm.s32 $0x9;
	_ =	strace $0x8000004E  }
0xb3: {  	_ =	swait.ge [sflag:s29], $0x1  }
0xb4: {  	[sflag:s29] =	ssyncadd.s32 $0xFFFFFFFF  }
0xb5: {  	_ =	strace $0x9000004E  }
0xb6: {  	_ =	sfence  }
0xb7: {  	s30 =	sld [smem:$0x0];
	_ =	sdelay $0x2  }
0xb8: {  	s31 =	sshll.u32 s1, $0xD;
	s1 =	sshrl.u32 s1, $0x2  }
0xb9: {  	s3 =	sand.u32 $0x4000, s31;
	s1 =	sadd.s32 s1, s30  }
0xba: {  	s0 =	sor.u32 s3, s0;
	s1 =	sshll.u32 s1, $0x11  }
0xbb: {  	s0 =	sor.u32 s1, s0  }
0xbc: {  	s0 =	sadd.s32 $0x8F2B, s0  }
0xbd: {  	[sflag:s0] =	ssyncadd.remote.s32 $0x1  }
0xbe: {  	_ =	sfence.sel $0xFFFF  }
0xbf: {  	[dreg:$0x0] =	wrdreg $0xFFFFFFFF;
	(pc) =	sbr.abs _section_cstart, $3  }
0xc0: {  	[dreg:$0x1] =	wrdreg $0xFFFFFFFF  }
0xc1: {  	_ =	task.clear_ibuf [dreg:s6], $0x2FFFF;
	_ =	strace $0x9FFFFFFF  }
0xc2: {  	(tm) =	ssettm $0x7FFFFFFF  }
0xc3: {  	_ =	shalt  }
tec
execute0_lowered:
.L_overlay_start_1:
0x0: {  	(tag) =	ssettag $0x1  }
0x1: {  	s0 =	srdreg.scid;
	s7 =	rddreg [dreg:$0x0]  }
0x2: {  	s30 =	stileid.u32;
	s2 =	rddreg [dreg:$0x1];
	s17 =	simm.s32 $0x2900  }
0x3: {  	s18 =	simm.s32 $0x3;
	s19 =	simm.s32 $0x80;
	s20 =	simm.s32 $0x1  }
0x4: {  	s21 =	simm.s32 $0x2;
	s25 =	simm.s32 $0x0;
	s9 =	smul.u32 $0x14000, s30  }
0x5: {  	s1 =	sand.u32 $0x1, s0;
	s5 =	sadd.s32 $0x17600, s7;
	s10 =	smul.u32 $0x50000, s30  }
0x6: {  	s6 =	sadd.s32 $0xD600, s7;
	s3 =	sshll.u32 s1, $0x4;
	s8 =	smul.u32 $0x140000, s1  }
0x7: {  	s1 =	ssub.s32 $0x2, s1;
	s4 =	sor.u32 s30, s3;
	s3 =	simm.s32 $0x0  }
0x8: {  	s31 =	sshrl.u32 s1, $0x1;
	s10 =	sshrl.u32 s10, $0x2;
	s4 =	smul.u32 $0x2800, s4  }
0x9: {  	[smem:$0x7FF] =	sst s3;
	s8 =	sadd.s32 s9, s8;
	s1 =	ssub.s32 s1, s31  }
0xa: {  	_ =	strace $0x8000004D;
	s8 =	sshrl.u32 s8, $0x3;
	s13 =	sshrl.u32 s4, $0x3  }
0xb: {  	s16 =	smax.u32 s1, $0x1;
	s15 =	sadd.s32 s8, s7;
	s12 =	sadd.s32 s13, s7  }
0xc: {  	s7 =	sadd.s32 s10, s2;
	s13 =	sadd.s32 s6, s13;
	s15 =	sadd.s32 $0x67600, s15  }
0xd: {  	s8 =	sadd.s32 $0x4000, s7;
	s9 =	sadd.s32 $0x8000, s7;
	s10 =	sadd.s32 $0xC000, s7  }
0xe: {  	v0 =	vimm.f32 $0.0e+00;
	s11 =	sadd.s32 $0x10000, s7;
	s12 =	sadd.s32 $0x3600, s12;
	s14 =	sadd.s32 $0x10, s13  }
.LBB2_1:
0xf: {  	s26 =	simm.s32 $0x0;
	s1 =	simm.s32 $0x200  }
.LBB2_2:
0x10: {  	p0 =	sne.s32 s1, $0xFE00;
	[tilespmem:s26+$0x2970] =	vst v0  }
0x11: {  	[tilespmem:s26+$0x2900] =	vst v0  }
0x12: {  	[tilespmem:s26+$0x2910] =	vst v0  }
.Ltmp0:
0x13: {  	[tilespmem:s26+$0x2920] =	vst v0;
	(pc) =	sbr.rel @p0 .LBB2_2-.Ltmp0, $4  }
0x14: {  	[tilespmem:s26+$0x2930] =	vst v0  }
0x15: {  	[tilespmem:s26+$0x2940] =	vst v0  }
0x16: {  	[tilespmem:s26+$0x2950] =	vst v0  }
0x17: {  	[tilespmem:s26+$0x2960] =	vst v0;
	s26 =	sshra.s32 s1, $0x2;
	s1 =	sadd.s32 $0x200, s1  }
0x18: {  	[tilespmem:s26+$0x2970] =	vst v0  }
0x19: {  	[tilespmem:s26+$0x2900] =	vst v0  }
0x1a: {  	[tilespmem:s26+$0x2910] =	vst v0  }
0x1b: {  	[tilespmem:s26+$0x2920] =	vst v0  }
0x1c: {  	[tilespmem:s26+$0x2930] =	vst v0  }
0x1d: {  	[tilespmem:s26+$0x2940] =	vst v0  }
0x1e: {  	[tilespmem:s26+$0x2950] =	vst v0  }
0x1f: {  	[tilespmem:s26+$0x2960] =	vst v0  }
0x20: {  	[spmem:s7] =	stream.linear.scatter [tilespmem:s17], [sflag:$0x1], $0x4000, $0x38;
	[tilespmem:$0x1E900] =	vst v63  }
0x21: {  	_ = 	snop  }
0x22: {  	[spmem:s8] =	stream.linear.scatter [tilespmem:s17], [sflag:$0x1], $0x4000, $0x38;
	[tilespmem:$0x1E900] =	vst v63  }
0x23: {  	_ = 	snop  }
0x24: {  	[spmem:s9] =	stream.linear.scatter [tilespmem:s17], [sflag:$0x1], $0x4000, $0x38;
	[tilespmem:$0x1E900] =	vst v63  }
0x25: {  	_ = 	snop  }
0x26: {  	[spmem:s10] =	stream.linear.scatter [tilespmem:s17], [sflag:$0x1], $0x4000, $0x38;
	[tilespmem:$0x1E900] =	vst v63  }
0x27: {  	_ = 	snop  }
0x28: {  	[spmem:s11] =	stream.linear.scatter [tilespmem:s17], [sflag:$0x1], $0x4000, $0x38;
	[tilespmem:$0x1E900] =	vst v63  }
0x29: {  	s26 =	simm.s32 $0x100  }
0x2a: {  	[tilespmem:s26], [sflag:$0x3] =	stream.linear.gather [hbm4b:s12+s3], $0x2780, $0x38;
	[tilespmem:$0x1E900] =	vst v63  }
0x2b: {  	_ =	swait.ge [sflag:s18], $0x2780  }
0x2c: {  	[sflag:s18] =	ssyncset.done $0x0  }
0x2d: {  	s1 =	simm.s32 $0x1;
	[sflag:s18] =	ssyncadd.s32 $0xFFFFD880  }
0x2e: {  	_ =	swait.ge [sflag:s1], $0x4000  }
0x2f: {  	[sflag:s1] =	ssyncset.done $0x0  }
0x30: {  	[sflag:s1] =	ssyncadd.s32 $0xFFFFC000  }
0x31: {  	_ =	swait.ge [sflag:s1], $0x4000  }
0x32: {  	[sflag:s1] =	ssyncset.done $0x0  }
0x33: {  	[sflag:s1] =	ssyncadd.s32 $0xFFFFC000  }
0x34: {  	_ =	swait.ge [sflag:s1], $0x4000  }
0x35: {  	[sflag:s1] =	ssyncset.done $0x0  }
0x36: {  	[sflag:s1] =	ssyncadd.s32 $0xFFFFC000  }
0x37: {  	_ =	swait.ge [sflag:s1], $0x4000  }
0x38: {  	[sflag:s1] =	ssyncset.done $0x0  }
0x39: {  	[sflag:s1] =	ssyncadd.s32 $0xFFFFC000  }
0x3a: {  	_ =	swait.ge [sflag:s1], $0x4000  }
0x3b: {  	[sflag:s1] =	ssyncset.done $0x0  }
0x3c: {  	[sflag:s1] =	ssyncadd.s32 $0xFFFFC000  }
0x3d: {  	[bflag:$0x0] =	sbarrier.arrive $0xFFFF  }
0x3e: {  	[tilespmem:s3], [sflag:$0x3] =	stream.linear.gather [hbm4b:s13+s3], $0x80, $0x38;
	[tilespmem:$0x1E900] =	vst v63  }
0x3f: {  	_ =	swait.ge [sflag:s18], $0x80  }
0x40: {  	[sflag:s18] =	ssyncset.done $0x0  }
0x41: {  	[sflag:s18] =	ssyncadd.s32 $0xFFFFFF80  }
0x42: {  	[tilespmem:s17], [sflag:$0x1] =	stream.indirect.gather [hbm4b:s5+s19], $0x80, s3, s19, $0xb8;
	[tilespmem:$0x1E900] =	vst v63  }
0x43: {  	_ = 	snop  }
0x44: {  	[tilespmem:s19], [sflag:$0x2] =	stream.linear.gather [hbm4b:s14+s3], $0x80, $0x38;
	[tilespmem:$0x1E900] =	vst v63  }
0x45: {  	s28 =	simm.s32 $0x0;
	s30 =	sand.u32 $0x7C00, s26;
	_ =	swait.ge [sflag:s20], $0x4000  }
0x46: {  	s29 =	sand.u32 $0x380, s26;
	s30 =	sadd.s32 s4, s30;
	[sflag:s20] =	ssyncset.done $0x0  }
0x47: {  	s29 =	sor.u32 s29, s30;
	s30 =	sand.u32 $0x1, s28;
	[sflag:s20] =	ssyncadd.s32 $0xFFFFC000  }
0x48: {  	s29 =	sshrl.u32 s29, $0x3;
	s1 =	sand.u32 $0x1, s1;
	_ =	swait.ge [sflag:s21], $0x80  }
0x49: {  	s24 =	sshll.u32 s30, $0x7;
	s31 =	sshll.u32 s1, $0xE;
	[sflag:s21] =	ssyncset.done $0x0  }
0x4a: {  	s1 =	sshll.u32 s1, $0x7;
	s31 =	sor.u32 $0x2900, s31;
	[sflag:s21] =	ssyncadd.s32 $0xFFFFFF80  }
0x4b: {  	[tilespmem:s31], [sflag:$0x1] =	stream.indirect.gather [hbm4b:s5+s19], $0x80, s1, s19, $0xb8;
	[tilespmem:$0x1E900] =	vst v63  }
0x4c: {  	s28 =	sadd.s32 s6, s29;
	s29 =	simm.s32 $0x180;
	s31 =	sshll.u32 s30, $0xE  }
0x4d: {  	[tilespmem:s24], [sflag:$0x2] =	stream.linear.gather [hbm4b:s28+s3], $0x80, $0x38;
	[tilespmem:$0x1E900] =	vst v63  }
0x4e: {  	s30 =	simm.s32 $0x2;
	s1 =	sor.u32 $0x2900, s31;
	s28 =	simm.s32 $0x180  }
.LBB2_4:
0x4f: {  	[spmem:s2] =	stream.indirect.scatter.add.f32 [tilespmem:s1], [sflag:$0x3], $0x80, s26, s19, $0xb8;
	[tilespmem:$0x1E900] =	vst v63  }
0x50: {  	s1 =	smov.u32 s28;
	s26 =	smov.u32 s29  }
0x51: {  	p0 =	sne.s32 s28, $0x2700;
	s28 =	sadd.s32 $0x80, s28;
	_ =	swait.ge [sflag:s18], $0x4000  }
0x52: {  	[sflag:s18] =	ssyncset.done $0x0  }
0x53: {  	s31 =	sadd.s32 $0xFFFFFFFF, s30;
	[sflag:s18] =	ssyncadd.s32 $0xFFFFC000  }
0x54: {  	s22 =	sand.u32 $0x1, s30;
	s0 =	sand.u32 $0x380, s1;
	_ =	swait.ge [sflag:s20], $0x4000  }
0x55: {  	s1 =	sand.u32 $0x7C00, s1;
	s23 =	sshll.u32 s22, $0xE;
	[sflag:s20] =	ssyncset.done $0x0  }
0x56: {  	s1 =	sadd.s32 s4, s1;
	s23 =	sor.u32 $0x2900, s23;
	[sflag:s20] =	ssyncadd.s32 $0xFFFFC000  }
0x57: {  	s0 =	sor.u32 s0, s1;
	s1 =	sshll.u32 s22, $0x7;
	_ =	swait.ge [sflag:s21], $0x80  }
0x58: {  	s22 =	sand.u32 $0x1, s31;
	s0 =	sshrl.u32 s0, $0x3;
	[sflag:s21] =	ssyncset.done $0x0  }
0x59: {  	s24 =	sshll.u32 s22, $0xE;
	[sflag:s21] =	ssyncadd.s32 $0xFFFFFF80  }
.Ltmp1:
0x5a: {  	s31 =	sshll.u32 s22, $0x7;
	s0 =	sadd.s32 s6, s0;
	(pc) =	sbr.rel @p0 .LBB2_4-.Ltmp1, $4  }
0x5b: {  	[tilespmem:s23], [sflag:$0x1] =	stream.indirect.gather [hbm4b:s5+s19], $0x80, s1, s19, $0xb8;
	[tilespmem:$0x1E900] =	vst v63  }
0x5c: {  	s1 =	sor.u32 $0x2900, s24  }
0x5d: {  	[tilespmem:s31], [sflag:$0x2] =	stream.linear.gather [hbm4b:s0+s3], $0x80, $0x38;
	[tilespmem:$0x1E900] =	vst v63  }
0x5e: {  	s29 =	sadd.s32 $0x80, s29;
	s30 =	sadd.s32 $0x1, s30  }
0x5f: {  	[spmem:s2] =	stream.indirect.scatter.add.f32 [tilespmem:s1], [sflag:$0x3], $0x80, s26, s19, $0xb8;
	[tilespmem:$0x1E900] =	vst v63  }
0x60: {  	_ =	swait.ge [sflag:s18], $0x4000  }
0x61: {  	[sflag:s18] =	ssyncset.done $0x0  }
0x62: {  	[sflag:s18] =	ssyncadd.s32 $0xFFFFC000  }
0x63: {  	_ =	swait.ge [sflag:s20], $0x4000  }
0x64: {  	[sflag:s20] =	ssyncset.done $0x0  }
0x65: {  	[sflag:s20] =	ssyncadd.s32 $0xFFFFC000  }
0x66: {  	_ =	swait.ge [sflag:s21], $0x80  }
0x67: {  	[sflag:s21] =	ssyncset.done $0x0  }
0x68: {  	[sflag:s21] =	ssyncadd.s32 $0xFFFFFF80  }
0x69: {  	[tilespmem:s1], [sflag:$0x1] =	stream.indirect.gather [hbm4b:s5+s19], $0x80, s31, s19, $0xb8;
	[tilespmem:$0x1E900] =	vst v63  }
0x6a: {  	s0 =	simm.s32 $0x2780;
	s28 =	simm.s32 $0x6900  }
0x6b: {  	[spmem:s2] =	stream.indirect.scatter.add.f32 [tilespmem:s28], [sflag:$0x3], $0x80, s0, s19, $0xb8;
	[tilespmem:$0x1E900] =	vst v63  }
0x6c: {  	_ =	swait.ge [sflag:s18], $0x4000  }
0x6d: {  	[sflag:s18] =	ssyncset.done $0x0  }
0x6e: {  	[sflag:s18] =	ssyncadd.s32 $0xFFFFC000  }
0x6f: {  	_ =	swait.ge [sflag:s20], $0x4000  }
0x70: {  	[sflag:s20] =	ssyncset.done $0x0  }
0x71: {  	s29 =	simm.s32 $0x2800;
	[sflag:s20] =	ssyncadd.s32 $0xFFFFC000  }
0x72: {  	[spmem:s2] =	stream.indirect.scatter.add.f32 [tilespmem:s17], [sflag:$0x3], $0x80, s29, s19, $0xb8;
	[tilespmem:$0x1E900] =	vst v63  }
0x73: {  	s25 =	sadd.s32 $0x1, s25;
	_ =	swait.ge [sflag:s18], $0x4000  }
0x74: {  	s30 =	stileid.u32;
	p0 =	sne.s32 s25, s16;
	[sflag:s18] =	ssyncset.done $0x0  }
0x75: {  	s31 =	sshrl.u32 s7, $0x3;
	s0 =	sshll.u32 s30, $0x6;
	[sflag:s18] =	ssyncadd.s32 $0xFFFFC000  }
.Ltmp2:
0x76: {  	s0 =	sor.u32 $0x1C03, s0;
	[bflag:$0x0] =	sbarrier.arrive $0xFFFF;
	(pc) =	sbr.rel @p0 .LBB2_1-.Ltmp2, $4  }
0x77: {  	[hbm:s15], [sflag:s0] =	dma.local [spmem:s31], $0x2800  }
0x78: {  	_ =	swait.ge [sflag:s18], $0x2800  }
0x79: {  	[sflag:s18] =	ssyncset.done $0x0  }
0x7a: {  	[sflag:s18] =	ssyncadd.s32 $0xFFFFD800  }
0x7b: {  	_ =	sfence.sel $0x180000  }
0x7c: {  	[bflag:$0x0] =	sbarrier.arrive $0xFFFF  }
0x7d: {  	_ =	strace $0x9000004D  }
0x7e: {  	s0 =	stileid.u32;
	[bflag:$0x2] =	sbarrier.arrive $0xFFFF  }
0x7f: {  	p0 =	sne.s32 s0, $0x0;
	s0 =	rddreg [dreg:$0x2]  }
0x80: {  	s0 =	sadd.s32 @!p0 $0x100000, s0  }
0x81: {  	[sflag:s0] =	ssyncadd.tile.s32 @!p0 $0x1;
	_ =	shalt  }
.Lfunc_end2:
_tile_overlayer_lowered:
.L_overlay_start_2:
0x82: {  	(tag) =	ssettag $0x2  }
0x83: {  	s0 =	rddreg [dreg:$0x0];
	s2 =	stileid.u32  }
0x84: {  	s1 =	rddreg [dreg:$0x1];
	p0 =	sne.s32 s2, $0x0  }
0x85: {  	s3 =	rddreg [dreg:$0x2];
	[bflag:$0x3] =	sbarrier.arrive $0xFFFF;
	s2 =	simm.s32 @!p0 $0x1C03  }
0x86: {  	[timem:s3], [sflag:s2] =	dma.local @!p0 [hbm:s0], s1  }
0x87: {  	s0 =	simm.s32 @!p0 $0x3  }
0x88: {  	_ =	swait.ge @!p0 [sflag:s0], s1  }
0x89: {  	s1 =	ssub.s32 @!p0 $0x0, s1;
	[sflag:s0] =	ssyncset.done @!p0 $0x0  }
0x8a: {  	[sflag:s0] =	ssyncadd.s32 @!p0 s1  }
0x8b: {  	[bflag:$0x3] =	sbarrier.arrive $0xFFFF  }
0x8c: {  	_ =	shalt  }

// kernel: kernel.18.cloned.1.call-start
scs
__scs_entry_jumppad:
0x0: {  	(pc) =	sbr.rel $0x88, $3  }
0x1: {  	(tag) =	ssettag $0x0;
	lr =	simm.s32 $0x1  }
0x2: {  	[smem:$0x3F92] =	sst lr;
	_ =	strace $0xD0000000  }
0x3: {  	_ = 	snop  }
0x4: {  	_ = 	snop  }
0x5: {  	_ = 	snop  }
0x6: {  	_ = 	snop  }
0x7: {  	_ = 	snop  }
__scs_overlays_trampoline_lowered:
0x8: {  	[smem:$0x3FA1] =	sst s0  }
0x9: {  	[smem:$0x3FA2] =	sst s1  }
0xa: {  	[smem:$0x3FA3] =	sst s2  }
0xb: {  	[smem:$0x3FA4] =	sst s3  }
0xc: {  	[smem:$0x3FA5] =	sst s4  }
0xd: {  	[smem:$0x3FA6] =	sst s5  }
0xe: {  	[smem:$0x3FA7] =	sst s6  }
0xf: {  	[smem:$0x3FA8] =	sst s7  }
0x10: {  	[smem:$0x3FA9] =	sst s8  }
0x11: {  	[smem:$0x3FAA] =	sst s9;
	s0 =	simm.s32 @!p0 $0x0  }
0x12: {  	s1 =	sld [smem:$0x3F90];
	s0 =	simm.s32 @p0 $0x1  }
0x13: {  	[smem:$0x3FAB] =	sst s0;
	s0 =	simm.s32 @!p1 $0x0  }
0x14: {  	s2 =	sld [smem:$0x3F8F];
	s0 =	simm.s32 @p1 $0x1  }
0x15: {  	[smem:$0x3FAC] =	sst s0;
	s0 =	simm.s32 @!p2 $0x0  }
0x16: {  	s3 =	sld [smem:$0x3FDB];
	s0 =	simm.s32 @p2 $0x1  }
0x17: {  	s4 =	simm.s32 $0x1BF5;
	[smem:$0x3FAE] =	sst s0  }
0x18: {  	s0 =	sld [smem:$0x3F91];
	_ =	swait.ge [sflag:s4], $0x0  }
0x19: {  	s7 =	sld [smem:$0x3F92]  }
0x1a: {  	s8 =	sadd.s32 $0xFFFFE003, lr  }
0x1b: {  	s9 =	sadd.s32 $0xFFFFFEF7, lr;
	s5 =	simm.s32 $0xFFFFFFFF;
	p2 =	slt.u32 s8, $0xFFFFF086  }
0x1c: {  	p1 =	slt.u32 s9, $0xF7A;
	s5 =	simm.s32 @!p2 $0x0  }
0x1d: {  	s5 =	simm.s32 @p1 $0x1;
	p0 =	seq.s32 s7, s2  }
0x1e: {  	s7 =	smul.u32 @!p0 $0xF7A, s2;
	p2 =	seq.s32 @!p0 s5, $0x0  }
0x1f: {  	s9 =	smul.u32 $0xF7A, s1;
	s8 =	simm.s32 @!p0 $0x1BF5;
	p2 =	por !p2, p0  }
0x20: {  	[sflag:s8] =	ssyncset.s32 @!p0 $0xFFFFF086;
	s6 =	sadd.s32 @!p0 s3, s7;
	s7 =	simm.s32 @!p0 $0x108  }
0x21: {  	s3 =	sadd.s32 s3, s9;
	s6 =	sadd.s32 @!p0 $0x88, s6;
	s7 =	simm.s32 @p2 $0x1082  }
0x22: {  	[simem:s7], [sflag:s8] =	dma.local @!p0 [hbm:s6], $0xF7A  }
0x23: {  	s9 =	sor.u32 $0xD0000000, s2;
	s6 =	simm.s32 $0x108;
	_ =	swait.ge @!p0 [sflag:s8], $0x0  }
0x24: {  	s3 =	sadd.s32 $0x88, s3;
	s6 =	simm.s32 @!p1 $0x1082;
	[sflag:s4] =	ssyncset.s32 $0xFFFFF086  }
0x25: {  	[simem:s6], [sflag:s4] =	dma.local [hbm:s3], $0xF7A  }
0x26: {  	[smem:$0x3F92] =	sst s1;
	(tag) =	ssettag s2;
	_ =	strace s9  }
0x27: {  	s1 =	sld [smem:$0x3FA2]  }
0x28: {  	s2 =	sld [smem:$0x3FA3]  }
0x29: {  	s4 =	sld [smem:$0x3FA5]  }
0x2a: {  	p0 =	seq.s32 s5, $0x0;
	s5 =	sld [smem:$0x3FA6]  }
0x2b: {  	s6 =	sld [smem:$0x3FA7]  }
0x2c: {  	s7 =	sld [smem:$0x3FA8]  }
0x2d: {  	s3 =	simm.s32 $0x108;
	s8 =	sld [smem:$0x3FA9]  }
0x2e: {  	s3 =	simm.s32 @!p0 $0x1082;
	s9 =	sld [smem:$0x3FAA]  }
0x2f: {  	lr =	sadd.s32 s0, s3;
	s0 =	sld [smem:$0x3FA1]  }
0x30: {  	s3 =	sld [smem:$0x3FA4]  }
0x31: {  	[smem:$0x3FAD] =	sst s10  }
0x32: {  	s10 =	sld [smem:$0x3FAB];
	_ =	sdelay $0x3  }
0x33: {  	p0 =	seq.s32 s10, $0x1;
	s10 =	sld [smem:$0x3FAD];
	_ =	sdelay $0x3  }
0x34: {  	[smem:$0x3FAD] =	sst s10  }
0x35: {  	s10 =	sld [smem:$0x3FAC];
	_ =	sdelay $0x3  }
0x36: {  	p1 =	seq.s32 s10, $0x1;
	s10 =	sld [smem:$0x3FAD];
	_ =	sdelay $0x3  }
0x37: {  	[smem:$0x3FAD] =	sst s10  }
0x38: {  	s10 =	sld [smem:$0x3FAE]  }
0x39: {  	_ = 	snop;
	(pc) =	sbr.ind lr, $3  }
0x3a: {  	_ = 	snop  }
0x3b: {  	_ = 	snop  }
0x3c: {  	p2 =	seq.s32 s10, $0x1;
	s10 =	sld [smem:$0x3FAD]  }
0x3d: {  	_ =	shalt  }
0x3e: {  	_ =	shalt  }
0x3f: {  	_ =	shalt  }
0x40: {  	_ =	shalt  }
0x41: {  	_ =	shalt  }
0x42: {  	_ =	shalt  }
0x43: {  	_ =	shalt  }
0x44: {  	_ =	shalt  }
0x45: {  	_ =	shalt  }
0x46: {  	_ =	shalt  }
0x47: {  	_ =	shalt  }
0x48: {  	_ =	shalt  }
0x49: {  	_ =	shalt  }
0x4a: {  	_ =	shalt  }
0x4b: {  	_ =	shalt  }
0x4c: {  	_ =	shalt  }
0x4d: {  	_ =	shalt  }
0x4e: {  	_ =	shalt  }
0x4f: {  	_ =	shalt  }
0x50: {  	_ =	shalt  }
0x51: {  	_ =	shalt  }
0x52: {  	_ =	shalt  }
0x53: {  	_ =	shalt  }
0x54: {  	_ =	shalt  }
0x55: {  	_ =	shalt  }
0x56: {  	_ =	shalt  }
0x57: {  	_ =	shalt  }
0x58: {  	_ =	shalt  }
0x59: {  	_ =	shalt  }
0x5a: {  	_ =	shalt  }
0x5b: {  	_ =	shalt  }
0x5c: {  	_ =	shalt  }
0x5d: {  	_ =	shalt  }
0x5e: {  	_ =	shalt  }
0x5f: {  	_ =	shalt  }
0x60: {  	_ =	shalt  }
0x61: {  	_ =	shalt  }
0x62: {  	_ =	shalt  }
0x63: {  	_ =	shalt  }
0x64: {  	_ =	shalt  }
0x65: {  	_ =	shalt  }
0x66: {  	_ =	shalt  }
0x67: {  	_ =	shalt  }
0x68: {  	_ =	shalt  }
0x69: {  	_ =	shalt  }
0x6a: {  	_ =	shalt  }
0x6b: {  	_ =	shalt  }
0x6c: {  	_ =	shalt  }
0x6d: {  	_ =	shalt  }
0x6e: {  	_ =	shalt  }
0x6f: {  	_ =	shalt  }
0x70: {  	_ =	shalt  }
0x71: {  	_ =	shalt  }
0x72: {  	_ =	shalt  }
0x73: {  	_ =	shalt  }
0x74: {  	_ =	shalt  }
0x75: {  	_ =	shalt  }
0x76: {  	_ =	shalt  }
0x77: {  	_ =	shalt  }
0x78: {  	_ =	shalt  }
0x79: {  	_ =	shalt  }
0x7a: {  	_ =	shalt  }
0x7b: {  	_ =	shalt  }
0x7c: {  	_ =	shalt  }
0x7d: {  	_ =	shalt  }
0x7e: {  	_ =	shalt  }
0x7f: {  	_ =	shalt  }
0x80: {  	_ =	shalt  }
0x81: {  	_ =	shalt  }
0x82: {  	_ =	shalt  }
0x83: {  	_ =	shalt  }
0x84: {  	_ =	shalt  }
0x85: {  	_ =	shalt  }
0x86: {  	_ =	shalt  }
0x87: {  	_ =	shalt  }
.Lfunc_end0:
.L_simem_size_0:
called_computation.3_lowered:
.L_overlay_start_0:
0x88: {  	s2 =	sld [smem:$0x3FD9]  }
0x89: {  	s3 =	sld [smem:$0x3FFE];
	_ =	sdelay $0x1  }
0x8a: {  	s1 =	srdreg.scid  }
0x8b: {  	s0 =	sand.u32 $0x1, s1  }
0x8c: {  	s16 =	sshll.u32 s0, $0xA;
	s2 =	sadd.s32 s3, s2  }
0x8d: {  	s2 =	sadd.s32 s2, s16  }
0x8e: {  	[smem:$0x3FB9] =	sst s2  }
0x8f: {  	_ = 	snop  }
0x90: {  	(tm) =	ssettm $0x1  }
0x91: {  	s17 =	sld [smem:$0x3FFB];
	_ =	sdelay $0x3  }
0x92: {  	_ =	strace s17  }
0x93: {  	s2 =	sld [smem:$0x3FFC];
	_ =	sdelay $0x3  }
0x94: {  	_ =	strace s2  }
0x95: {  	s2 =	sld [smem:$0x3FFD];
	_ =	sdelay $0x3  }
0x96: {  	_ =	strace s2  }
0x97: {  	_ =	strace $0x8FFFFFFF  }
0x98: {  	s18 =	sld [smem:$0x3FDB];
	_ =	sdelay $0x1  }
0x99: {  	s19 =	simm.s32 $_scs_section_size  }
0x9a: {  	s4 =	simm.s32 $_size__tile_overlayer_lowered;
	s5 =	simm.s32 $_tile_overlayer_lowered  }
0x9b: {  	s22 =	simm.s32 $0x1BFF;
	s21 =	sshll.u32 s5, $0x1;
	s2 =	sadd.s32 s19, s18  }
0x9c: {  	s6 =	simm.s32 $0x0;
	s20 =	sshll.u32 s4, $0x1;
	s4 =	sadd.s32 s21, s2  }
0x9d: {  	[timem:s6], [sflag:s22] =	dma.local [hbm:s4], s20  }
0x9e: {  	_ =	swait.ge [sflag:s22], s20  }
0x9f: {  	s3 =	ssub.s32 $0x0, s20;
	[sflag:s22] =	ssyncset.done $0x0  }
0xa0: {  	[sflag:s22] =	ssyncadd.s32 s3;
	_ =	sdelay $0x1  }
0xa1: {  	s23 =	simm.s32 $0x1B8B  }
0xa2: {  	_ =	swait.ge [sflag:s23], $0x1  }
0xa3: {  	[sflag:s23] =	ssyncset.done $0x0  }
0xa4: {  	s25 =	simm.s32 $0x1B8E;
	s24 =	sld [smem:$0x3FFE];
	[sflag:s23] =	ssyncadd.s32 $0xFFFFFFFF  }
0xa5: {  	s26 =	simm.s32 $execute0_lowered;
	[smem:$0x3FD2] =	sst s25  }
0xa6: {  	s4 =	sshll.u32 s26, $0x1;
	_ =	strace $0x8000004F;
	[dreg:$0x1] =	wrdreg $0xFFFFFFFF  }
0xa7: {  	s28 =	simm.s32 $_size_execute0_lowered;
	s2 =	sadd.s32 s2, s4;
	[dreg:$0x0] =	wrdreg $0x0  }
0xa8: {  	s4 =	sshll.u32 s28, $0x1;
	[dreg:$0x2] =	wrdreg s2  }
0xa9: {  	[dreg:$0x3] =	wrdreg s4  }
0xaa: {  	[dreg:$0x4] =	wrdreg $0xC0  }
0xab: {  	_ =	task [dreg:s6], $0x5FFFF  }
0xac: {  	[dreg:$0x1] =	wrdreg $0xFFFFFFFF  }
0xad: {  	[dreg:$0x0] =	wrdreg $0x60  }
0xae: {  	[dreg:$0x2] =	wrdreg s24  }
0xaf: {  	[dreg:$0x3] =	wrdreg $0xA9000  }
0xb0: {  	[dreg:$0x4] =	wrdreg $0x9  }
0xb1: {  	_ =	task.clear_ibuf [dreg:s6], $0x5FFFF;
	_ =	strace $0x9000004F  }
0xb2: {  	s29 =	simm.s32 $0x9;
	_ =	strace $0x80000051  }
0xb3: {  	_ =	swait.ge [sflag:s29], $0x1  }
0xb4: {  	[sflag:s29] =	ssyncadd.s32 $0xFFFFFFFF  }
0xb5: {  	_ =	strace $0x90000051  }
0xb6: {  	_ =	sfence  }
0xb7: {  	s30 =	sld [smem:$0x0];
	_ =	sdelay $0x2  }
0xb8: {  	s31 =	sshll.u32 s1, $0xD;
	s1 =	sshrl.u32 s1, $0x2  }
0xb9: {  	s3 =	sand.u32 $0x4000, s31;
	s1 =	sadd.s32 s1, s30  }
0xba: {  	s0 =	sor.u32 s3, s0;
	s1 =	sshll.u32 s1, $0x11  }
0xbb: {  	s0 =	sor.u32 s1, s0  }
0xbc: {  	s0 =	sadd.s32 $0x8F2B, s0  }
0xbd: {  	[sflag:s0] =	ssyncadd.remote.s32 $0x1  }
0xbe: {  	_ =	sfence.sel $0xFFFF  }
0xbf: {  	[dreg:$0x0] =	wrdreg $0xFFFFFFFF;
	(pc) =	sbr.abs _section_cstart, $3  }
0xc0: {  	[dreg:$0x1] =	wrdreg $0xFFFFFFFF  }
0xc1: {  	_ =	task.clear_ibuf [dreg:s6], $0x2FFFF;
	_ =	strace $0x9FFFFFFF  }
0xc2: {  	(tm) =	ssettm $0x7FFFFFFF  }
0xc3: {  	_ =	shalt  }
tec
execute0_lowered:
.L_overlay_start_1:
0x0: {  	(tag) =	ssettag $0x1  }
0x1: {  	s0 =	srdreg.scid;
	s7 =	rddreg [dreg:$0x0]  }
0x2: {  	s30 =	stileid.u32;
	s2 =	rddreg [dreg:$0x1];
	s17 =	simm.s32 $0x2900  }
0x3: {  	s18 =	simm.s32 $0x3;
	s19 =	simm.s32 $0x80;
	s20 =	simm.s32 $0x1  }
0x4: {  	s21 =	simm.s32 $0x2;
	s25 =	simm.s32 $0x0;
	s9 =	smul.u32 $0x14000, s30  }
0x5: {  	s1 =	sand.u32 $0x1, s0;
	s5 =	sadd.s32 $0x17600, s7;
	s10 =	smul.u32 $0x50000, s30  }
0x6: {  	s6 =	sadd.s32 $0xD600, s7;
	s3 =	sshll.u32 s1, $0x4;
	s8 =	smul.u32 $0x140000, s1  }
0x7: {  	s1 =	ssub.s32 $0x2, s1;
	s4 =	sor.u32 s30, s3;
	s3 =	simm.s32 $0x0  }
0x8: {  	s31 =	sshrl.u32 s1, $0x1;
	s10 =	sshrl.u32 s10, $0x2;
	s4 =	smul.u32 $0x2800, s4  }
0x9: {  	[smem:$0x7FF] =	sst s3;
	s8 =	sadd.s32 s9, s8;
	s1 =	ssub.s32 s1, s31  }
0xa: {  	_ =	strace $0x80000050;
	s8 =	sshrl.u32 s8, $0x3;
	s13 =	sshrl.u32 s4, $0x3  }
0xb: {  	s16 =	smax.u32 s1, $0x1;
	s15 =	sadd.s32 s8, s7;
	s12 =	sadd.s32 s13, s7  }
0xc: {  	s7 =	sadd.s32 s10, s2;
	s13 =	sadd.s32 s6, s13;
	s15 =	sadd.s32 $0x67600, s15  }
0xd: {  	s8 =	sadd.s32 $0x4000, s7;
	s9 =	sadd.s32 $0x8000, s7;
	s10 =	sadd.s32 $0xC000, s7  }
0xe: {  	v0 =	vimm.f32 $0.0e+00;
	s11 =	sadd.s32 $0x10000, s7;
	s12 =	sadd.s32 $0x3600, s12;
	s14 =	sadd.s32 $0x10, s13  }
.LBB2_1:
0xf: {  	s26 =	simm.s32 $0x0;
	s1 =	simm.s32 $0x200  }
.LBB2_2:
0x10: {  	p0 =	sne.s32 s1, $0xFE00;
	[tilespmem:s26+$0x2970] =	vst v0  }
0x11: {  	[tilespmem:s26+$0x2900] =	vst v0  }
0x12: {  	[tilespmem:s26+$0x2910] =	vst v0  }
.Ltmp0:
0x13: {  	[tilespmem:s26+$0x2920] =	vst v0;
	(pc) =	sbr.rel @p0 .LBB2_2-.Ltmp0, $4  }
0x14: {  	[tilespmem:s26+$0x2930] =	vst v0  }
0x15: {  	[tilespmem:s26+$0x2940] =	vst v0  }
0x16: {  	[tilespmem:s26+$0x2950] =	vst v0  }
0x17: {  	[tilespmem:s26+$0x2960] =	vst v0;
	s26 =	sshra.s32 s1, $0x2;
	s1 =	sadd.s32 $0x200, s1  }
0x18: {  	[tilespmem:s26+$0x2970] =	vst v0  }
0x19: {  	[tilespmem:s26+$0x2900] =	vst v0  }
0x1a: {  	[tilespmem:s26+$0x2910] =	vst v0  }
0x1b: {  	[tilespmem:s26+$0x2920] =	vst v0  }
0x1c: {  	[tilespmem:s26+$0x2930] =	vst v0  }
0x1d: {  	[tilespmem:s26+$0x2940] =	vst v0  }
0x1e: {  	[tilespmem:s26+$0x2950] =	vst v0  }
0x1f: {  	[tilespmem:s26+$0x2960] =	vst v0  }
0x20: {  	[spmem:s7] =	stream.linear.scatter [tilespmem:s17], [sflag:$0x1], $0x4000, $0x38;
	[tilespmem:$0x1E900] =	vst v63  }
0x21: {  	_ = 	snop  }
0x22: {  	[spmem:s8] =	stream.linear.scatter [tilespmem:s17], [sflag:$0x1], $0x4000, $0x38;
	[tilespmem:$0x1E900] =	vst v63  }
0x23: {  	_ = 	snop  }
0x24: {  	[spmem:s9] =	stream.linear.scatter [tilespmem:s17], [sflag:$0x1], $0x4000, $0x38;
	[tilespmem:$0x1E900] =	vst v63  }
0x25: {  	_ = 	snop  }
0x26: {  	[spmem:s10] =	stream.linear.scatter [tilespmem:s17], [sflag:$0x1], $0x4000, $0x38;
	[tilespmem:$0x1E900] =	vst v63  }
0x27: {  	_ = 	snop  }
0x28: {  	[spmem:s11] =	stream.linear.scatter [tilespmem:s17], [sflag:$0x1], $0x4000, $0x38;
	[tilespmem:$0x1E900] =	vst v63  }
0x29: {  	s26 =	simm.s32 $0x100  }
0x2a: {  	[tilespmem:s26], [sflag:$0x3] =	stream.linear.gather [hbm4b:s12+s3], $0x2780, $0x38;
	[tilespmem:$0x1E900] =	vst v63  }
0x2b: {  	_ =	swait.ge [sflag:s18], $0x2780  }
0x2c: {  	[sflag:s18] =	ssyncset.done $0x0  }
0x2d: {  	s1 =	simm.s32 $0x1;
	[sflag:s18] =	ssyncadd.s32 $0xFFFFD880  }
0x2e: {  	_ =	swait.ge [sflag:s1], $0x4000  }
0x2f: {  	[sflag:s1] =	ssyncset.done $0x0  }
0x30: {  	[sflag:s1] =	ssyncadd.s32 $0xFFFFC000  }
0x31: {  	_ =	swait.ge [sflag:s1], $0x4000  }
0x32: {  	[sflag:s1] =	ssyncset.done $0x0  }
0x33: {  	[sflag:s1] =	ssyncadd.s32 $0xFFFFC000  }
0x34: {  	_ =	swait.ge [sflag:s1], $0x4000  }
0x35: {  	[sflag:s1] =	ssyncset.done $0x0  }
0x36: {  	[sflag:s1] =	ssyncadd.s32 $0xFFFFC000  }
0x37: {  	_ =	swait.ge [sflag:s1], $0x4000  }
0x38: {  	[sflag:s1] =	ssyncset.done $0x0  }
0x39: {  	[sflag:s1] =	ssyncadd.s32 $0xFFFFC000  }
0x3a: {  	_ =	swait.ge [sflag:s1], $0x4000  }
0x3b: {  	[sflag:s1] =	ssyncset.done $0x0  }
0x3c: {  	[sflag:s1] =	ssyncadd.s32 $0xFFFFC000  }
0x3d: {  	[bflag:$0x0] =	sbarrier.arrive $0xFFFF  }
0x3e: {  	[tilespmem:s3], [sflag:$0x3] =	stream.linear.gather [hbm4b:s13+s3], $0x80, $0x38;
	[tilespmem:$0x1E900] =	vst v63  }
0x3f: {  	_ =	swait.ge [sflag:s18], $0x80  }
0x40: {  	[sflag:s18] =	ssyncset.done $0x0  }
0x41: {  	[sflag:s18] =	ssyncadd.s32 $0xFFFFFF80  }
0x42: {  	[tilespmem:s17], [sflag:$0x1] =	stream.indirect.gather [hbm4b:s5+s19], $0x80, s3, s19, $0xb8;
	[tilespmem:$0x1E900] =	vst v63  }
0x43: {  	_ = 	snop  }
0x44: {  	[tilespmem:s19], [sflag:$0x2] =	stream.linear.gather [hbm4b:s14+s3], $0x80, $0x38;
	[tilespmem:$0x1E900] =	vst v63  }
0x45: {  	s28 =	simm.s32 $0x0;
	s30 =	sand.u32 $0x7C00, s26;
	_ =	swait.ge [sflag:s20], $0x4000  }
0x46: {  	s29 =	sand.u32 $0x380, s26;
	s30 =	sadd.s32 s4, s30;
	[sflag:s20] =	ssyncset.done $0x0  }
0x47: {  	s29 =	sor.u32 s29, s30;
	s30 =	sand.u32 $0x1, s28;
	[sflag:s20] =	ssyncadd.s32 $0xFFFFC000  }
0x48: {  	s29 =	sshrl.u32 s29, $0x3;
	s1 =	sand.u32 $0x1, s1;
	_ =	swait.ge [sflag:s21], $0x80  }
0x49: {  	s24 =	sshll.u32 s30, $0x7;
	s31 =	sshll.u32 s1, $0xE;
	[sflag:s21] =	ssyncset.done $0x0  }
0x4a: {  	s1 =	sshll.u32 s1, $0x7;
	s31 =	sor.u32 $0x2900, s31;
	[sflag:s21] =	ssyncadd.s32 $0xFFFFFF80  }
0x4b: {  	[tilespmem:s31], [sflag:$0x1] =	stream.indirect.gather [hbm4b:s5+s19], $0x80, s1, s19, $0xb8;
	[tilespmem:$0x1E900] =	vst v63  }
0x4c: {  	s28 =	sadd.s32 s6, s29;
	s29 =	simm.s32 $0x180;
	s31 =	sshll.u32 s30, $0xE  }
0x4d: {  	[tilespmem:s24], [sflag:$0x2] =	stream.linear.gather [hbm4b:s28+s3], $0x80, $0x38;
	[tilespmem:$0x1E900] =	vst v63  }
0x4e: {  	s30 =	simm.s32 $0x2;
	s1 =	sor.u32 $0x2900, s31;
	s28 =	simm.s32 $0x180  }
.LBB2_4:
0x4f: {  	[spmem:s2] =	stream.indirect.scatter.add.f32 [tilespmem:s1], [sflag:$0x3], $0x80, s26, s19, $0xb8;
	[tilespmem:$0x1E900] =	vst v63  }
0x50: {  	s1 =	smov.u32 s28;
	s26 =	smov.u32 s29  }
0x51: {  	p0 =	sne.s32 s28, $0x2700;
	s28 =	sadd.s32 $0x80, s28;
	_ =	swait.ge [sflag:s18], $0x4000  }
0x52: {  	[sflag:s18] =	ssyncset.done $0x0  }
0x53: {  	s31 =	sadd.s32 $0xFFFFFFFF, s30;
	[sflag:s18] =	ssyncadd.s32 $0xFFFFC000  }
0x54: {  	s22 =	sand.u32 $0x1, s30;
	s0 =	sand.u32 $0x380, s1;
	_ =	swait.ge [sflag:s20], $0x4000  }
0x55: {  	s1 =	sand.u32 $0x7C00, s1;
	s23 =	sshll.u32 s22, $0xE;
	[sflag:s20] =	ssyncset.done $0x0  }
0x56: {  	s1 =	sadd.s32 s4, s1;
	s23 =	sor.u32 $0x2900, s23;
	[sflag:s20] =	ssyncadd.s32 $0xFFFFC000  }
0x57: {  	s0 =	sor.u32 s0, s1;
	s1 =	sshll.u32 s22, $0x7;
	_ =	swait.ge [sflag:s21], $0x80  }
0x58: {  	s22 =	sand.u32 $0x1, s31;
	s0 =	sshrl.u32 s0, $0x3;
	[sflag:s21] =	ssyncset.done $0x0  }
0x59: {  	s24 =	sshll.u32 s22, $0xE;
	[sflag:s21] =	ssyncadd.s32 $0xFFFFFF80  }
.Ltmp1:
0x5a: {  	s31 =	sshll.u32 s22, $0x7;
	s0 =	sadd.s32 s6, s0;
	(pc) =	sbr.rel @p0 .LBB2_4-.Ltmp1, $4  }
0x5b: {  	[tilespmem:s23], [sflag:$0x1] =	stream.indirect.gather [hbm4b:s5+s19], $0x80, s1, s19, $0xb8;
	[tilespmem:$0x1E900] =	vst v63  }
0x5c: {  	s1 =	sor.u32 $0x2900, s24  }
0x5d: {  	[tilespmem:s31], [sflag:$0x2] =	stream.linear.gather [hbm4b:s0+s3], $0x80, $0x38;
	[tilespmem:$0x1E900] =	vst v63  }
0x5e: {  	s29 =	sadd.s32 $0x80, s29;
	s30 =	sadd.s32 $0x1, s30  }
0x5f: {  	[spmem:s2] =	stream.indirect.scatter.add.f32 [tilespmem:s1], [sflag:$0x3], $0x80, s26, s19, $0xb8;
	[tilespmem:$0x1E900] =	vst v63  }
0x60: {  	_ =	swait.ge [sflag:s18], $0x4000  }
0x61: {  	[sflag:s18] =	ssyncset.done $0x0  }
0x62: {  	[sflag:s18] =	ssyncadd.s32 $0xFFFFC000  }
0x63: {  	_ =	swait.ge [sflag:s20], $0x4000  }
0x64: {  	[sflag:s20] =	ssyncset.done $0x0  }
0x65: {  	[sflag:s20] =	ssyncadd.s32 $0xFFFFC000  }
0x66: {  	_ =	swait.ge [sflag:s21], $0x80  }
0x67: {  	[sflag:s21] =	ssyncset.done $0x0  }
0x68: {  	[sflag:s21] =	ssyncadd.s32 $0xFFFFFF80  }
0x69: {  	[tilespmem:s1], [sflag:$0x1] =	stream.indirect.gather [hbm4b:s5+s19], $0x80, s31, s19, $0xb8;
	[tilespmem:$0x1E900] =	vst v63  }
0x6a: {  	s0 =	simm.s32 $0x2780;
	s28 =	simm.s32 $0x6900  }
0x6b: {  	[spmem:s2] =	stream.indirect.scatter.add.f32 [tilespmem:s28], [sflag:$0x3], $0x80, s0, s19, $0xb8;
	[tilespmem:$0x1E900] =	vst v63  }
0x6c: {  	_ =	swait.ge [sflag:s18], $0x4000  }
0x6d: {  	[sflag:s18] =	ssyncset.done $0x0  }
0x6e: {  	[sflag:s18] =	ssyncadd.s32 $0xFFFFC000  }
0x6f: {  	_ =	swait.ge [sflag:s20], $0x4000  }
0x70: {  	[sflag:s20] =	ssyncset.done $0x0  }
0x71: {  	s29 =	simm.s32 $0x2800;
	[sflag:s20] =	ssyncadd.s32 $0xFFFFC000  }
0x72: {  	[spmem:s2] =	stream.indirect.scatter.add.f32 [tilespmem:s17], [sflag:$0x3], $0x80, s29, s19, $0xb8;
	[tilespmem:$0x1E900] =	vst v63  }
0x73: {  	s25 =	sadd.s32 $0x1, s25;
	_ =	swait.ge [sflag:s18], $0x4000  }
0x74: {  	s30 =	stileid.u32;
	p0 =	sne.s32 s25, s16;
	[sflag:s18] =	ssyncset.done $0x0  }
0x75: {  	s31 =	sshrl.u32 s7, $0x3;
	s0 =	sshll.u32 s30, $0x6;
	[sflag:s18] =	ssyncadd.s32 $0xFFFFC000  }
.Ltmp2:
0x76: {  	s0 =	sor.u32 $0x1C03, s0;
	[bflag:$0x0] =	sbarrier.arrive $0xFFFF;
	(pc) =	sbr.rel @p0 .LBB2_1-.Ltmp2, $4  }
0x77: {  	[hbm:s15], [sflag:s0] =	dma.local [spmem:s31], $0x2800  }
0x78: {  	_ =	swait.ge [sflag:s18], $0x2800  }
0x79: {  	[sflag:s18] =	ssyncset.done $0x0  }
0x7a: {  	[sflag:s18] =	ssyncadd.s32 $0xFFFFD800  }
0x7b: {  	_ =	sfence.sel $0x180000  }
0x7c: {  	[bflag:$0x0] =	sbarrier.arrive $0xFFFF  }
0x7d: {  	_ =	strace $0x90000050  }
0x7e: {  	s0 =	stileid.u32;
	[bflag:$0x2] =	sbarrier.arrive $0xFFFF  }
0x7f: {  	p0 =	sne.s32 s0, $0x0;
	s0 =	rddreg [dreg:$0x2]  }
0x80: {  	s0 =	sadd.s32 @!p0 $0x100000, s0  }
0x81: {  	[sflag:s0] =	ssyncadd.tile.s32 @!p0 $0x1;
	_ =	shalt  }
.Lfunc_end2:
_tile_overlayer_lowered:
.L_overlay_start_2:
0x82: {  	(tag) =	ssettag $0x2  }
0x83: {  	s0 =	rddreg [dreg:$0x0];
	s2 =	stileid.u32  }
0x84: {  	s1 =	rddreg [dreg:$0x1];
	p0 =	sne.s32 s2, $0x0  }
0x85: {  	s3 =	rddreg [dreg:$0x2];
	[bflag:$0x3] =	sbarrier.arrive $0xFFFF;
	s2 =	simm.s32 @!p0 $0x1C03  }
0x86: {  	[timem:s3], [sflag:s2] =	dma.local @!p0 [hbm:s0], s1  }
0x87: {  	s0 =	simm.s32 @!p0 $0x3  }
0x88: {  	_ =	swait.ge @!p0 [sflag:s0], s1  }
0x89: {  	s1 =	ssub.s32 @!p0 $0x0, s1;
	[sflag:s0] =	ssyncset.done @!p0 $0x0  }
0x8a: {  	[sflag:s0] =	ssyncadd.s32 @!p0 s1  }
0x8b: {  	[bflag:$0x3] =	sbarrier.arrive $0xFFFF  }
0x8c: {  	_ =	shalt  }

// kernel: kernel.9.cloned.1.call-start
scs
__scs_entry_jumppad:
0x0: {  	(pc) =	sbr.rel $0x88, $3  }
0x1: {  	(tag) =	ssettag $0x0;
	lr =	simm.s32 $0x1  }
0x2: {  	[smem:$0x3F92] =	sst lr;
	_ =	strace $0xD0000000  }
0x3: {  	_ = 	snop  }
0x4: {  	_ = 	snop  }
0x5: {  	_ = 	snop  }
0x6: {  	_ = 	snop  }
0x7: {  	_ = 	snop  }
__scs_overlays_trampoline_lowered:
0x8: {  	[smem:$0x3FA1] =	sst s0  }
0x9: {  	[smem:$0x3FA2] =	sst s1  }
0xa: {  	[smem:$0x3FA3] =	sst s2  }
0xb: {  	[smem:$0x3FA4] =	sst s3  }
0xc: {  	[smem:$0x3FA5] =	sst s4  }
0xd: {  	[smem:$0x3FA6] =	sst s5  }
0xe: {  	[smem:$0x3FA7] =	sst s6  }
0xf: {  	[smem:$0x3FA8] =	sst s7  }
0x10: {  	[smem:$0x3FA9] =	sst s8  }
0x11: {  	[smem:$0x3FAA] =	sst s9;
	s0 =	simm.s32 @!p0 $0x0  }
0x12: {  	s1 =	sld [smem:$0x3F90];
	s0 =	simm.s32 @p0 $0x1  }
0x13: {  	[smem:$0x3FAB] =	sst s0;
	s0 =	simm.s32 @!p1 $0x0  }
0x14: {  	s2 =	sld [smem:$0x3F8F];
	s0 =	simm.s32 @p1 $0x1  }
0x15: {  	[smem:$0x3FAC] =	sst s0;
	s0 =	simm.s32 @!p2 $0x0  }
0x16: {  	s3 =	sld [smem:$0x3FDB];
	s0 =	simm.s32 @p2 $0x1  }
0x17: {  	s4 =	simm.s32 $0x1BF5;
	[smem:$0x3FAE] =	sst s0  }
0x18: {  	s0 =	sld [smem:$0x3F91];
	_ =	swait.ge [sflag:s4], $0x0  }
0x19: {  	s7 =	sld [smem:$0x3F92]  }
0x1a: {  	s8 =	sadd.s32 $0xFFFFE003, lr  }
0x1b: {  	s9 =	sadd.s32 $0xFFFFFEF7, lr;
	s5 =	simm.s32 $0xFFFFFFFF;
	p2 =	slt.u32 s8, $0xFFFFF086  }
0x1c: {  	p1 =	slt.u32 s9, $0xF7A;
	s5 =	simm.s32 @!p2 $0x0  }
0x1d: {  	s5 =	simm.s32 @p1 $0x1;
	p0 =	seq.s32 s7, s2  }
0x1e: {  	s7 =	smul.u32 @!p0 $0xF7A, s2;
	p2 =	seq.s32 @!p0 s5, $0x0  }
0x1f: {  	s9 =	smul.u32 $0xF7A, s1;
	s8 =	simm.s32 @!p0 $0x1BF5;
	p2 =	por !p2, p0  }
0x20: {  	[sflag:s8] =	ssyncset.s32 @!p0 $0xFFFFF086;
	s6 =	sadd.s32 @!p0 s3, s7;
	s7 =	simm.s32 @!p0 $0x108  }
0x21: {  	s3 =	sadd.s32 s3, s9;
	s6 =	sadd.s32 @!p0 $0x88, s6;
	s7 =	simm.s32 @p2 $0x1082  }
0x22: {  	[simem:s7], [sflag:s8] =	dma.local @!p0 [hbm:s6], $0xF7A  }
0x23: {  	s9 =	sor.u32 $0xD0000000, s2;
	s6 =	simm.s32 $0x108;
	_ =	swait.ge @!p0 [sflag:s8], $0x0  }
0x24: {  	s3 =	sadd.s32 $0x88, s3;
	s6 =	simm.s32 @!p1 $0x1082;
	[sflag:s4] =	ssyncset.s32 $0xFFFFF086  }
0x25: {  	[simem:s6], [sflag:s4] =	dma.local [hbm:s3], $0xF7A  }
0x26: {  	[smem:$0x3F92] =	sst s1;
	(tag) =	ssettag s2;
	_ =	strace s9  }
0x27: {  	s1 =	sld [smem:$0x3FA2]  }
0x28: {  	s2 =	sld [smem:$0x3FA3]  }
0x29: {  	s4 =	sld [smem:$0x3FA5]  }
0x2a: {  	p0 =	seq.s32 s5, $0x0;
	s5 =	sld [smem:$0x3FA6]  }
0x2b: {  	s6 =	sld [smem:$0x3FA7]  }
0x2c: {  	s7 =	sld [smem:$0x3FA8]  }
0x2d: {  	s3 =	simm.s32 $0x108;
	s8 =	sld [smem:$0x3FA9]  }
0x2e: {  	s3 =	simm.s32 @!p0 $0x1082;
	s9 =	sld [smem:$0x3FAA]  }
0x2f: {  	lr =	sadd.s32 s0, s3;
	s0 =	sld [smem:$0x3FA1]  }
0x30: {  	s3 =	sld [smem:$0x3FA4]  }
0x31: {  	[smem:$0x3FAD] =	sst s10  }
0x32: {  	s10 =	sld [smem:$0x3FAB];
	_ =	sdelay $0x3  }
0x33: {  	p0 =	seq.s32 s10, $0x1;
	s10 =	sld [smem:$0x3FAD];
	_ =	sdelay $0x3  }
0x34: {  	[smem:$0x3FAD] =	sst s10  }
0x35: {  	s10 =	sld [smem:$0x3FAC];
	_ =	sdelay $0x3  }
0x36: {  	p1 =	seq.s32 s10, $0x1;
	s10 =	sld [smem:$0x3FAD];
	_ =	sdelay $0x3  }
0x37: {  	[smem:$0x3FAD] =	sst s10  }
0x38: {  	s10 =	sld [smem:$0x3FAE]  }
0x39: {  	_ = 	snop;
	(pc) =	sbr.ind lr, $3  }
0x3a: {  	_ = 	snop  }
0x3b: {  	_ = 	snop  }
0x3c: {  	p2 =	seq.s32 s10, $0x1;
	s10 =	sld [smem:$0x3FAD]  }
0x3d: {  	_ =	shalt  }
0x3e: {  	_ =	shalt  }
0x3f: {  	_ =	shalt  }
0x40: {  	_ =	shalt  }
0x41: {  	_ =	shalt  }
0x42: {  	_ =	shalt  }
0x43: {  	_ =	shalt  }
0x44: {  	_ =	shalt  }
0x45: {  	_ =	shalt  }
0x46: {  	_ =	shalt  }
0x47: {  	_ =	shalt  }
0x48: {  	_ =	shalt  }
0x49: {  	_ =	shalt  }
0x4a: {  	_ =	shalt  }
0x4b: {  	_ =	shalt  }
0x4c: {  	_ =	shalt  }
0x4d: {  	_ =	shalt  }
0x4e: {  	_ =	shalt  }
0x4f: {  	_ =	shalt  }
0x50: {  	_ =	shalt  }
0x51: {  	_ =	shalt  }
0x52: {  	_ =	shalt  }
0x53: {  	_ =	shalt  }
0x54: {  	_ =	shalt  }
0x55: {  	_ =	shalt  }
0x56: {  	_ =	shalt  }
0x57: {  	_ =	shalt  }
0x58: {  	_ =	shalt  }
0x59: {  	_ =	shalt  }
0x5a: {  	_ =	shalt  }
0x5b: {  	_ =	shalt  }
0x5c: {  	_ =	shalt  }
0x5d: {  	_ =	shalt  }
0x5e: {  	_ =	shalt  }
0x5f: {  	_ =	shalt  }
0x60: {  	_ =	shalt  }
0x61: {  	_ =	shalt  }
0x62: {  	_ =	shalt  }
0x63: {  	_ =	shalt  }
0x64: {  	_ =	shalt  }
0x65: {  	_ =	shalt  }
0x66: {  	_ =	shalt  }
0x67: {  	_ =	shalt  }
0x68: {  	_ =	shalt  }
0x69: {  	_ =	shalt  }
0x6a: {  	_ =	shalt  }
0x6b: {  	_ =	shalt  }
0x6c: {  	_ =	shalt  }
0x6d: {  	_ =	shalt  }
0x6e: {  	_ =	shalt  }
0x6f: {  	_ =	shalt  }
0x70: {  	_ =	shalt  }
0x71: {  	_ =	shalt  }
0x72: {  	_ =	shalt  }
0x73: {  	_ =	shalt  }
0x74: {  	_ =	shalt  }
0x75: {  	_ =	shalt  }
0x76: {  	_ =	shalt  }
0x77: {  	_ =	shalt  }
0x78: {  	_ =	shalt  }
0x79: {  	_ =	shalt  }
0x7a: {  	_ =	shalt  }
0x7b: {  	_ =	shalt  }
0x7c: {  	_ =	shalt  }
0x7d: {  	_ =	shalt  }
0x7e: {  	_ =	shalt  }
0x7f: {  	_ =	shalt  }
0x80: {  	_ =	shalt  }
0x81: {  	_ =	shalt  }
0x82: {  	_ =	shalt  }
0x83: {  	_ =	shalt  }
0x84: {  	_ =	shalt  }
0x85: {  	_ =	shalt  }
0x86: {  	_ =	shalt  }
0x87: {  	_ =	shalt  }
.Lfunc_end0:
.L_simem_size_0:
called_computation_lowered:
.L_overlay_start_0:
0x88: {  	s2 =	sld [smem:$0x3FD9]  }
0x89: {  	s3 =	sld [smem:$0x3FFE];
	_ =	sdelay $0x1  }
0x8a: {  	s1 =	srdreg.scid  }
0x8b: {  	s0 =	sand.u32 $0x1, s1  }
0x8c: {  	s17 =	sshll.u32 s0, $0xA;
	s2 =	sadd.s32 s3, s2  }
0x8d: {  	s2 =	sadd.s32 s2, s17  }
0x8e: {  	[smem:$0x3FB9] =	sst s2  }
0x8f: {  	_ = 	snop  }
0x90: {  	(tm) =	ssettm $0x1  }
0x91: {  	s18 =	sld [smem:$0x3FFB];
	_ =	sdelay $0x3  }
0x92: {  	_ =	strace s18  }
0x93: {  	s2 =	sld [smem:$0x3FFC];
	_ =	sdelay $0x3  }
0x94: {  	_ =	strace s2  }
0x95: {  	s2 =	sld [smem:$0x3FFD];
	_ =	sdelay $0x3  }
0x96: {  	_ =	strace s2  }
0x97: {  	_ =	strace $0x8FFFFFFF  }
0x98: {  	s19 =	sld [smem:$0x3FDB];
	_ =	sdelay $0x1  }
0x99: {  	s20 =	simm.s32 $_scs_section_size  }
0x9a: {  	s4 =	simm.s32 $_size__tile_overlayer_lowered;
	s5 =	simm.s32 $_tile_overlayer_lowered  }
0x9b: {  	s6 =	simm.s32 $0x1BFF;
	s21 =	sshll.u32 s5, $0x1;
	s3 =	sadd.s32 s20, s19  }
0x9c: {  	s22 =	simm.s32 $0x0;
	s4 =	sshll.u32 s4, $0x1;
	s5 =	sadd.s32 s21, s3  }
0x9d: {  	[timem:s22], [sflag:s6] =	dma.local [hbm:s5], s4  }
0x9e: {  	_ =	swait.ge [sflag:s6], s4  }
0x9f: {  	s4 =	ssub.s32 $0x0, s4;
	[sflag:s6] =	ssyncset.done $0x0  }
0xa0: {  	[sflag:s6] =	ssyncadd.s32 s4;
	_ =	sdelay $0x1  }
0xa1: {  	s23 =	simm.s32 $0x1B8B  }
0xa2: {  	_ =	swait.ge [sflag:s23], $0x1  }
0xa3: {  	[sflag:s23] =	ssyncset.done $0x0  }
0xa4: {  	[sflag:s23] =	ssyncadd.s32 $0xFFFFFFFF  }
0xa5: {  	s4 =	sld [smem:$0x0]  }
0xa6: {  	s5 =	sand.u32 $0xFFFFFFFE, s1  }
0xa7: {  	p0 =	sne.s32 s1, s5  }
0xa8: {  	s5 =	sshll.u32 @p0 s5, $0xE  }
0xa9: {  	s5 =	sadd.s32 @p0 $0x11B8D, s5;
	s6 =	sshll.u32 @p0 s4, $0x11  }
0xaa: {  	s5 =	sor.u32 @p0 s6, s5  }
0xab: {  	[sflag:s5] =	ssyncadd.remote.s32 @p0 $0x1;
	_ =	sdelay $0x1  }
0xac: {  	s5 =	simm.s32 @p0 $0x1B8D  }
0xad: {  	_ =	swait.eq @p0 [sflag:s5], $0x1  }
0xae: {  	[sflag:s5] =	ssyncadd.s32 @p0 $0xFFFFFFFF  }
0xaf: {  	s6 =	sshll.u32 @!p0 s1, $0xE  }
0xb0: {  	s6 =	sor.u32 @!p0 $0x4000, s6;
	s5 =	simm.s32 @!p0 $0x1B8D  }
0xb1: {  	s4 =	sshll.u32 @!p0 s4, $0x11;
	s6 =	sadd.s32 @!p0 $0x11B8D, s6;
	_ =	swait.eq @!p0 [sflag:s5], $0x1  }
0xb2: {  	s4 =	sor.u32 @!p0 s4, s6;
	[sflag:s5] =	ssyncadd.s32 @!p0 $0xFFFFFFFF  }
0xb3: {  	s25 =	simm.s32 $0x1B8E;
	s24 =	sld [smem:$0x3FFE];
	[sflag:s4] =	ssyncadd.remote.s32 @!p0 $0x1  }
0xb4: {  	s26 =	simm.s32 $execute0_lowered;
	[smem:$0x3FD2] =	sst s25  }
0xb5: {  	s5 =	sshll.u32 s26, $0x1;
	_ =	strace $0x80000049;
	[dreg:$0x1] =	wrdreg $0xFFFFFFFF  }
0xb6: {  	s28 =	simm.s32 $_size_execute0_lowered;
	s3 =	sadd.s32 s3, s5;
	[dreg:$0x0] =	wrdreg $0x0  }
0xb7: {  	s5 =	sshll.u32 s28, $0x1;
	[dreg:$0x2] =	wrdreg s3  }
0xb8: {  	[dreg:$0x3] =	wrdreg s5  }
0xb9: {  	[dreg:$0x4] =	wrdreg $0xC0  }
0xba: {  	_ =	task [dreg:s22], $0x5FFFF  }
0xbb: {  	[dreg:$0x1] =	wrdreg $0xFFFFFFFF  }
0xbc: {  	[dreg:$0x0] =	wrdreg $0x60  }
0xbd: {  	[dreg:$0x2] =	wrdreg s24  }
0xbe: {  	[dreg:$0x3] =	wrdreg $0x68000  }
0xbf: {  	[dreg:$0x4] =	wrdreg $0x9  }
0xc0: {  	_ =	task.clear_ibuf [dreg:s22], $0x5FFFF;
	_ =	strace $0x90000049  }
0xc1: {  	s29 =	simm.s32 $0x9;
	_ =	strace $0x8000004B  }
0xc2: {  	_ =	swait.ge [sflag:s29], $0x1  }
0xc3: {  	[sflag:s29] =	ssyncadd.s32 $0xFFFFFFFF  }
0xc4: {  	_ =	strace $0x9000004B  }
0xc5: {  	_ =	sfence  }
0xc6: {  	s30 =	sld [smem:$0x0];
	_ =	sdelay $0x2  }
0xc7: {  	s31 =	sshll.u32 s1, $0xD;
	s1 =	sshrl.u32 s1, $0x2  }
0xc8: {  	s4 =	sand.u32 $0x4000, s31;
	s1 =	sadd.s32 s1, s30  }
0xc9: {  	s0 =	sor.u32 s4, s0;
	s1 =	sshll.u32 s1, $0x11  }
0xca: {  	s0 =	sor.u32 s1, s0  }
0xcb: {  	s0 =	sadd.s32 $0x8F2B, s0  }
0xcc: {  	[sflag:s0] =	ssyncadd.remote.s32 $0x1  }
0xcd: {  	_ =	sfence.sel $0xFFFF  }
0xce: {  	[dreg:$0x0] =	wrdreg $0xFFFFFFFF;
	(pc) =	sbr.abs _section_cstart, $3  }
0xcf: {  	[dreg:$0x1] =	wrdreg $0xFFFFFFFF  }
0xd0: {  	_ =	task.clear_ibuf [dreg:s22], $0x2FFFF;
	_ =	strace $0x9FFFFFFF  }
0xd1: {  	(tm) =	ssettm $0x7FFFFFFF  }
tec
execute0_lowered:
.L_overlay_start_1:
0x0: {  	(tag) =	ssettag $0x1  }
0x1: {  	s0 =	srdreg.scid;
	s5 =	rddreg [dreg:$0x0]  }
0x2: {  	s2 =	rddreg [dreg:$0x1];
	s4 =	sand.u32 $0x1, s0  }
0x3: {  	s3 =	simm.s32 $0x0;
	s0 =	stileid.u32;
	s7 =	smul.u32 $0x140000, s4  }
0x4: {  	s13 =	simm.s32 $0x1;
	s14 =	simm.s32 $0x80;
	s8 =	smul.u32 $0x14000, s0  }
0x5: {  	[smem:$0x7FF] =	sst s3;
	s1 =	sshll.u32 s4, $0x4;
	s9 =	smul.u32 $0x50000, s0  }
0x6: {  	s29 =	ssub.s32 $0x2, s4;
	s15 =	sshll.u32 s0, $0x6;
	s1 =	sor.u32 s0, s1  }
0x7: {  	s31 =	sshrl.u32 s29, $0x1;
	s15 =	sor.u32 $0x1C01, s15;
	s6 =	smul.u32 $0x500, s1  }
0x8: {  	s1 =	rddreg [dreg:$0x2];
	_ =	strace $0x8000004A;
	s30 =	sshrl.u32 s9, $0x2  }
0x9: {  	s28 =	sadd.s32 s8, s7;
	s12 =	ssub.s32 s29, s31;
	s4 =	sadd.s32 s30, s2  }
0xa: {  	s10 =	sadd.s32 s6, s5;
	s6 =	sshrl.u32 s28, $0x3;
	s7 =	sadd.s32 $0xC000, s4  }
0xb: {  	s8 =	sadd.s32 $0x10000, s4;
	s16 =	sshrl.u32 s4, $0x3;
	s11 =	sadd.s32 s6, s5  }
0xc: {  	s5 =	sadd.s32 $0x4000, s4;
	s6 =	sadd.s32 $0x8000, s4;
	s9 =	sadd.s32 $0x3600, s10  }
0xd: {  	v0 =	vimm.f32 $0.0e+00;
	v1 =	vimm.f32 $1.000000000e+00;
	s10 =	sadd.s32 $0x8F600, s11;
	s11 =	smax.u32 s12, $0x1;
	s12 =	simm.s32 $0x2800  }
.LBB2_1:
0xe: {  	s17 =	simm.s32 $0x0;
	s18 =	simm.s32 $0x200  }
.LBB2_2:
0xf: {  	p0 =	sne.s32 s18, $0xFE00;
	[tilespmem:s17+$0x2870] =	vst v0  }
0x10: {  	[tilespmem:s17+$0x2800] =	vst v0  }
0x11: {  	[tilespmem:s17+$0x2810] =	vst v0  }
.Ltmp0:
0x12: {  	[tilespmem:s17+$0x2820] =	vst v0;
	(pc) =	sbr.rel @p0 .LBB2_2-.Ltmp0, $4  }
0x13: {  	[tilespmem:s17+$0x2830] =	vst v0  }
0x14: {  	[tilespmem:s17+$0x2840] =	vst v0  }
0x15: {  	[tilespmem:s17+$0x2850] =	vst v0  }
0x16: {  	[tilespmem:s17+$0x2860] =	vst v0;
	s17 =	sshra.s32 s18, $0x2;
	s18 =	sadd.s32 $0x200, s18  }
0x17: {  	[tilespmem:s17+$0x2870] =	vst v0  }
0x18: {  	[tilespmem:s17+$0x2800] =	vst v0  }
0x19: {  	[tilespmem:s17+$0x2810] =	vst v0  }
0x1a: {  	[tilespmem:s17+$0x2820] =	vst v0  }
0x1b: {  	[tilespmem:s17+$0x2830] =	vst v0  }
0x1c: {  	[tilespmem:s17+$0x2840] =	vst v0  }
0x1d: {  	[tilespmem:s17+$0x2850] =	vst v0  }
0x1e: {  	[tilespmem:s17+$0x2860] =	vst v0  }
0x1f: {  	[spmem:s4] =	stream.linear.scatter [tilespmem:s12], [sflag:$0x1], $0x4000, $0x38;
	[tilespmem:$0x1A800] =	vst v63  }
0x20: {  	_ =	swait.ge [sflag:s13], $0x4000  }
0x21: {  	[sflag:s13] =	ssyncset.done $0x0  }
0x22: {  	[sflag:s13] =	ssyncadd.s32 $0xFFFFC000  }
0x23: {  	[spmem:s5] =	stream.linear.scatter [tilespmem:s12], [sflag:$0x1], $0x4000, $0x38;
	[tilespmem:$0x1A800] =	vst v63  }
0x24: {  	_ =	swait.ge [sflag:s13], $0x4000  }
0x25: {  	[sflag:s13] =	ssyncset.done $0x0  }
0x26: {  	[sflag:s13] =	ssyncadd.s32 $0xFFFFC000  }
0x27: {  	[spmem:s6] =	stream.linear.scatter [tilespmem:s12], [sflag:$0x1], $0x4000, $0x38;
	[tilespmem:$0x1A800] =	vst v63  }
0x28: {  	_ =	swait.ge [sflag:s13], $0x4000  }
0x29: {  	[sflag:s13] =	ssyncset.done $0x0  }
0x2a: {  	[sflag:s13] =	ssyncadd.s32 $0xFFFFC000  }
0x2b: {  	[spmem:s7] =	stream.linear.scatter [tilespmem:s12], [sflag:$0x1], $0x4000, $0x38;
	[tilespmem:$0x1A800] =	vst v63  }
0x2c: {  	_ =	swait.ge [sflag:s13], $0x4000  }
0x2d: {  	[sflag:s13] =	ssyncset.done $0x0  }
0x2e: {  	[sflag:s13] =	ssyncadd.s32 $0xFFFFC000  }
0x2f: {  	[spmem:s8] =	stream.linear.scatter [tilespmem:s12], [sflag:$0x1], $0x4000, $0x38;
	[tilespmem:$0x1A800] =	vst v63  }
0x30: {  	_ =	swait.ge [sflag:s13], $0x4000  }
0x31: {  	[sflag:s13] =	ssyncset.done $0x0  }
0x32: {  	[sflag:s13] =	ssyncadd.s32 $0xFFFFC000  }
0x33: {  	s17 =	simm.s32 $0x0;
	s18 =	simm.s32 $0x200;
	[bflag:$0x0] =	sbarrier.arrive $0xFFFF  }
.LBB2_4:
0x34: {  	p0 =	sne.s32 s18, $0xFE00;
	[tilespmem:s17+$0x2870] =	vst v1  }
0x35: {  	[tilespmem:s17+$0x2800] =	vst v1  }
0x36: {  	[tilespmem:s17+$0x2810] =	vst v1  }
.Ltmp1:
0x37: {  	[tilespmem:s17+$0x2820] =	vst v1;
	(pc) =	sbr.rel @p0 .LBB2_4-.Ltmp1, $4  }
0x38: {  	[tilespmem:s17+$0x2830] =	vst v1  }
0x39: {  	[tilespmem:s17+$0x2840] =	vst v1  }
0x3a: {  	[tilespmem:s17+$0x2850] =	vst v1  }
0x3b: {  	[tilespmem:s17+$0x2860] =	vst v1;
	s17 =	sshra.s32 s18, $0x2;
	s18 =	sadd.s32 $0x200, s18  }
0x3c: {  	[tilespmem:s17+$0x2870] =	vst v1  }
0x3d: {  	[tilespmem:s17+$0x2800] =	vst v1  }
0x3e: {  	[tilespmem:s17+$0x2810] =	vst v1  }
0x3f: {  	[tilespmem:s17+$0x2820] =	vst v1  }
0x40: {  	[tilespmem:s17+$0x2830] =	vst v1  }
0x41: {  	[tilespmem:s17+$0x2840] =	vst v1  }
0x42: {  	[tilespmem:s17+$0x2850] =	vst v1  }
0x43: {  	[tilespmem:s17+$0x2860] =	vst v1;
	s30 =	simm.s32 $0x0  }
0x44: {  	[tilespmem:s30], [sflag:$0x1] =	stream.linear.gather [hbm4b:s9+s30], $0x2780, $0x38;
	[tilespmem:$0x1A800] =	vst v63  }
0x45: {  	_ =	swait.ge [sflag:s13], $0x2780  }
0x46: {  	[sflag:s13] =	ssyncset.done $0x0  }
0x47: {  	s31 =	simm.s32 $0x0;
	[sflag:s13] =	ssyncadd.s32 $0xFFFFD880  }
0x48: {  	[spmem:s2] =	stream.indirect.scatter.add.f32 [tilespmem:s12], [sflag:$0x1], $0x80, s31, s14, $0xb8;
	[tilespmem:$0x1A800] =	vst v63  }
0x49: {  	_ =	swait.ge [sflag:s13], $0x4000  }
0x4a: {  	s17 =	simm.s32 $0x200;
	[sflag:s13] =	ssyncset.done $0x0  }
.LBB2_6:
0x4b: {  	s18 =	sshra.s32 s17, $0x2;
	[sflag:s13] =	ssyncadd.s32 $0xFFFFC000;
	p0 =	sne.s32 s17, $0x9C00  }
0x4c: {  	[spmem:s2] =	stream.indirect.scatter.add.f32 [tilespmem:s12], [sflag:$0x1], $0x80, s18, s14, $0xb8;
	[tilespmem:$0x1A800] =	vst v63  }
.Ltmp2:
0x4d: {  	_ = 	snop;
	(pc) =	sbr.rel @p0 .LBB2_6-.Ltmp2, $4  }
0x4e: {  	_ = 	snop  }
0x4f: {  	s17 =	sadd.s32 $0x200, s17  }
0x50: {  	_ =	swait.ge [sflag:s13], $0x4000  }
0x51: {  	[sflag:s13] =	ssyncset.done $0x0  }
0x52: {  	s3 =	sadd.s32 $0x1, s3  }
0x53: {  	[sflag:s13] =	ssyncadd.s32 $0xFFFFC000;
	p0 =	sne.s32 s3, s11  }
.Ltmp3:
0x54: {  	[bflag:$0x0] =	sbarrier.arrive $0xFFFF;
	(pc) =	sbr.rel @p0 .LBB2_1-.Ltmp3, $4  }
0x55: {  	[hbm:s10], [sflag:s15] =	dma.local [spmem:s16], $0x2800  }
0x56: {  	_ =	swait.ge [sflag:s13], $0x2800  }
0x57: {  	[sflag:s13] =	ssyncset.done $0x0  }
0x58: {  	[sflag:s13] =	ssyncadd.s32 $0xFFFFD800  }
0x59: {  	_ =	sfence.sel $0x180000  }
0x5a: {  	[bflag:$0x0] =	sbarrier.arrive $0xFFFF  }
0x5b: {  	p0 =	sne.s32 s0, $0x0;
	_ =	strace $0x9000004A  }
0x5c: {  	s0 =	sadd.s32 @!p0 $0x100000, s1;
	[bflag:$0x2] =	sbarrier.arrive $0xFFFF  }
0x5d: {  	[sflag:s0] =	ssyncadd.tile.s32 @!p0 $0x1;
	_ =	shalt  }
.Lfunc_end2:
_tile_overlayer_lowered:
.L_overlay_start_2:
0x5e: {  	(tag) =	ssettag $0x2  }
0x5f: {  	s0 =	rddreg [dreg:$0x0];
	s2 =	stileid.u32  }
0x60: {  	s1 =	rddreg [dreg:$0x1];
	p0 =	sne.s32 s2, $0x0  }
0x61: {  	s3 =	rddreg [dreg:$0x2];
	[bflag:$0x3] =	sbarrier.arrive $0xFFFF;
	s2 =	simm.s32 @!p0 $0x1C01  }
0x62: {  	[timem:s3], [sflag:s2] =	dma.local @!p0 [hbm:s0], s1  }
0x63: {  	s0 =	simm.s32 @!p0 $0x1  }
0x64: {  	_ =	swait.ge @!p0 [sflag:s0], s1  }
0x65: {  	s1 =	ssub.s32 @!p0 $0x0, s1;
	[sflag:s0] =	ssyncset.done @!p0 $0x0  }
0x66: {  	[sflag:s0] =	ssyncadd.s32 @!p0 s1  }
0x67: {  	[bflag:$0x3] =	sbarrier.arrive $0xFFFF  }
0x68: {  	_ =	shalt  }

</sc_bundles>
